<compile_context>
chip_gen: v7x
topology: tpu7x:2x2x1
jax: 0.10.2.dev20260603
libtpu: 0.0.44.dev20260713+nightly
codegen_flags: <defaults>
</compile_context>

<pallas_src>
import functools

import jax
import jax.numpy as jnp
import numpy as np
from jax import lax
from jax.experimental import pallas as pl
from jax.experimental.pallas import tpu as pltpu
from jax.experimental.pallas import tpu_sc as plsc

RSQ = np.float32(0.2 ** 2)
NNB = 64
NC = 2
NS = 16
NW = NC * NS



def _tc_body(posT_r, cent_r, bp_r, tri_r, o_r, m_r, *, N, SBLK, W):
    p3n = posT_r[0]
    cidx = cent_r[0]
    onehot = (lax.broadcasted_iota(jnp.int32, (SBLK, N), 1) == cidx)
    cen = lax.dot_general(onehot.astype(jnp.float32), p3n,
                          (((1,), (1,)), ((), ())),
                          preferred_element_type=jnp.float32)
    cp = lax.dot_general(cen, p3n, (((1,), (0,)), ((), ())),
                         preferred_element_type=jnp.float32)
    cn = cen[:, 0:1] * cen[:, 0:1] + cen[:, 1:2] * cen[:, 1:2] + cen[:, 2:3] * cen[:, 2:3]
    pn = p3n[0:1] * p3n[0:1] + p3n[1:2] * p3n[1:2] + p3n[2:3] * p3n[2:3]
    dist = -2.0 * cp
    dist = dist + cn
    dist = dist + pn
    maskf = (dist <= RSQ).astype(jnp.bfloat16)

    cm = lax.dot_general(maskf, bp_r[...], (((1,), (0,)), ((), ())),
                         preferred_element_type=jnp.float32)
    counts = cm[:, 0:W]
    mwords = cm[:, W:2 * W]
    off = lax.dot_general(counts.astype(jnp.bfloat16), tri_r[...],
                          (((1,), (0,)), ((), ())),
                          preferred_element_type=jnp.float32)
    o_r[...] = off.astype(jnp.int32)
    m_r[...] = mwords.astype(jnp.int32)


def _tc_stats(posT, centroids):
    B, _, N = posT.shape
    S = centroids.shape[1]
    SBLK = 256
    W = N // 16
    NSB = S // SBLK
    cent3 = centroids.reshape(B * NSB, SBLK, 1)

    ii = lax.broadcasted_iota(jnp.int32, (N, W), 0)
    iw = lax.broadcasted_iota(jnp.int32, (N, W), 1)
    sel = (ii >> 4) == iw
    bd = sel.astype(jnp.bfloat16)
    pw = jnp.where(sel, jnp.int32(1) << (ii & 15),
                   jnp.int32(0)).astype(jnp.bfloat16)
    bp = jnp.concatenate([bd, pw], axis=1)
    iu = lax.broadcasted_iota(jnp.int32, (W, W), 0)
    it = lax.broadcasted_iota(jnp.int32, (W, W), 1)
    tri = (iu <= it).astype(jnp.bfloat16)

    return pl.pallas_call(
        functools.partial(_tc_body, N=N, SBLK=SBLK, W=W),
        grid=(B, NSB),
        in_specs=[
            pl.BlockSpec((1, 3, N), lambda b, s: (b, 0, 0)),
            pl.BlockSpec((1, SBLK, 1), lambda b, s: (b * NSB + s, 0, 0)),
            pl.BlockSpec((N, 2 * W), lambda b, s: (0, 0)),
            pl.BlockSpec((W, W), lambda b, s: (0, 0)),
        ],
        out_specs=[
            pl.BlockSpec((SBLK, W), lambda b, s: (b * NSB + s, 0)),
            pl.BlockSpec((SBLK, W), lambda b, s: (b * NSB + s, 0)),
        ],
        out_shape=[
            jax.ShapeDtypeStruct((B * S, W), jnp.int32),
            jax.ShapeDtypeStruct((B * S, W), jnp.int32),
        ],
    )(posT, cent3, bp, tri)



def _popcount16(x):
    x = x - ((x >> 1) & 0x5555)
    x = (x & 0x3333) + ((x >> 2) & 0x3333)
    x = (x + (x >> 4)) & 0x0F0F
    return (x + (x >> 8)) & 0x1F


def _sc_extract_body(o_hbm, m_hbm, outf, ob0, ob1, mb0, mb1, outbuf, sem0, sem1,
                     *, W, ROWS, CB):
    wid = lax.axis_index("s") * NC + lax.axis_index("c")
    base_row = wid * ROWS
    nchunks = ROWS // CB
    iota16 = lax.iota(jnp.int32, 16)
    jis = [iota16 + 16 * t for t in range(NNB // 16)]

    def start(c, ob, mb, sem):
        pltpu.async_copy(o_hbm.at[pl.ds(base_row + c * CB, CB)], ob, sem)
        pltpu.async_copy(m_hbm.at[pl.ds(base_row + c * CB, CB)], mb, sem)

    def waitc(c, ob, mb, sem):
        pltpu.make_async_copy(
            o_hbm.at[pl.ds(base_row + c * CB, CB)], ob, sem).wait()
        pltpu.make_async_copy(
            m_hbm.at[pl.ds(base_row + c * CB, CB)], mb, sem).wait()

    start(0, ob0, mb0, sem0)

    def row_body(ob, mb, c, r):
        rr = c * CB + r
        rsplat = jnp.full((16,), r, jnp.int32)
        total = plsc.load_gather(ob, [rsplat, jnp.full((16,), W - 1, jnp.int32)])
        ps = []
        for t in range(NNB // 16):
            j = jis[t]
            k = jnp.zeros((16,), jnp.int32)
            step = W // 2
            while step >= 1:
                g = plsc.load_gather(ob, [rsplat, k + (step - 1)])
                k = k + jnp.where(g <= j, jnp.int32(step), jnp.int32(0))
                step //= 2
            prev = plsc.load_gather(ob, [rsplat, jnp.maximum(k - 1, 0)])
            m = j - jnp.where(k == 0, jnp.int32(0), prev)
            w = plsc.load_gather(mb, [rsplat, k])
            q = jnp.zeros((16,), jnp.int32)
            s2 = 8
            while s2 >= 1:
                pref = w & ((jnp.int32(2) << (q + (s2 - 1))) - 1)
                a = _popcount16(pref)
                q = q + jnp.where(a <= m, jnp.int32(s2), jnp.int32(0))
                s2 //= 2
            ps.append(k * 16 + q)
        first = jnp.broadcast_to(jnp.min(ps[0]), (16,))
        for t in range(NNB // 16):
            outv = jnp.where(jis[t] >= total, first, ps[t])
            outbuf[pl.ds(rr * NNB + 16 * t, 16)] = outv

    def chunk_body(c, _):
        def stage(cur_o, cur_m, nxt_o, nxt_m, cur_sem, nxt_sem):
            @pl.when(c + 1 < nchunks)
            def _():
                start(c + 1, nxt_o, nxt_m, nxt_sem)
            waitc(c, cur_o, cur_m, cur_sem)
            lax.fori_loop(0, CB, lambda r, _: row_body(cur_o, cur_m, c, r), None)

        @pl.when(c % 2 == 0)
        def _():
            stage(ob0, mb0, ob1, mb1, sem0, sem1)

        @pl.when(c % 2 == 1)
        def _():
            stage(ob1, mb1, ob0, mb0, sem1, sem0)
        return 0

    lax.fori_loop(0, nchunks, chunk_body, 0)
    pltpu.sync_copy(outbuf, outf.at[pl.ds(base_row * NNB, ROWS * NNB)])


def _sc_extract(O, M, B, S, N):
    W = N // 16
    ROWS = (B * S) // NW
    CB = 64
    mesh = plsc.VectorSubcoreMesh(core_axis_name="c", subcore_axis_name="s")
    k = functools.partial(
        pl.kernel,
        mesh=mesh,
        out_type=jax.ShapeDtypeStruct((B * S * NNB,), jnp.int32),
        scratch_types=[
            pltpu.VMEM((CB, W), jnp.int32),
            pltpu.VMEM((CB, W), jnp.int32),
            pltpu.VMEM((CB, W), jnp.int32),
            pltpu.VMEM((CB, W), jnp.int32),
            pltpu.VMEM((ROWS * NNB,), jnp.int32),
            pltpu.SemaphoreType.DMA,
            pltpu.SemaphoreType.DMA,
        ],
        compiler_params=pltpu.CompilerParams(needs_layout_passes=False),
    )(functools.partial(_sc_extract_body, W=W, ROWS=ROWS, CB=CB))
    return k(O, M).reshape(B, S, NNB)


def kernel(pos, centroids):
    B, N, _ = pos.shape
    S = centroids.shape[1]
    posT = jnp.transpose(pos, (0, 2, 1))
    O, M = _tc_stats(posT, centroids.astype(jnp.int32))
    return _sc_extract(O, M, B, S, N)

# --- scband reference (transcript-rebuilt; emitter-appended) ---
"""Pipeline reference for scband-fixed-radius-near-neighbors-3324304687804 (READ-ONLY COPY).

The authoritative reference and input builder live on the scoring server;
editing this copy changes nothing except your own understanding.
"""

import jax, jax.numpy as jnp
import numpy as np

RADIUS = 0.2
N_NEIGHBOR = 64


def setup_inputs(seed: int = 0) -> dict:
    key = jax.random.key(seed)
    k1, k2 = jax.random.split(key)
    pos = jax.random.uniform(k1, (8, 4096, 3), dtype=jnp.float32)
    centroids = jax.random.randint(k2, (8, 1024), 0, 4096, dtype=jnp.int32)
    return {"pos": pos, "centroids": centroids}


def reference(pos, centroids):
    B, N, _ = pos.shape
    S = centroids.shape[1]
    # index_points: gather centroid coordinates
    center_pos = jnp.take_along_axis(pos, centroids[..., None].astype(jnp.int32), axis=1)  # [B, S, 3]
    # square_distance(center_pos, pos)
    dist = -2.0 * jnp.matmul(center_pos, jnp.transpose(pos, (0, 2, 1)))  # [B, S, N]
    dist = dist + jnp.sum(center_pos ** 2, axis=-1)[..., None]
    dist = dist + jnp.sum(pos ** 2, axis=-1)[:, None, :]
    group_idx = jnp.broadcast_to(jnp.arange(N, dtype=jnp.int32), (B, S, N))
    group_idx = jnp.where(dist > RADIUS ** 2, jnp.int32(N), group_idx)
    group_idx = jnp.sort(group_idx, axis=-1)[:, :, :N_NEIGHBOR]  # [B, S, n_neighbor]
    group_first = group_idx[:, :, 0:1]
    mask = group_idx == N
    group_idx = jnp.where(mask, jnp.broadcast_to(group_first, group_idx.shape), group_idx)
    return group_idx

if __name__ == "__main__":
    import jax
    _d = setup_inputs()
    print(jax.jit(kernel)(*tuple(_d.values())))

</pallas_src>

<mosaic_0001>
#map = affine_map<(d0, d1) -> (0, 0)>
#map1 = affine_map<(d0, d1) -> (0)>
module attributes {stable_mosaic.version = 14 : i64} {
  func.func @_sc_extract_body(%arg0: i32, %arg1: i32, %arg2: memref<8192x256xi32, #tpu.memory_space<hbm>>, %arg3: memref<8192x256xi32, #tpu.memory_space<hbm>>, %arg4: memref<524288xi32, #tpu.memory_space<hbm>>, %arg5: memref<64x256xi32, #tpu.memory_space<vmem>>, %arg6: memref<64x256xi32, #tpu.memory_space<vmem>>, %arg7: memref<64x256xi32, #tpu.memory_space<vmem>>, %arg8: memref<64x256xi32, #tpu.memory_space<vmem>>, %arg9: memref<16384xi32, #tpu.memory_space<vmem>>, %arg10: memref<!tpu.dma_semaphore, #tpu.memory_space<semaphore_mem>>, %arg11: memref<!tpu.dma_semaphore, #tpu.memory_space<semaphore_mem>>) attributes {dimension_semantics = [#tpu.dimension_semantics<core_parallel>, #tpu.dimension_semantics<subcore_parallel>], iteration_bounds = array<i64: 2, 16>, scalar_prefetch = 0 : i64, scratch_operands = 7 : i64, tpu.core_type = #tpu.core_type<sc_vector_subcore>, window_params = [{transform_indices = #map}, {transform_indices = #map}, {transform_indices = #map1}]} {
    %mul3A = arith.constant 2 : i32
    %mul3A_0 = arith.muli %arg1, %mul3A : i32
    %add3A = arith.addi %mul3A_0, %arg0 : i32
    %mul3A_1 = arith.constant 256 : i32
    %mul3A_2 = arith.muli %add3A, %mul3A_1 : i32
    %iota3A = tpu.iota {dimensions = array<i32: 0>} : vector<16xi32>
    %add3A_3 = arith.constant 0 : i32
    %add3A_4 = vector.broadcast %add3A_3 : i32 to vector<16xi32>
    %add3A_5 = arith.addi %iota3A, %add3A_4 : vector<16xi32>
    %add3A_6 = arith.constant 16 : i32
    %add3A_7 = vector.broadcast %add3A_6 : i32 to vector<16xi32>
    %add3A_8 = arith.addi %iota3A, %add3A_7 : vector<16xi32>
    %add3A_9 = arith.constant 32 : i32
    %add3A_10 = vector.broadcast %add3A_9 : i32 to vector<16xi32>
    %add3A_11 = arith.addi %iota3A, %add3A_10 : vector<16xi32>
    %add3A_12 = arith.constant 48 : i32
    %add3A_13 = vector.broadcast %add3A_12 : i32 to vector<16xi32>
    %add3A_14 = arith.addi %iota3A, %add3A_13 : vector<16xi32>
    %add3A_15 = arith.constant 0 : i32
    %add3A_16 = arith.addi %mul3A_2, %add3A_15 : i32
    %dma_start3A = arith.constant 0 : i32
    %dma_start3A_17 = tpu.memref_slice %arg2[%add3A_16, %dma_start3A] : memref<8192x256xi32, #tpu.memory_space<hbm>> -> memref<64x256xi32, #tpu.memory_space<hbm>>
    %dma_start3A_18 = arith.constant 0 : i32
    %dma_start3A_19 = tpu.memref_slice %arg2[%add3A_16, %dma_start3A_18] : memref<8192x256xi32, #tpu.memory_space<hbm>> -> memref<64x256xi32, #tpu.memory_space<hbm>>
    tpu.enqueue_dma source(%dma_start3A_19 : memref<64x256xi32, #tpu.memory_space<hbm>>) target(%arg5 : memref<64x256xi32, #tpu.memory_space<vmem>>) target_semaphore(%arg10 : memref<!tpu.dma_semaphore, #tpu.memory_space<semaphore_mem>>)
    %add3A_20 = arith.constant 0 : i32
    %add3A_21 = arith.addi %mul3A_2, %add3A_20 : i32
    %dma_start3A_22 = arith.constant 0 : i32
    %dma_start3A_23 = tpu.memref_slice %arg3[%add3A_21, %dma_start3A_22] : memref<8192x256xi32, #tpu.memory_space<hbm>> -> memref<64x256xi32, #tpu.memory_space<hbm>>
    %dma_start3A_24 = arith.constant 0 : i32
    %dma_start3A_25 = tpu.memref_slice %arg3[%add3A_21, %dma_start3A_24] : memref<8192x256xi32, #tpu.memory_space<hbm>> -> memref<64x256xi32, #tpu.memory_space<hbm>>
    tpu.enqueue_dma source(%dma_start3A_25 : memref<64x256xi32, #tpu.memory_space<hbm>>) target(%arg7 : memref<64x256xi32, #tpu.memory_space<vmem>>) target_semaphore(%arg10 : memref<!tpu.dma_semaphore, #tpu.memory_space<semaphore_mem>>)
    %scan3A = arith.constant 0 : i32
    %scan3A_26 = arith.constant 0 : i32
    %scan3A_27 = arith.constant 4 : i32
    %scan3A_28 = arith.addi %scan3A_26, %scan3A_27 : i32
    %scan3A_29 = arith.constant 1 : i32
    %scan3A_30 = scf.for %scan3A_34 = %scan3A_26 to %scan3A_28 step %scan3A_29 iter_args(%scan3A_35 = %scan3A) -> (i32)  : i32 {
      %jit3A = arith.constant 2 : i32
      %eq3A = arith.constant 0 : i32
      %eq3A_36 = arith.cmpi eq, %jit3A, %eq3A : i32
      %jit3A_37 = arith.constant 1 : i32
      %select_n3A = arith.select %eq3A_36, %jit3A_37, %jit3A : i32
      %rem3A = arith.remsi %scan3A_34, %select_n3A : i32
      %ne3A = arith.constant 0 : i32
      %ne3A_38 = arith.cmpi ne, %rem3A, %ne3A : i32
      %lt3A = arith.constant 0 : i32
      %lt3A_39 = arith.cmpi slt, %rem3A, %lt3A : i32
      %lt3A_40 = arith.constant 0 : i32
      %lt3A_41 = arith.cmpi slt, %select_n3A, %lt3A_40 : i32
      %ne3A_42 = arith.xori %lt3A_39, %lt3A_41 : i1
      %and3A = arith.andi %ne3A_42, %ne3A_38 : i1
      %add3A_43 = arith.addi %rem3A, %select_n3A : i32
      %select_n3A_44 = arith.select %and3A, %add3A_43, %rem3A : i32
      %eq3A_45 = arith.constant 0 : i32
      %eq3A_46 = arith.cmpi eq, %select_n3A_44, %eq3A_45 : i32
      %convert_element_type3A = arith.extui %eq3A_46 : i1 to i32
      %cond3A = arith.constant 0 : i32
      %cond3A_47 = arith.cmpi ne, %convert_element_type3A, %cond3A : i32
      scf.if %cond3A_47 {
        %add3A_70 = arith.constant 1 : i32
        %add3A_71 = arith.addi %scan3A_34, %add3A_70 : i32
        %lt3A_72 = arith.constant 4 : i32
        %lt3A_73 = arith.cmpi slt, %add3A_71, %lt3A_72 : i32
        %convert_element_type3A_74 = arith.extui %lt3A_73 : i1 to i32
        %cond3A_75 = arith.constant 0 : i32
        %cond3A_76 = arith.cmpi ne, %convert_element_type3A_74, %cond3A_75 : i32
        scf.if %cond3A_76 {
          %add3A_95 = arith.constant 1 : i32
          %add3A_96 = arith.addi %scan3A_34, %add3A_95 : i32
          %mul3A_97 = arith.constant 64 : i32
          %mul3A_98 = arith.muli %add3A_96, %mul3A_97 : i32
          %add3A_99 = arith.addi %mul3A_2, %mul3A_98 : i32
          %dma_start3A_100 = arith.constant 0 : i32
          %dma_start3A_101 = tpu.memref_slice %arg2[%add3A_99, %dma_start3A_100] : memref<8192x256xi32, #tpu.memory_space<hbm>> -> memref<64x256xi32, #tpu.memory_space<hbm>>
          %dma_start3A_102 = arith.constant 0 : i32
          %dma_start3A_103 = tpu.memref_slice %arg2[%add3A_99, %dma_start3A_102] : memref<8192x256xi32, #tpu.memory_space<hbm>> -> memref<64x256xi32, #tpu.memory_space<hbm>>
          tpu.enqueue_dma source(%dma_start3A_103 : memref<64x256xi32, #tpu.memory_space<hbm>>) target(%arg6 : memref<64x256xi32, #tpu.memory_space<vmem>>) target_semaphore(%arg11 : memref<!tpu.dma_semaphore, #tpu.memory_space<semaphore_mem>>)
          %mul3A_104 = arith.constant 64 : i32
          %mul3A_105 = arith.muli %add3A_96, %mul3A_104 : i32
          %add3A_106 = arith.addi %mul3A_2, %mul3A_105 : i32
          %dma_start3A_107 = arith.constant 0 : i32
          %dma_start3A_108 = tpu.memref_slice %arg3[%add3A_106, %dma_start3A_107] : memref<8192x256xi32, #tpu.memory_space<hbm>> -> memref<64x256xi32, #tpu.memory_space<hbm>>
          %dma_start3A_109 = arith.constant 0 : i32
          %dma_start3A_110 = tpu.memref_slice %arg3[%add3A_106, %dma_start3A_109] : memref<8192x256xi32, #tpu.memory_space<hbm>> -> memref<64x256xi32, #tpu.memory_space<hbm>>
          tpu.enqueue_dma source(%dma_start3A_110 : memref<64x256xi32, #tpu.memory_space<hbm>>) target(%arg8 : memref<64x256xi32, #tpu.memory_space<vmem>>) target_semaphore(%arg11 : memref<!tpu.dma_semaphore, #tpu.memory_space<semaphore_mem>>)
        } else {
        }
        %mul3A_77 = arith.constant 64 : i32
        %mul3A_78 = arith.muli %scan3A_34, %mul3A_77 : i32
        %add3A_79 = arith.addi %mul3A_2, %mul3A_78 : i32
        %dma_wait3A = arith.constant 0 : i32
        %dma_wait3A_80 = tpu.memref_slice %arg2[%add3A_79, %dma_wait3A] : memref<8192x256xi32, #tpu.memory_space<hbm>> -> memref<64x256xi32, #tpu.memory_space<hbm>>
        %dma_wait3A_81 = arith.constant 0 : i32
        %dma_wait3A_82 = tpu.memref_slice %arg2[%add3A_79, %dma_wait3A_81] : memref<8192x256xi32, #tpu.memory_space<hbm>> -> memref<64x256xi32, #tpu.memory_space<hbm>>
        tpu.wait_dma2 semaphore(%arg10 : memref<!tpu.dma_semaphore, #tpu.memory_space<semaphore_mem>>) src(%dma_wait3A_82 : memref<64x256xi32, #tpu.memory_space<hbm>>) dst(%arg5 : memref<64x256xi32, #tpu.memory_space<vmem>>)
        %mul3A_83 = arith.constant 64 : i32
        %mul3A_84 = arith.muli %scan3A_34, %mul3A_83 : i32
        %add3A_85 = arith.addi %mul3A_2, %mul3A_84 : i32
        %dma_wait3A_86 = arith.constant 0 : i32
        %dma_wait3A_87 = tpu.memref_slice %arg3[%add3A_85, %dma_wait3A_86] : memref<8192x256xi32, #tpu.memory_space<hbm>> -> memref<64x256xi32, #tpu.memory_space<hbm>>
        %dma_wait3A_88 = arith.constant 0 : i32
        %dma_wait3A_89 = tpu.memref_slice %arg3[%add3A_85, %dma_wait3A_88] : memref<8192x256xi32, #tpu.memory_space<hbm>> -> memref<64x256xi32, #tpu.memory_space<hbm>>
        tpu.wait_dma2 semaphore(%arg10 : memref<!tpu.dma_semaphore, #tpu.memory_space<semaphore_mem>>) src(%dma_wait3A_89 : memref<64x256xi32, #tpu.memory_space<hbm>>) dst(%arg7 : memref<64x256xi32, #tpu.memory_space<vmem>>)
        %scan3A_90 = arith.constant 0 : i32
        %scan3A_91 = arith.constant 64 : i32
        %scan3A_92 = arith.addi %scan3A_90, %scan3A_91 : i32
        %scan3A_93 = arith.constant 1 : i32
        scf.for %scan3A_95 = %scan3A_90 to %scan3A_92 step %scan3A_93  : i32 {
          %mul3A_96 = arith.constant 64 : i32
          %mul3A_97 = arith.muli %scan3A_34, %mul3A_96 : i32
          %add3A_98 = arith.addi %mul3A_97, %scan3A_95 : i32
          %broadcast_in_dim3A = vector.broadcast %scan3A_95 : i32 to vector<16xi32>
          %broadcast_in_dim3A_99 = arith.constant 255 : i32
          %broadcast_in_dim3A_100 = vector.broadcast %broadcast_in_dim3A_99 : i32 to vector<16xi32>
          %gather3A = tpu.vector_load_idx %arg5[%broadcast_in_dim3A, %broadcast_in_dim3A_100] : memref<64x256xi32, #tpu.memory_space<vmem>>[vector<16xi32>, vector<16xi32>], vector<16xi32>,
          %broadcast_in_dim3A_101 = arith.constant 0 : i32
          %broadcast_in_dim3A_102 = vector.broadcast %broadcast_in_dim3A_101 : i32 to vector<16xi32>
          %add3A_103 = arith.constant 127 : i32
          %add3A_104 = vector.broadcast %add3A_103 : i32 to vector<16xi32>
          %add3A_105 = arith.addi %broadcast_in_dim3A_102, %add3A_104 : vector<16xi32>
          %gather3A_106 = tpu.vector_load_idx %arg5[%broadcast_in_dim3A, %add3A_105] : memref<64x256xi32, #tpu.memory_space<vmem>>[vector<16xi32>, vector<16xi32>], vector<16xi32>,
          %le3A = arith.cmpi sle, %gather3A_106, %add3A_5 : vector<16xi32>
          %jit3A_107 = arith.constant 128 : i32
          %jit3A_108 = arith.constant 0 : i32
          %broadcast_in_dim3A_109 = vector.broadcast %jit3A_107 : i32 to vector<16xi32>
          %broadcast_in_dim3A_110 = vector.broadcast %jit3A_108 : i32 to vector<16xi32>
          %select_n3A_111 = arith.select %le3A, %broadcast_in_dim3A_109, %broadcast_in_dim3A_110 : vector<16xi1>, vector<16xi32>
          %add3A_112 = arith.addi %broadcast_in_dim3A_102, %select_n3A_111 : vector<16xi32>
          %add3A_113 = arith.constant 63 : i32
          %add3A_114 = vector.broadcast %add3A_113 : i32 to vector<16xi32>
          %add3A_115 = arith.addi %add3A_112, %add3A_114 : vector<16xi32>
          %gather3A_116 = tpu.vector_load_idx %arg5[%broadcast_in_dim3A, %add3A_115] : memref<64x256xi32, #tpu.memory_space<vmem>>[vector<16xi32>, vector<16xi32>], vector<16xi32>,
          %le3A_117 = arith.cmpi sle, %gather3A_116, %add3A_5 : vector<16xi32>
          %jit3A_118 = arith.constant 64 : i32
          %jit3A_119 = arith.constant 0 : i32
          %broadcast_in_dim3A_120 = vector.broadcast %jit3A_118 : i32 to vector<16xi32>
          %broadcast_in_dim3A_121 = vector.broadcast %jit3A_119 : i32 to vector<16xi32>
          %select_n3A_122 = arith.select %le3A_117, %broadcast_in_dim3A_120, %broadcast_in_dim3A_121 : vector<16xi1>, vector<16xi32>
          %add3A_123 = arith.addi %add3A_112, %select_n3A_122 : vector<16xi32>
          %add3A_124 = arith.constant 31 : i32
          %add3A_125 = vector.broadcast %add3A_124 : i32 to vector<16xi32>
          %add3A_126 = arith.addi %add3A_123, %add3A_125 : vector<16xi32>
          %gather3A_127 = tpu.vector_load_idx %arg5[%broadcast_in_dim3A, %add3A_126] : memref<64x256xi32, #tpu.memory_space<vmem>>[vector<16xi32>, vector<16xi32>], vector<16xi32>,
          %le3A_128 = arith.cmpi sle, %gather3A_127, %add3A_5 : vector<16xi32>
          %jit3A_129 = arith.constant 32 : i32
          %jit3A_130 = arith.constant 0 : i32
          %broadcast_in_dim3A_131 = vector.broadcast %jit3A_129 : i32 to vector<16xi32>
          %broadcast_in_dim3A_132 = vector.broadcast %jit3A_130 : i32 to vector<16xi32>
          %select_n3A_133 = arith.select %le3A_128, %broadcast_in_dim3A_131, %broadcast_in_dim3A_132 : vector<16xi1>, vector<16xi32>
          %add3A_134 = arith.addi %add3A_123, %select_n3A_133 : vector<16xi32>
          %add3A_135 = arith.constant 15 : i32
          %add3A_136 = vector.broadcast %add3A_135 : i32 to vector<16xi32>
          %add3A_137 = arith.addi %add3A_134, %add3A_136 : vector<16xi32>
          %gather3A_138 = tpu.vector_load_idx %arg5[%broadcast_in_dim3A, %add3A_137] : memref<64x256xi32, #tpu.memory_space<vmem>>[vector<16xi32>, vector<16xi32>], vector<16xi32>,
          %le3A_139 = arith.cmpi sle, %gather3A_138, %add3A_5 : vector<16xi32>
          %jit3A_140 = arith.constant 16 : i32
          %jit3A_141 = arith.constant 0 : i32
          %broadcast_in_dim3A_142 = vector.broadcast %jit3A_140 : i32 to vector<16xi32>
          %broadcast_in_dim3A_143 = vector.broadcast %jit3A_141 : i32 to vector<16xi32>
          %select_n3A_144 = arith.select %le3A_139, %broadcast_in_dim3A_142, %broadcast_in_dim3A_143 : vector<16xi1>, vector<16xi32>
          %add3A_145 = arith.addi %add3A_134, %select_n3A_144 : vector<16xi32>
          %add3A_146 = arith.constant 7 : i32
          %add3A_147 = vector.broadcast %add3A_146 : i32 to vector<16xi32>
          %add3A_148 = arith.addi %add3A_145, %add3A_147 : vector<16xi32>
          %gather3A_149 = tpu.vector_load_idx %arg5[%broadcast_in_dim3A, %add3A_148] : memref<64x256xi32, #tpu.memory_space<vmem>>[vector<16xi32>, vector<16xi32>], vector<16xi32>,
          %le3A_150 = arith.cmpi sle, %gather3A_149, %add3A_5 : vector<16xi32>
          %jit3A_151 = arith.constant 8 : i32
          %jit3A_152 = arith.constant 0 : i32
          %broadcast_in_dim3A_153 = vector.broadcast %jit3A_151 : i32 to vector<16xi32>
          %broadcast_in_dim3A_154 = vector.broadcast %jit3A_152 : i32 to vector<16xi32>
          %select_n3A_155 = arith.select %le3A_150, %broadcast_in_dim3A_153, %broadcast_in_dim3A_154 : vector<16xi1>, vector<16xi32>
          %add3A_156 = arith.addi %add3A_145, %select_n3A_155 : vector<16xi32>
          %add3A_157 = arith.constant 3 : i32
          %add3A_158 = vector.broadcast %add3A_157 : i32 to vector<16xi32>
          %add3A_159 = arith.addi %add3A_156, %add3A_158 : vector<16xi32>
          %gather3A_160 = tpu.vector_load_idx %arg5[%broadcast_in_dim3A, %add3A_159] : memref<64x256xi32, #tpu.memory_space<vmem>>[vector<16xi32>, vector<16xi32>], vector<16xi32>,
          %le3A_161 = arith.cmpi sle, %gather3A_160, %add3A_5 : vector<16xi32>
          %jit3A_162 = arith.constant 4 : i32
          %jit3A_163 = arith.constant 0 : i32
          %broadcast_in_dim3A_164 = vector.broadcast %jit3A_162 : i32 to vector<16xi32>
          %broadcast_in_dim3A_165 = vector.broadcast %jit3A_163 : i32 to vector<16xi32>
          %select_n3A_166 = arith.select %le3A_161, %broadcast_in_dim3A_164, %broadcast_in_dim3A_165 : vector<16xi1>, vector<16xi32>
          %add3A_167 = arith.addi %add3A_156, %select_n3A_166 : vector<16xi32>
          %add3A_168 = arith.constant 1 : i32
          %add3A_169 = vector.broadcast %add3A_168 : i32 to vector<16xi32>
          %add3A_170 = arith.addi %add3A_167, %add3A_169 : vector<16xi32>
          %gather3A_171 = tpu.vector_load_idx %arg5[%broadcast_in_dim3A, %add3A_170] : memref<64x256xi32, #tpu.memory_space<vmem>>[vector<16xi32>, vector<16xi32>], vector<16xi32>,
          %le3A_172 = arith.cmpi sle, %gather3A_171, %add3A_5 : vector<16xi32>
          %jit3A_173 = arith.constant 2 : i32
          %jit3A_174 = arith.constant 0 : i32
          %broadcast_in_dim3A_175 = vector.broadcast %jit3A_173 : i32 to vector<16xi32>
          %broadcast_in_dim3A_176 = vector.broadcast %jit3A_174 : i32 to vector<16xi32>
          %select_n3A_177 = arith.select %le3A_172, %broadcast_in_dim3A_175, %broadcast_in_dim3A_176 : vector<16xi1>, vector<16xi32>
          %add3A_178 = arith.addi %add3A_167, %select_n3A_177 : vector<16xi32>
          %add3A_179 = arith.constant 0 : i32
          %add3A_180 = vector.broadcast %add3A_179 : i32 to vector<16xi32>
          %add3A_181 = arith.addi %add3A_178, %add3A_180 : vector<16xi32>
          %gather3A_182 = tpu.vector_load_idx %arg5[%broadcast_in_dim3A, %add3A_181] : memref<64x256xi32, #tpu.memory_space<vmem>>[vector<16xi32>, vector<16xi32>], vector<16xi32>,
          %le3A_183 = arith.cmpi sle, %gather3A_182, %add3A_5 : vector<16xi32>
          %jit3A_184 = arith.constant 1 : i32
          %jit3A_185 = arith.constant 0 : i32
          %broadcast_in_dim3A_186 = vector.broadcast %jit3A_184 : i32 to vector<16xi32>
          %broadcast_in_dim3A_187 = vector.broadcast %jit3A_185 : i32 to vector<16xi32>
          %select_n3A_188 = arith.select %le3A_183, %broadcast_in_dim3A_186, %broadcast_in_dim3A_187 : vector<16xi1>, vector<16xi32>
          %add3A_189 = arith.addi %add3A_178, %select_n3A_188 : vector<16xi32>
          %sub3A = arith.constant 1 : i32
          %sub3A_190 = vector.broadcast %sub3A : i32 to vector<16xi32>
          %sub3A_191 = arith.subi %add3A_189, %sub3A_190 : vector<16xi32>
          %max3A = arith.constant 0 : i32
          %max3A_192 = vector.broadcast %max3A : i32 to vector<16xi32>
          %max3A_193 = arith.maxsi %sub3A_191, %max3A_192 : vector<16xi32>
          %gather3A_194 = tpu.vector_load_idx %arg5[%broadcast_in_dim3A, %max3A_193] : memref<64x256xi32, #tpu.memory_space<vmem>>[vector<16xi32>, vector<16xi32>], vector<16xi32>,
          %eq3A_195 = arith.constant 0 : i32
          %eq3A_196 = vector.broadcast %eq3A_195 : i32 to vector<16xi32>
          %eq3A_197 = arith.cmpi eq, %add3A_189, %eq3A_196 : vector<16xi32>
          %jit3A_198 = arith.constant 0 : i32
          %broadcast_in_dim3A_199 = vector.broadcast %jit3A_198 : i32 to vector<16xi32>
          %select_n3A_200 = arith.select %eq3A_197, %broadcast_in_dim3A_199, %gather3A_194 : vector<16xi1>, vector<16xi32>
          %sub3A_201 = arith.subi %add3A_5, %select_n3A_200 : vector<16xi32>
          %gather3A_202 = tpu.vector_load_idx %arg7[%broadcast_in_dim3A, %add3A_189] : memref<64x256xi32, #tpu.memory_space<vmem>>[vector<16xi32>, vector<16xi32>], vector<16xi32>,
          %broadcast_in_dim3A_203 = arith.constant 0 : i32
          %broadcast_in_dim3A_204 = vector.broadcast %broadcast_in_dim3A_203 : i32 to vector<16xi32>
          %add3A_205 = arith.constant 7 : i32
          %add3A_206 = vector.broadcast %add3A_205 : i32 to vector<16xi32>
          %add3A_207 = arith.addi %broadcast_in_dim3A_204, %add3A_206 : vector<16xi32>
          %shift_left3A = arith.constant 2 : i32
          %shift_left3A_208 = vector.broadcast %shift_left3A : i32 to vector<16xi32>
          %shift_left3A_209 = arith.shli %shift_left3A_208, %add3A_207 : vector<16xi32>
          %sub3A_210 = arith.constant 1 : i32
          %sub3A_211 = vector.broadcast %sub3A_210 : i32 to vector<16xi32>
          %sub3A_212 = arith.subi %shift_left3A_209, %sub3A_211 : vector<16xi32>
          %and3A_213 = arith.andi %gather3A_202, %sub3A_212 : vector<16xi32>
          %shift_right_arithmetic3A = arith.constant 1 : i32
          %shift_right_arithmetic3A_214 = vector.broadcast %shift_right_arithmetic3A : i32 to vector<16xi32>
          %shift_right_arithmetic3A_215 = arith.shrsi %and3A_213, %shift_right_arithmetic3A_214 : vector<16xi32>
          %and3A_216 = arith.constant 21845 : i32
          %and3A_217 = vector.broadcast %and3A_216 : i32 to vector<16xi32>
          %and3A_218 = arith.andi %shift_right_arithmetic3A_215, %and3A_217 : vector<16xi32>
          %sub3A_219 = arith.subi %and3A_213, %and3A_218 : vector<16xi32>
          %and3A_220 = arith.constant 13107 : i32
          %and3A_221 = vector.broadcast %and3A_220 : i32 to vector<16xi32>
          %and3A_222 = arith.andi %sub3A_219, %and3A_221 : vector<16xi32>
          %shift_right_arithmetic3A_223 = arith.constant 2 : i32
          %shift_right_arithmetic3A_224 = vector.broadcast %shift_right_arithmetic3A_223 : i32 to vector<16xi32>
          %shift_right_arithmetic3A_225 = arith.shrsi %sub3A_219, %shift_right_arithmetic3A_224 : vector<16xi32>
          %and3A_226 = arith.constant 13107 : i32
          %and3A_227 = vector.broadcast %and3A_226 : i32 to vector<16xi32>
          %and3A_228 = arith.andi %shift_right_arithmetic3A_225, %and3A_227 : vector<16xi32>
          %add3A_229 = arith.addi %and3A_222, %and3A_228 : vector<16xi32>
          %shift_right_arithmetic3A_230 = arith.constant 4 : i32
          %shift_right_arithmetic3A_231 = vector.broadcast %shift_right_arithmetic3A_230 : i32 to vector<16xi32>
          %shift_right_arithmetic3A_232 = arith.shrsi %add3A_229, %shift_right_arithmetic3A_231 : vector<16xi32>
          %add3A_233 = arith.addi %add3A_229, %shift_right_arithmetic3A_232 : vector<16xi32>
          %and3A_234 = arith.constant 3855 : i32
          %and3A_235 = vector.broadcast %and3A_234 : i32 to vector<16xi32>
          %and3A_236 = arith.andi %add3A_233, %and3A_235 : vector<16xi32>
          %shift_right_arithmetic3A_237 = arith.constant 8 : i32
          %shift_right_arithmetic3A_238 = vector.broadcast %shift_right_arithmetic3A_237 : i32 to vector<16xi32>
          %shift_right_arithmetic3A_239 = arith.shrsi %and3A_236, %shift_right_arithmetic3A_238 : vector<16xi32>
          %add3A_240 = arith.addi %and3A_236, %shift_right_arithmetic3A_239 : vector<16xi32>
          %and3A_241 = arith.constant 31 : i32
          %and3A_242 = vector.broadcast %and3A_241 : i32 to vector<16xi32>
          %and3A_243 = arith.andi %add3A_240, %and3A_242 : vector<16xi32>
          %le3A_244 = arith.cmpi sle, %and3A_243, %sub3A_201 : vector<16xi32>
          %jit3A_245 = arith.constant 8 : i32
          %jit3A_246 = arith.constant 0 : i32
          %broadcast_in_dim3A_247 = vector.broadcast %jit3A_245 : i32 to vector<16xi32>
          %broadcast_in_dim3A_248 = vector.broadcast %jit3A_246 : i32 to vector<16xi32>
          %select_n3A_249 = arith.select %le3A_244, %broadcast_in_dim3A_247, %broadcast_in_dim3A_248 : vector<16xi1>, vector<16xi32>
          %add3A_250 = arith.addi %broadcast_in_dim3A_204, %select_n3A_249 : vector<16xi32>
          %add3A_251 = arith.constant 3 : i32
          %add3A_252 = vector.broadcast %add3A_251 : i32 to vector<16xi32>
          %add3A_253 = arith.addi %add3A_250, %add3A_252 : vector<16xi32>
          %shift_left3A_254 = arith.constant 2 : i32
          %shift_left3A_255 = vector.broadcast %shift_left3A_254 : i32 to vector<16xi32>
          %shift_left3A_256 = arith.shli %shift_left3A_255, %add3A_253 : vector<16xi32>
          %sub3A_257 = arith.constant 1 : i32
          %sub3A_258 = vector.broadcast %sub3A_257 : i32 to vector<16xi32>
          %sub3A_259 = arith.subi %shift_left3A_256, %sub3A_258 : vector<16xi32>
          %and3A_260 = arith.andi %gather3A_202, %sub3A_259 : vector<16xi32>
          %shift_right_arithmetic3A_261 = arith.constant 1 : i32
          %shift_right_arithmetic3A_262 = vector.broadcast %shift_right_arithmetic3A_261 : i32 to vector<16xi32>
          %shift_right_arithmetic3A_263 = arith.shrsi %and3A_260, %shift_right_arithmetic3A_262 : vector<16xi32>
          %and3A_264 = arith.constant 21845 : i32
          %and3A_265 = vector.broadcast %and3A_264 : i32 to vector<16xi32>
          %and3A_266 = arith.andi %shift_right_arithmetic3A_263, %and3A_265 : vector<16xi32>
          %sub3A_267 = arith.subi %and3A_260, %and3A_266 : vector<16xi32>
          %and3A_268 = arith.constant 13107 : i32
          %and3A_269 = vector.broadcast %and3A_268 : i32 to vector<16xi32>
          %and3A_270 = arith.andi %sub3A_267, %and3A_269 : vector<16xi32>
          %shift_right_arithmetic3A_271 = arith.constant 2 : i32
          %shift_right_arithmetic3A_272 = vector.broadcast %shift_right_arithmetic3A_271 : i32 to vector<16xi32>
          %shift_right_arithmetic3A_273 = arith.shrsi %sub3A_267, %shift_right_arithmetic3A_272 : vector<16xi32>
          %and3A_274 = arith.constant 13107 : i32
          %and3A_275 = vector.broadcast %and3A_274 : i32 to vector<16xi32>
          %and3A_276 = arith.andi %shift_right_arithmetic3A_273, %and3A_275 : vector<16xi32>
          %add3A_277 = arith.addi %and3A_270, %and3A_276 : vector<16xi32>
          %shift_right_arithmetic3A_278 = arith.constant 4 : i32
          %shift_right_arithmetic3A_279 = vector.broadcast %shift_right_arithmetic3A_278 : i32 to vector<16xi32>
          %shift_right_arithmetic3A_280 = arith.shrsi %add3A_277, %shift_right_arithmetic3A_279 : vector<16xi32>
          %add3A_281 = arith.addi %add3A_277, %shift_right_arithmetic3A_280 : vector<16xi32>
          %and3A_282 = arith.constant 3855 : i32
          %and3A_283 = vector.broadcast %and3A_282 : i32 to vector<16xi32>
          %and3A_284 = arith.andi %add3A_281, %and3A_283 : vector<16xi32>
          %shift_right_arithmetic3A_285 = arith.constant 8 : i32
          %shift_right_arithmetic3A_286 = vector.broadcast %shift_right_arithmetic3A_285 : i32 to vector<16xi32>
          %shift_right_arithmetic3A_287 = arith.shrsi %and3A_284, %shift_right_arithmetic3A_286 : vector<16xi32>
          %add3A_288 = arith.addi %and3A_284, %shift_right_arithmetic3A_287 : vector<16xi32>
          %and3A_289 = arith.constant 31 : i32
          %and3A_290 = vector.broadcast %and3A_289 : i32 to vector<16xi32>
          %and3A_291 = arith.andi %add3A_288, %and3A_290 : vector<16xi32>
          %le3A_292 = arith.cmpi sle, %and3A_291, %sub3A_201 : vector<16xi32>
          %jit3A_293 = arith.constant 4 : i32
          %jit3A_294 = arith.constant 0 : i32
          %broadcast_in_dim3A_295 = vector.broadcast %jit3A_293 : i32 to vector<16xi32>
          %broadcast_in_dim3A_296 = vector.broadcast %jit3A_294 : i32 to vector<16xi32>
          %select_n3A_297 = arith.select %le3A_292, %broadcast_in_dim3A_295, %broadcast_in_dim3A_296 : vector<16xi1>, vector<16xi32>
          %add3A_298 = arith.addi %add3A_250, %select_n3A_297 : vector<16xi32>
          %add3A_299 = arith.constant 1 : i32
          %add3A_300 = vector.broadcast %add3A_299 : i32 to vector<16xi32>
          %add3A_301 = arith.addi %add3A_298, %add3A_300 : vector<16xi32>
          %shift_left3A_302 = arith.constant 2 : i32
          %shift_left3A_303 = vector.broadcast %shift_left3A_302 : i32 to vector<16xi32>
          %shift_left3A_304 = arith.shli %shift_left3A_303, %add3A_301 : vector<16xi32>
          %sub3A_305 = arith.constant 1 : i32
          %sub3A_306 = vector.broadcast %sub3A_305 : i32 to vector<16xi32>
          %sub3A_307 = arith.subi %shift_left3A_304, %sub3A_306 : vector<16xi32>
          %and3A_308 = arith.andi %gather3A_202, %sub3A_307 : vector<16xi32>
          %shift_right_arithmetic3A_309 = arith.constant 1 : i32
          %shift_right_arithmetic3A_310 = vector.broadcast %shift_right_arithmetic3A_309 : i32 to vector<16xi32>
          %shift_right_arithmetic3A_311 = arith.shrsi %and3A_308, %shift_right_arithmetic3A_310 : vector<16xi32>
          %and3A_312 = arith.constant 21845 : i32
          %and3A_313 = vector.broadcast %and3A_312 : i32 to vector<16xi32>
          %and3A_314 = arith.andi %shift_right_arithmetic3A_311, %and3A_313 : vector<16xi32>
          %sub3A_315 = arith.subi %and3A_308, %and3A_314 : vector<16xi32>
          %and3A_316 = arith.constant 13107 : i32
          %and3A_317 = vector.broadcast %and3A_316 : i32 to vector<16xi32>
          %and3A_318 = arith.andi %sub3A_315, %and3A_317 : vector<16xi32>
          %shift_right_arithmetic3A_319 = arith.constant 2 : i32
          %shift_right_arithmetic3A_320 = vector.broadcast %shift_right_arithmetic3A_319 : i32 to vector<16xi32>
          %shift_right_arithmetic3A_321 = arith.shrsi %sub3A_315, %shift_right_arithmetic3A_320 : vector<16xi32>
          %and3A_322 = arith.constant 13107 : i32
          %and3A_323 = vector.broadcast %and3A_322 : i32 to vector<16xi32>
          %and3A_324 = arith.andi %shift_right_arithmetic3A_321, %and3A_323 : vector<16xi32>
          %add3A_325 = arith.addi %and3A_318, %and3A_324 : vector<16xi32>
          %shift_right_arithmetic3A_326 = arith.constant 4 : i32
          %shift_right_arithmetic3A_327 = vector.broadcast %shift_right_arithmetic3A_326 : i32 to vector<16xi32>
          %shift_right_arithmetic3A_328 = arith.shrsi %add3A_325, %shift_right_arithmetic3A_327 : vector<16xi32>
          %add3A_329 = arith.addi %add3A_325, %shift_right_arithmetic3A_328 : vector<16xi32>
          %and3A_330 = arith.constant 3855 : i32
          %and3A_331 = vector.broadcast %and3A_330 : i32 to vector<16xi32>
          %and3A_332 = arith.andi %add3A_329, %and3A_331 : vector<16xi32>
          %shift_right_arithmetic3A_333 = arith.constant 8 : i32
          %shift_right_arithmetic3A_334 = vector.broadcast %shift_right_arithmetic3A_333 : i32 to vector<16xi32>
          %shift_right_arithmetic3A_335 = arith.shrsi %and3A_332, %shift_right_arithmetic3A_334 : vector<16xi32>
          %add3A_336 = arith.addi %and3A_332, %shift_right_arithmetic3A_335 : vector<16xi32>
          %and3A_337 = arith.constant 31 : i32
          %and3A_338 = vector.broadcast %and3A_337 : i32 to vector<16xi32>
          %and3A_339 = arith.andi %add3A_336, %and3A_338 : vector<16xi32>
          %le3A_340 = arith.cmpi sle, %and3A_339, %sub3A_201 : vector<16xi32>
          %jit3A_341 = arith.constant 2 : i32
          %jit3A_342 = arith.constant 0 : i32
          %broadcast_in_dim3A_343 = vector.broadcast %jit3A_341 : i32 to vector<16xi32>
          %broadcast_in_dim3A_344 = vector.broadcast %jit3A_342 : i32 to vector<16xi32>
          %select_n3A_345 = arith.select %le3A_340, %broadcast_in_dim3A_343, %broadcast_in_dim3A_344 : vector<16xi1>, vector<16xi32>
          %add3A_346 = arith.addi %add3A_298, %select_n3A_345 : vector<16xi32>
          %add3A_347 = arith.constant 0 : i32
          %add3A_348 = vector.broadcast %add3A_347 : i32 to vector<16xi32>
          %add3A_349 = arith.addi %add3A_346, %add3A_348 : vector<16xi32>
          %shift_left3A_350 = arith.constant 2 : i32
          %shift_left3A_351 = vector.broadcast %shift_left3A_350 : i32 to vector<16xi32>
          %shift_left3A_352 = arith.shli %shift_left3A_351, %add3A_349 : vector<16xi32>
          %sub3A_353 = arith.constant 1 : i32
          %sub3A_354 = vector.broadcast %sub3A_353 : i32 to vector<16xi32>
          %sub3A_355 = arith.subi %shift_left3A_352, %sub3A_354 : vector<16xi32>
          %and3A_356 = arith.andi %gather3A_202, %sub3A_355 : vector<16xi32>
          %shift_right_arithmetic3A_357 = arith.constant 1 : i32
          %shift_right_arithmetic3A_358 = vector.broadcast %shift_right_arithmetic3A_357 : i32 to vector<16xi32>
          %shift_right_arithmetic3A_359 = arith.shrsi %and3A_356, %shift_right_arithmetic3A_358 : vector<16xi32>
          %and3A_360 = arith.constant 21845 : i32
          %and3A_361 = vector.broadcast %and3A_360 : i32 to vector<16xi32>
          %and3A_362 = arith.andi %shift_right_arithmetic3A_359, %and3A_361 : vector<16xi32>
          %sub3A_363 = arith.subi %and3A_356, %and3A_362 : vector<16xi32>
          %and3A_364 = arith.constant 13107 : i32
          %and3A_365 = vector.broadcast %and3A_364 : i32 to vector<16xi32>
          %and3A_366 = arith.andi %sub3A_363, %and3A_365 : vector<16xi32>
          %shift_right_arithmetic3A_367 = arith.constant 2 : i32
          %shift_right_arithmetic3A_368 = vector.broadcast %shift_right_arithmetic3A_367 : i32 to vector<16xi32>
          %shift_right_arithmetic3A_369 = arith.shrsi %sub3A_363, %shift_right_arithmetic3A_368 : vector<16xi32>
          %and3A_370 = arith.constant 13107 : i32
          %and3A_371 = vector.broadcast %and3A_370 : i32 to vector<16xi32>
          %and3A_372 = arith.andi %shift_right_arithmetic3A_369, %and3A_371 : vector<16xi32>
          %add3A_373 = arith.addi %and3A_366, %and3A_372 : vector<16xi32>
          %shift_right_arithmetic3A_374 = arith.constant 4 : i32
          %shift_right_arithmetic3A_375 = vector.broadcast %shift_right_arithmetic3A_374 : i32 to vector<16xi32>
          %shift_right_arithmetic3A_376 = arith.shrsi %add3A_373, %shift_right_arithmetic3A_375 : vector<16xi32>
          %add3A_377 = arith.addi %add3A_373, %shift_right_arithmetic3A_376 : vector<16xi32>
          %and3A_378 = arith.constant 3855 : i32
          %and3A_379 = vector.broadcast %and3A_378 : i32 to vector<16xi32>
          %and3A_380 = arith.andi %add3A_377, %and3A_379 : vector<16xi32>
          %shift_right_arithmetic3A_381 = arith.constant 8 : i32
          %shift_right_arithmetic3A_382 = vector.broadcast %shift_right_arithmetic3A_381 : i32 to vector<16xi32>
          %shift_right_arithmetic3A_383 = arith.shrsi %and3A_380, %shift_right_arithmetic3A_382 : vector<16xi32>
          %add3A_384 = arith.addi %and3A_380, %shift_right_arithmetic3A_383 : vector<16xi32>
          %and3A_385 = arith.constant 31 : i32
          %and3A_386 = vector.broadcast %and3A_385 : i32 to vector<16xi32>
          %and3A_387 = arith.andi %add3A_384, %and3A_386 : vector<16xi32>
          %le3A_388 = arith.cmpi sle, %and3A_387, %sub3A_201 : vector<16xi32>
          %jit3A_389 = arith.constant 1 : i32
          %jit3A_390 = arith.constant 0 : i32
          %broadcast_in_dim3A_391 = vector.broadcast %jit3A_389 : i32 to vector<16xi32>
          %broadcast_in_dim3A_392 = vector.broadcast %jit3A_390 : i32 to vector<16xi32>
          %select_n3A_393 = arith.select %le3A_388, %broadcast_in_dim3A_391, %broadcast_in_dim3A_392 : vector<16xi1>, vector<16xi32>
          %add3A_394 = arith.addi %add3A_346, %select_n3A_393 : vector<16xi32>
          %mul3A_395 = arith.constant 16 : i32
          %mul3A_396 = vector.broadcast %mul3A_395 : i32 to vector<16xi32>
          %mul3A_397 = arith.muli %add3A_189, %mul3A_396 : vector<16xi32>
          %add3A_398 = arith.addi %mul3A_397, %add3A_394 : vector<16xi32>
          %broadcast_in_dim3A_399 = arith.constant 0 : i32
          %broadcast_in_dim3A_400 = vector.broadcast %broadcast_in_dim3A_399 : i32 to vector<16xi32>
          %add3A_401 = arith.constant 127 : i32
          %add3A_402 = vector.broadcast %add3A_401 : i32 to vector<16xi32>
          %add3A_403 = arith.addi %broadcast_in_dim3A_400, %add3A_402 : vector<16xi32>
          %gather3A_404 = tpu.vector_load_idx %arg5[%broadcast_in_dim3A, %add3A_403] : memref<64x256xi32, #tpu.memory_space<vmem>>[vector<16xi32>, vector<16xi32>], vector<16xi32>,
          %le3A_405 = arith.cmpi sle, %gather3A_404, %add3A_8 : vector<16xi32>
          %jit3A_406 = arith.constant 128 : i32
          %jit3A_407 = arith.constant 0 : i32
          %broadcast_in_dim3A_408 = vector.broadcast %jit3A_406 : i32 to vector<16xi32>
          %broadcast_in_dim3A_409 = vector.broadcast %jit3A_407 : i32 to vector<16xi32>
          %select_n3A_410 = arith.select %le3A_405, %broadcast_in_dim3A_408, %broadcast_in_dim3A_409 : vector<16xi1>, vector<16xi32>
          %add3A_411 = arith.addi %broadcast_in_dim3A_400, %select_n3A_410 : vector<16xi32>
          %add3A_412 = arith.constant 63 : i32
          %add3A_413 = vector.broadcast %add3A_412 : i32 to vector<16xi32>
          %add3A_414 = arith.addi %add3A_411, %add3A_413 : vector<16xi32>
          %gather3A_415 = tpu.vector_load_idx %arg5[%broadcast_in_dim3A, %add3A_414] : memref<64x256xi32, #tpu.memory_space<vmem>>[vector<16xi32>, vector<16xi32>], vector<16xi32>,
          %le3A_416 = arith.cmpi sle, %gather3A_415, %add3A_8 : vector<16xi32>
          %jit3A_417 = arith.constant 64 : i32
          %jit3A_418 = arith.constant 0 : i32
          %broadcast_in_dim3A_419 = vector.broadcast %jit3A_417 : i32 to vector<16xi32>
          %broadcast_in_dim3A_420 = vector.broadcast %jit3A_418 : i32 to vector<16xi32>
          %select_n3A_421 = arith.select %le3A_416, %broadcast_in_dim3A_419, %broadcast_in_dim3A_420 : vector<16xi1>, vector<16xi32>
          %add3A_422 = arith.addi %add3A_411, %select_n3A_421 : vector<16xi32>
          %add3A_423 = arith.constant 31 : i32
          %add3A_424 = vector.broadcast %add3A_423 : i32 to vector<16xi32>
          %add3A_425 = arith.addi %add3A_422, %add3A_424 : vector<16xi32>
          %gather3A_426 = tpu.vector_load_idx %arg5[%broadcast_in_dim3A, %add3A_425] : memref<64x256xi32, #tpu.memory_space<vmem>>[vector<16xi32>, vector<16xi32>], vector<16xi32>,
          %le3A_427 = arith.cmpi sle, %gather3A_426, %add3A_8 : vector<16xi32>
          %jit3A_428 = arith.constant 32 : i32
          %jit3A_429 = arith.constant 0 : i32
          %broadcast_in_dim3A_430 = vector.broadcast %jit3A_428 : i32 to vector<16xi32>
          %broadcast_in_dim3A_431 = vector.broadcast %jit3A_429 : i32 to vector<16xi32>
          %select_n3A_432 = arith.select %le3A_427, %broadcast_in_dim3A_430, %broadcast_in_dim3A_431 : vector<16xi1>, vector<16xi32>
          %add3A_433 = arith.addi %add3A_422, %select_n3A_432 : vector<16xi32>
          %add3A_434 = arith.constant 15 : i32
          %add3A_435 = vector.broadcast %add3A_434 : i32 to vector<16xi32>
          %add3A_436 = arith.addi %add3A_433, %add3A_435 : vector<16xi32>
          %gather3A_437 = tpu.vector_load_idx %arg5[%broadcast_in_dim3A, %add3A_436] : memref<64x256xi32, #tpu.memory_space<vmem>>[vector<16xi32>, vector<16xi32>], vector<16xi32>,
          %le3A_438 = arith.cmpi sle, %gather3A_437, %add3A_8 : vector<16xi32>
          %jit3A_439 = arith.constant 16 : i32
          %jit3A_440 = arith.constant 0 : i32
          %broadcast_in_dim3A_441 = vector.broadcast %jit3A_439 : i32 to vector<16xi32>
          %broadcast_in_dim3A_442 = vector.broadcast %jit3A_440 : i32 to vector<16xi32>
          %select_n3A_443 = arith.select %le3A_438, %broadcast_in_dim3A_441, %broadcast_in_dim3A_442 : vector<16xi1>, vector<16xi32>
          %add3A_444 = arith.addi %add3A_433, %select_n3A_443 : vector<16xi32>
          %add3A_445 = arith.constant 7 : i32
          %add3A_446 = vector.broadcast %add3A_445 : i32 to vector<16xi32>
          %add3A_447 = arith.addi %add3A_444, %add3A_446 : vector<16xi32>
          %gather3A_448 = tpu.vector_load_idx %arg5[%broadcast_in_dim3A, %add3A_447] : memref<64x256xi32, #tpu.memory_space<vmem>>[vector<16xi32>, vector<16xi32>], vector<16xi32>,
          %le3A_449 = arith.cmpi sle, %gather3A_448, %add3A_8 : vector<16xi32>
          %jit3A_450 = arith.constant 8 : i32
          %jit3A_451 = arith.constant 0 : i32
          %broadcast_in_dim3A_452 = vector.broadcast %jit3A_450 : i32 to vector<16xi32>
          %broadcast_in_dim3A_453 = vector.broadcast %jit3A_451 : i32 to vector<16xi32>
          %select_n3A_454 = arith.select %le3A_449, %broadcast_in_dim3A_452, %broadcast_in_dim3A_453 : vector<16xi1>, vector<16xi32>
          %add3A_455 = arith.addi %add3A_444, %select_n3A_454 : vector<16xi32>
          %add3A_456 = arith.constant 3 : i32
          %add3A_457 = vector.broadcast %add3A_456 : i32 to vector<16xi32>
          %add3A_458 = arith.addi %add3A_455, %add3A_457 : vector<16xi32>
          %gather3A_459 = tpu.vector_load_idx %arg5[%broadcast_in_dim3A, %add3A_458] : memref<64x256xi32, #tpu.memory_space<vmem>>[vector<16xi32>, vector<16xi32>], vector<16xi32>,
          %le3A_460 = arith.cmpi sle, %gather3A_459, %add3A_8 : vector<16xi32>
          %jit3A_461 = arith.constant 4 : i32
          %jit3A_462 = arith.constant 0 : i32
          %broadcast_in_dim3A_463 = vector.broadcast %jit3A_461 : i32 to vector<16xi32>
          %broadcast_in_dim3A_464 = vector.broadcast %jit3A_462 : i32 to vector<16xi32>
          %select_n3A_465 = arith.select %le3A_460, %broadcast_in_dim3A_463, %broadcast_in_dim3A_464 : vector<16xi1>, vector<16xi32>
          %add3A_466 = arith.addi %add3A_455, %select_n3A_465 : vector<16xi32>
          %add3A_467 = arith.constant 1 : i32
          %add3A_468 = vector.broadcast %add3A_467 : i32 to vector<16xi32>
          %add3A_469 = arith.addi %add3A_466, %add3A_468 : vector<16xi32>
          %gather3A_470 = tpu.vector_load_idx %arg5[%broadcast_in_dim3A, %add3A_469] : memref<64x256xi32, #tpu.memory_space<vmem>>[vector<16xi32>, vector<16xi32>], vector<16xi32>,
          %le3A_471 = arith.cmpi sle, %gather3A_470, %add3A_8 : vector<16xi32>
          %jit3A_472 = arith.constant 2 : i32
          %jit3A_473 = arith.constant 0 : i32
          %broadcast_in_dim3A_474 = vector.broadcast %jit3A_472 : i32 to vector<16xi32>
          %broadcast_in_dim3A_475 = vector.broadcast %jit3A_473 : i32 to vector<16xi32>
          %select_n3A_476 = arith.select %le3A_471, %broadcast_in_dim3A_474, %broadcast_in_dim3A_475 : vector<16xi1>, vector<16xi32>
          %add3A_477 = arith.addi %add3A_466, %select_n3A_476 : vector<16xi32>
          %add3A_478 = arith.constant 0 : i32
          %add3A_479 = vector.broadcast %add3A_478 : i32 to vector<16xi32>
          %add3A_480 = arith.addi %add3A_477, %add3A_479 : vector<16xi32>
          %gather3A_481 = tpu.vector_load_idx %arg5[%broadcast_in_dim3A, %add3A_480] : memref<64x256xi32, #tpu.memory_space<vmem>>[vector<16xi32>, vector<16xi32>], vector<16xi32>,
          %le3A_482 = arith.cmpi sle, %gather3A_481, %add3A_8 : vector<16xi32>
          %jit3A_483 = arith.constant 1 : i32
          %jit3A_484 = arith.constant 0 : i32
          %broadcast_in_dim3A_485 = vector.broadcast %jit3A_483 : i32 to vector<16xi32>
          %broadcast_in_dim3A_486 = vector.broadcast %jit3A_484 : i32 to vector<16xi32>
          %select_n3A_487 = arith.select %le3A_482, %broadcast_in_dim3A_485, %broadcast_in_dim3A_486 : vector<16xi1>, vector<16xi32>
          %add3A_488 = arith.addi %add3A_477, %select_n3A_487 : vector<16xi32>
          %sub3A_489 = arith.constant 1 : i32
          %sub3A_490 = vector.broadcast %sub3A_489 : i32 to vector<16xi32>
          %sub3A_491 = arith.subi %add3A_488, %sub3A_490 : vector<16xi32>
          %max3A_492 = arith.constant 0 : i32
          %max3A_493 = vector.broadcast %max3A_492 : i32 to vector<16xi32>
          %max3A_494 = arith.maxsi %sub3A_491, %max3A_493 : vector<16xi32>
          %gather3A_495 = tpu.vector_load_idx %arg5[%broadcast_in_dim3A, %max3A_494] : memref<64x256xi32, #tpu.memory_space<vmem>>[vector<16xi32>, vector<16xi32>], vector<16xi32>,
          %eq3A_496 = arith.constant 0 : i32
          %eq3A_497 = vector.broadcast %eq3A_496 : i32 to vector<16xi32>
          %eq3A_498 = arith.cmpi eq, %add3A_488, %eq3A_497 : vector<16xi32>
          %jit3A_499 = arith.constant 0 : i32
          %broadcast_in_dim3A_500 = vector.broadcast %jit3A_499 : i32 to vector<16xi32>
          %select_n3A_501 = arith.select %eq3A_498, %broadcast_in_dim3A_500, %gather3A_495 : vector<16xi1>, vector<16xi32>
          %sub3A_502 = arith.subi %add3A_8, %select_n3A_501 : vector<16xi32>
          %gather3A_503 = tpu.vector_load_idx %arg7[%broadcast_in_dim3A, %add3A_488] : memref<64x256xi32, #tpu.memory_space<vmem>>[vector<16xi32>, vector<16xi32>], vector<16xi32>,
          %broadcast_in_dim3A_504 = arith.constant 0 : i32
          %broadcast_in_dim3A_505 = vector.broadcast %broadcast_in_dim3A_504 : i32 to vector<16xi32>
          %add3A_506 = arith.constant 7 : i32
          %add3A_507 = vector.broadcast %add3A_506 : i32 to vector<16xi32>
          %add3A_508 = arith.addi %broadcast_in_dim3A_505, %add3A_507 : vector<16xi32>
          %shift_left3A_509 = arith.constant 2 : i32
          %shift_left3A_510 = vector.broadcast %shift_left3A_509 : i32 to vector<16xi32>
          %shift_left3A_511 = arith.shli %shift_left3A_510, %add3A_508 : vector<16xi32>
          %sub3A_512 = arith.constant 1 : i32
          %sub3A_513 = vector.broadcast %sub3A_512 : i32 to vector<16xi32>
          %sub3A_514 = arith.subi %shift_left3A_511, %sub3A_513 : vector<16xi32>
          %and3A_515 = arith.andi %gather3A_503, %sub3A_514 : vector<16xi32>
          %shift_right_arithmetic3A_516 = arith.constant 1 : i32
          %shift_right_arithmetic3A_517 = vector.broadcast %shift_right_arithmetic3A_516 : i32 to vector<16xi32>
          %shift_right_arithmetic3A_518 = arith.shrsi %and3A_515, %shift_right_arithmetic3A_517 : vector<16xi32>
          %and3A_519 = arith.constant 21845 : i32
          %and3A_520 = vector.broadcast %and3A_519 : i32 to vector<16xi32>
          %and3A_521 = arith.andi %shift_right_arithmetic3A_518, %and3A_520 : vector<16xi32>
          %sub3A_522 = arith.subi %and3A_515, %and3A_521 : vector<16xi32>
          %and3A_523 = arith.constant 13107 : i32
          %and3A_524 = vector.broadcast %and3A_523 : i32 to vector<16xi32>
          %and3A_525 = arith.andi %sub3A_522, %and3A_524 : vector<16xi32>
          %shift_right_arithmetic3A_526 = arith.constant 2 : i32
          %shift_right_arithmetic3A_527 = vector.broadcast %shift_right_arithmetic3A_526 : i32 to vector<16xi32>
          %shift_right_arithmetic3A_528 = arith.shrsi %sub3A_522, %shift_right_arithmetic3A_527 : vector<16xi32>
          %and3A_529 = arith.constant 13107 : i32
          %and3A_530 = vector.broadcast %and3A_529 : i32 to vector<16xi32>
          %and3A_531 = arith.andi %shift_right_arithmetic3A_528, %and3A_530 : vector<16xi32>
          %add3A_532 = arith.addi %and3A_525, %and3A_531 : vector<16xi32>
          %shift_right_arithmetic3A_533 = arith.constant 4 : i32
          %shift_right_arithmetic3A_534 = vector.broadcast %shift_right_arithmetic3A_533 : i32 to vector<16xi32>
          %shift_right_arithmetic3A_535 = arith.shrsi %add3A_532, %shift_right_arithmetic3A_534 : vector<16xi32>
          %add3A_536 = arith.addi %add3A_532, %shift_right_arithmetic3A_535 : vector<16xi32>
          %and3A_537 = arith.constant 3855 : i32
          %and3A_538 = vector.broadcast %and3A_537 : i32 to vector<16xi32>
          %and3A_539 = arith.andi %add3A_536, %and3A_538 : vector<16xi32>
          %shift_right_arithmetic3A_540 = arith.constant 8 : i32
          %shift_right_arithmetic3A_541 = vector.broadcast %shift_right_arithmetic3A_540 : i32 to vector<16xi32>
          %shift_right_arithmetic3A_542 = arith.shrsi %and3A_539, %shift_right_arithmetic3A_541 : vector<16xi32>
          %add3A_543 = arith.addi %and3A_539, %shift_right_arithmetic3A_542 : vector<16xi32>
          %and3A_544 = arith.constant 31 : i32
          %and3A_545 = vector.broadcast %and3A_544 : i32 to vector<16xi32>
          %and3A_546 = arith.andi %add3A_543, %and3A_545 : vector<16xi32>
          %le3A_547 = arith.cmpi sle, %and3A_546, %sub3A_502 : vector<16xi32>
          %jit3A_548 = arith.constant 8 : i32
          %jit3A_549 = arith.constant 0 : i32
          %broadcast_in_dim3A_550 = vector.broadcast %jit3A_548 : i32 to vector<16xi32>
          %broadcast_in_dim3A_551 = vector.broadcast %jit3A_549 : i32 to vector<16xi32>
          %select_n3A_552 = arith.select %le3A_547, %broadcast_in_dim3A_550, %broadcast_in_dim3A_551 : vector<16xi1>, vector<16xi32>
          %add3A_553 = arith.addi %broadcast_in_dim3A_505, %select_n3A_552 : vector<16xi32>
          %add3A_554 = arith.constant 3 : i32
          %add3A_555 = vector.broadcast %add3A_554 : i32 to vector<16xi32>
          %add3A_556 = arith.addi %add3A_553, %add3A_555 : vector<16xi32>
          %shift_left3A_557 = arith.constant 2 : i32
          %shift_left3A_558 = vector.broadcast %shift_left3A_557 : i32 to vector<16xi32>
          %shift_left3A_559 = arith.shli %shift_left3A_558, %add3A_556 : vector<16xi32>
          %sub3A_560 = arith.constant 1 : i32
          %sub3A_561 = vector.broadcast %sub3A_560 : i32 to vector<16xi32>
          %sub3A_562 = arith.subi %shift_left3A_559, %sub3A_561 : vector<16xi32>
          %and3A_563 = arith.andi %gather3A_503, %sub3A_562 : vector<16xi32>
          %shift_right_arithmetic3A_564 = arith.constant 1 : i32
          %shift_right_arithmetic3A_565 = vector.broadcast %shift_right_arithmetic3A_564 : i32 to vector<16xi32>
          %shift_right_arithmetic3A_566 = arith.shrsi %and3A_563, %shift_right_arithmetic3A_565 : vector<16xi32>
          %and3A_567 = arith.constant 21845 : i32
          %and3A_568 = vector.broadcast %and3A_567 : i32 to vector<16xi32>
          %and3A_569 = arith.andi %shift_right_arithmetic3A_566, %and3A_568 : vector<16xi32>
          %sub3A_570 = arith.subi %and3A_563, %and3A_569 : vector<16xi32>
          %and3A_571 = arith.constant 13107 : i32
          %and3A_572 = vector.broadcast %and3A_571 : i32 to vector<16xi32>
          %and3A_573 = arith.andi %sub3A_570, %and3A_572 : vector<16xi32>
          %shift_right_arithmetic3A_574 = arith.constant 2 : i32
          %shift_right_arithmetic3A_575 = vector.broadcast %shift_right_arithmetic3A_574 : i32 to vector<16xi32>
          %shift_right_arithmetic3A_576 = arith.shrsi %sub3A_570, %shift_right_arithmetic3A_575 : vector<16xi32>
          %and3A_577 = arith.constant 13107 : i32
          %and3A_578 = vector.broadcast %and3A_577 : i32 to vector<16xi32>
          %and3A_579 = arith.andi %shift_right_arithmetic3A_576, %and3A_578 : vector<16xi32>
          %add3A_580 = arith.addi %and3A_573, %and3A_579 : vector<16xi32>
          %shift_right_arithmetic3A_581 = arith.constant 4 : i32
          %shift_right_arithmetic3A_582 = vector.broadcast %shift_right_arithmetic3A_581 : i32 to vector<16xi32>
          %shift_right_arithmetic3A_583 = arith.shrsi %add3A_580, %shift_right_arithmetic3A_582 : vector<16xi32>
          %add3A_584 = arith.addi %add3A_580, %shift_right_arithmetic3A_583 : vector<16xi32>
          %and3A_585 = arith.constant 3855 : i32
          %and3A_586 = vector.broadcast %and3A_585 : i32 to vector<16xi32>
          %and3A_587 = arith.andi %add3A_584, %and3A_586 : vector<16xi32>
          %shift_right_arithmetic3A_588 = arith.constant 8 : i32
          %shift_right_arithmetic3A_589 = vector.broadcast %shift_right_arithmetic3A_588 : i32 to vector<16xi32>
          %shift_right_arithmetic3A_590 = arith.shrsi %and3A_587, %shift_right_arithmetic3A_589 : vector<16xi32>
          %add3A_591 = arith.addi %and3A_587, %shift_right_arithmetic3A_590 : vector<16xi32>
          %and3A_592 = arith.constant 31 : i32
          %and3A_593 = vector.broadcast %and3A_592 : i32 to vector<16xi32>
          %and3A_594 = arith.andi %add3A_591, %and3A_593 : vector<16xi32>
          %le3A_595 = arith.cmpi sle, %and3A_594, %sub3A_502 : vector<16xi32>
          %jit3A_596 = arith.constant 4 : i32
          %jit3A_597 = arith.constant 0 : i32
          %broadcast_in_dim3A_598 = vector.broadcast %jit3A_596 : i32 to vector<16xi32>
          %broadcast_in_dim3A_599 = vector.broadcast %jit3A_597 : i32 to vector<16xi32>
          %select_n3A_600 = arith.select %le3A_595, %broadcast_in_dim3A_598, %broadcast_in_dim3A_599 : vector<16xi1>, vector<16xi32>
          %add3A_601 = arith.addi %add3A_553, %select_n3A_600 : vector<16xi32>
          %add3A_602 = arith.constant 1 : i32
          %add3A_603 = vector.broadcast %add3A_602 : i32 to vector<16xi32>
          %add3A_604 = arith.addi %add3A_601, %add3A_603 : vector<16xi32>
          %shift_left3A_605 = arith.constant 2 : i32
          %shift_left3A_606 = vector.broadcast %shift_left3A_605 : i32 to vector<16xi32>
          %shift_left3A_607 = arith.shli %shift_left3A_606, %add3A_604 : vector<16xi32>
          %sub3A_608 = arith.constant 1 : i32
          %sub3A_609 = vector.broadcast %sub3A_608 : i32 to vector<16xi32>
          %sub3A_610 = arith.subi %shift_left3A_607, %sub3A_609 : vector<16xi32>
          %and3A_611 = arith.andi %gather3A_503, %sub3A_610 : vector<16xi32>
          %shift_right_arithmetic3A_612 = arith.constant 1 : i32
          %shift_right_arithmetic3A_613 = vector.broadcast %shift_right_arithmetic3A_612 : i32 to vector<16xi32>
          %shift_right_arithmetic3A_614 = arith.shrsi %and3A_611, %shift_right_arithmetic3A_613 : vector<16xi32>
          %and3A_615 = arith.constant 21845 : i32
          %and3A_616 = vector.broadcast %and3A_615 : i32 to vector<16xi32>
          %and3A_617 = arith.andi %shift_right_arithmetic3A_614, %and3A_616 : vector<16xi32>
          %sub3A_618 = arith.subi %and3A_611, %and3A_617 : vector<16xi32>
          %and3A_619 = arith.constant 13107 : i32
          %and3A_620 = vector.broadcast %and3A_619 : i32 to vector<16xi32>
          %and3A_621 = arith.andi %sub3A_618, %and3A_620 : vector<16xi32>
          %shift_right_arithmetic3A_622 = arith.constant 2 : i32
          %shift_right_arithmetic3A_623 = vector.broadcast %shift_right_arithmetic3A_622 : i32 to vector<16xi32>
          %shift_right_arithmetic3A_624 = arith.shrsi %sub3A_618, %shift_right_arithmetic3A_623 : vector<16xi32>
          %and3A_625 = arith.constant 13107 : i32
          %and3A_626 = vector.broadcast %and3A_625 : i32 to vector<16xi32>
          %and3A_627 = arith.andi %shift_right_arithmetic3A_624, %and3A_626 : vector<16xi32>
          %add3A_628 = arith.addi %and3A_621, %and3A_627 : vector<16xi32>
          %shift_right_arithmetic3A_629 = arith.constant 4 : i32
          %shift_right_arithmetic3A_630 = vector.broadcast %shift_right_arithmetic3A_629 : i32 to vector<16xi32>
          %shift_right_arithmetic3A_631 = arith.shrsi %add3A_628, %shift_right_arithmetic3A_630 : vector<16xi32>
          %add3A_632 = arith.addi %add3A_628, %shift_right_arithmetic3A_631 : vector<16xi32>
          %and3A_633 = arith.constant 3855 : i32
          %and3A_634 = vector.broadcast %and3A_633 : i32 to vector<16xi32>
          %and3A_635 = arith.andi %add3A_632, %and3A_634 : vector<16xi32>
          %shift_right_arithmetic3A_636 = arith.constant 8 : i32
          %shift_right_arithmetic3A_637 = vector.broadcast %shift_right_arithmetic3A_636 : i32 to vector<16xi32>
          %shift_right_arithmetic3A_638 = arith.shrsi %and3A_635, %shift_right_arithmetic3A_637 : vector<16xi32>
          %add3A_639 = arith.addi %and3A_635, %shift_right_arithmetic3A_638 : vector<16xi32>
          %and3A_640 = arith.constant 31 : i32
          %and3A_641 = vector.broadcast %and3A_640 : i32 to vector<16xi32>
          %and3A_642 = arith.andi %add3A_639, %and3A_641 : vector<16xi32>
          %le3A_643 = arith.cmpi sle, %and3A_642, %sub3A_502 : vector<16xi32>
          %jit3A_644 = arith.constant 2 : i32
          %jit3A_645 = arith.constant 0 : i32
          %broadcast_in_dim3A_646 = vector.broadcast %jit3A_644 : i32 to vector<16xi32>
          %broadcast_in_dim3A_647 = vector.broadcast %jit3A_645 : i32 to vector<16xi32>
          %select_n3A_648 = arith.select %le3A_643, %broadcast_in_dim3A_646, %broadcast_in_dim3A_647 : vector<16xi1>, vector<16xi32>
          %add3A_649 = arith.addi %add3A_601, %select_n3A_648 : vector<16xi32>
          %add3A_650 = arith.constant 0 : i32
          %add3A_651 = vector.broadcast %add3A_650 : i32 to vector<16xi32>
          %add3A_652 = arith.addi %add3A_649, %add3A_651 : vector<16xi32>
          %shift_left3A_653 = arith.constant 2 : i32
          %shift_left3A_654 = vector.broadcast %shift_left3A_653 : i32 to vector<16xi32>
          %shift_left3A_655 = arith.shli %shift_left3A_654, %add3A_652 : vector<16xi32>
          %sub3A_656 = arith.constant 1 : i32
          %sub3A_657 = vector.broadcast %sub3A_656 : i32 to vector<16xi32>
          %sub3A_658 = arith.subi %shift_left3A_655, %sub3A_657 : vector<16xi32>
          %and3A_659 = arith.andi %gather3A_503, %sub3A_658 : vector<16xi32>
          %shift_right_arithmetic3A_660 = arith.constant 1 : i32
          %shift_right_arithmetic3A_661 = vector.broadcast %shift_right_arithmetic3A_660 : i32 to vector<16xi32>
          %shift_right_arithmetic3A_662 = arith.shrsi %and3A_659, %shift_right_arithmetic3A_661 : vector<16xi32>
          %and3A_663 = arith.constant 21845 : i32
          %and3A_664 = vector.broadcast %and3A_663 : i32 to vector<16xi32>
          %and3A_665 = arith.andi %shift_right_arithmetic3A_662, %and3A_664 : vector<16xi32>
          %sub3A_666 = arith.subi %and3A_659, %and3A_665 : vector<16xi32>
          %and3A_667 = arith.constant 13107 : i32
          %and3A_668 = vector.broadcast %and3A_667 : i32 to vector<16xi32>
          %and3A_669 = arith.andi %sub3A_666, %and3A_668 : vector<16xi32>
          %shift_right_arithmetic3A_670 = arith.constant 2 : i32
          %shift_right_arithmetic3A_671 = vector.broadcast %shift_right_arithmetic3A_670 : i32 to vector<16xi32>
          %shift_right_arithmetic3A_672 = arith.shrsi %sub3A_666, %shift_right_arithmetic3A_671 : vector<16xi32>
          %and3A_673 = arith.constant 13107 : i32
          %and3A_674 = vector.broadcast %and3A_673 : i32 to vector<16xi32>
          %and3A_675 = arith.andi %shift_right_arithmetic3A_672, %and3A_674 : vector<16xi32>
          %add3A_676 = arith.addi %and3A_669, %and3A_675 : vector<16xi32>
          %shift_right_arithmetic3A_677 = arith.constant 4 : i32
          %shift_right_arithmetic3A_678 = vector.broadcast %shift_right_arithmetic3A_677 : i32 to vector<16xi32>
          %shift_right_arithmetic3A_679 = arith.shrsi %add3A_676, %shift_right_arithmetic3A_678 : vector<16xi32>
          %add3A_680 = arith.addi %add3A_676, %shift_right_arithmetic3A_679 : vector<16xi32>
          %and3A_681 = arith.constant 3855 : i32
          %and3A_682 = vector.broadcast %and3A_681 : i32 to vector<16xi32>
          %and3A_683 = arith.andi %add3A_680, %and3A_682 : vector<16xi32>
          %shift_right_arithmetic3A_684 = arith.constant 8 : i32
          %shift_right_arithmetic3A_685 = vector.broadcast %shift_right_arithmetic3A_684 : i32 to vector<16xi32>
          %shift_right_arithmetic3A_686 = arith.shrsi %and3A_683, %shift_right_arithmetic3A_685 : vector<16xi32>
          %add3A_687 = arith.addi %and3A_683, %shift_right_arithmetic3A_686 : vector<16xi32>
          %and3A_688 = arith.constant 31 : i32
          %and3A_689 = vector.broadcast %and3A_688 : i32 to vector<16xi32>
          %and3A_690 = arith.andi %add3A_687, %and3A_689 : vector<16xi32>
          %le3A_691 = arith.cmpi sle, %and3A_690, %sub3A_502 : vector<16xi32>
          %jit3A_692 = arith.constant 1 : i32
          %jit3A_693 = arith.constant 0 : i32
          %broadcast_in_dim3A_694 = vector.broadcast %jit3A_692 : i32 to vector<16xi32>
          %broadcast_in_dim3A_695 = vector.broadcast %jit3A_693 : i32 to vector<16xi32>
          %select_n3A_696 = arith.select %le3A_691, %broadcast_in_dim3A_694, %broadcast_in_dim3A_695 : vector<16xi1>, vector<16xi32>
          %add3A_697 = arith.addi %add3A_649, %select_n3A_696 : vector<16xi32>
          %mul3A_698 = arith.constant 16 : i32
          %mul3A_699 = vector.broadcast %mul3A_698 : i32 to vector<16xi32>
          %mul3A_700 = arith.muli %add3A_488, %mul3A_699 : vector<16xi32>
          %add3A_701 = arith.addi %mul3A_700, %add3A_697 : vector<16xi32>
          %broadcast_in_dim3A_702 = arith.constant 0 : i32
          %broadcast_in_dim3A_703 = vector.broadcast %broadcast_in_dim3A_702 : i32 to vector<16xi32>
          %add3A_704 = arith.constant 127 : i32
          %add3A_705 = vector.broadcast %add3A_704 : i32 to vector<16xi32>
          %add3A_706 = arith.addi %broadcast_in_dim3A_703, %add3A_705 : vector<16xi32>
          %gather3A_707 = tpu.vector_load_idx %arg5[%broadcast_in_dim3A, %add3A_706] : memref<64x256xi32, #tpu.memory_space<vmem>>[vector<16xi32>, vector<16xi32>], vector<16xi32>,
          %le3A_708 = arith.cmpi sle, %gather3A_707, %add3A_11 : vector<16xi32>
          %jit3A_709 = arith.constant 128 : i32
          %jit3A_710 = arith.constant 0 : i32
          %broadcast_in_dim3A_711 = vector.broadcast %jit3A_709 : i32 to vector<16xi32>
          %broadcast_in_dim3A_712 = vector.broadcast %jit3A_710 : i32 to vector<16xi32>
          %select_n3A_713 = arith.select %le3A_708, %broadcast_in_dim3A_711, %broadcast_in_dim3A_712 : vector<16xi1>, vector<16xi32>
          %add3A_714 = arith.addi %broadcast_in_dim3A_703, %select_n3A_713 : vector<16xi32>
          %add3A_715 = arith.constant 63 : i32
          %add3A_716 = vector.broadcast %add3A_715 : i32 to vector<16xi32>
          %add3A_717 = arith.addi %add3A_714, %add3A_716 : vector<16xi32>
          %gather3A_718 = tpu.vector_load_idx %arg5[%broadcast_in_dim3A, %add3A_717] : memref<64x256xi32, #tpu.memory_space<vmem>>[vector<16xi32>, vector<16xi32>], vector<16xi32>,
          %le3A_719 = arith.cmpi sle, %gather3A_718, %add3A_11 : vector<16xi32>
          %jit3A_720 = arith.constant 64 : i32
          %jit3A_721 = arith.constant 0 : i32
          %broadcast_in_dim3A_722 = vector.broadcast %jit3A_720 : i32 to vector<16xi32>
          %broadcast_in_dim3A_723 = vector.broadcast %jit3A_721 : i32 to vector<16xi32>
          %select_n3A_724 = arith.select %le3A_719, %broadcast_in_dim3A_722, %broadcast_in_dim3A_723 : vector<16xi1>, vector<16xi32>
          %add3A_725 = arith.addi %add3A_714, %select_n3A_724 : vector<16xi32>
          %add3A_726 = arith.constant 31 : i32
          %add3A_727 = vector.broadcast %add3A_726 : i32 to vector<16xi32>
          %add3A_728 = arith.addi %add3A_725, %add3A_727 : vector<16xi32>
          %gather3A_729 = tpu.vector_load_idx %arg5[%broadcast_in_dim3A, %add3A_728] : memref<64x256xi32, #tpu.memory_space<vmem>>[vector<16xi32>, vector<16xi32>], vector<16xi32>,
          %le3A_730 = arith.cmpi sle, %gather3A_729, %add3A_11 : vector<16xi32>
          %jit3A_731 = arith.constant 32 : i32
          %jit3A_732 = arith.constant 0 : i32
          %broadcast_in_dim3A_733 = vector.broadcast %jit3A_731 : i32 to vector<16xi32>
          %broadcast_in_dim3A_734 = vector.broadcast %jit3A_732 : i32 to vector<16xi32>
          %select_n3A_735 = arith.select %le3A_730, %broadcast_in_dim3A_733, %broadcast_in_dim3A_734 : vector<16xi1>, vector<16xi32>
          %add3A_736 = arith.addi %add3A_725, %select_n3A_735 : vector<16xi32>
          %add3A_737 = arith.constant 15 : i32
          %add3A_738 = vector.broadcast %add3A_737 : i32 to vector<16xi32>
          %add3A_739 = arith.addi %add3A_736, %add3A_738 : vector<16xi32>
          %gather3A_740 = tpu.vector_load_idx %arg5[%broadcast_in_dim3A, %add3A_739] : memref<64x256xi32, #tpu.memory_space<vmem>>[vector<16xi32>, vector<16xi32>], vector<16xi32>,
          %le3A_741 = arith.cmpi sle, %gather3A_740, %add3A_11 : vector<16xi32>
          %jit3A_742 = arith.constant 16 : i32
          %jit3A_743 = arith.constant 0 : i32
          %broadcast_in_dim3A_744 = vector.broadcast %jit3A_742 : i32 to vector<16xi32>
          %broadcast_in_dim3A_745 = vector.broadcast %jit3A_743 : i32 to vector<16xi32>
          %select_n3A_746 = arith.select %le3A_741, %broadcast_in_dim3A_744, %broadcast_in_dim3A_745 : vector<16xi1>, vector<16xi32>
          %add3A_747 = arith.addi %add3A_736, %select_n3A_746 : vector<16xi32>
          %add3A_748 = arith.constant 7 : i32
          %add3A_749 = vector.broadcast %add3A_748 : i32 to vector<16xi32>
          %add3A_750 = arith.addi %add3A_747, %add3A_749 : vector<16xi32>
          %gather3A_751 = tpu.vector_load_idx %arg5[%broadcast_in_dim3A, %add3A_750] : memref<64x256xi32, #tpu.memory_space<vmem>>[vector<16xi32>, vector<16xi32>], vector<16xi32>,
          %le3A_752 = arith.cmpi sle, %gather3A_751, %add3A_11 : vector<16xi32>
          %jit3A_753 = arith.constant 8 : i32
          %jit3A_754 = arith.constant 0 : i32
          %broadcast_in_dim3A_755 = vector.broadcast %jit3A_753 : i32 to vector<16xi32>
          %broadcast_in_dim3A_756 = vector.broadcast %jit3A_754 : i32 to vector<16xi32>
          %select_n3A_757 = arith.select %le3A_752, %broadcast_in_dim3A_755, %broadcast_in_dim3A_756 : vector<16xi1>, vector<16xi32>
          %add3A_758 = arith.addi %add3A_747, %select_n3A_757 : vector<16xi32>
          %add3A_759 = arith.constant 3 : i32
          %add3A_760 = vector.broadcast %add3A_759 : i32 to vector<16xi32>
          %add3A_761 = arith.addi %add3A_758, %add3A_760 : vector<16xi32>
          %gather3A_762 = tpu.vector_load_idx %arg5[%broadcast_in_dim3A, %add3A_761] : memref<64x256xi32, #tpu.memory_space<vmem>>[vector<16xi32>, vector<16xi32>], vector<16xi32>,
          %le3A_763 = arith.cmpi sle, %gather3A_762, %add3A_11 : vector<16xi32>
          %jit3A_764 = arith.constant 4 : i32
          %jit3A_765 = arith.constant 0 : i32
          %broadcast_in_dim3A_766 = vector.broadcast %jit3A_764 : i32 to vector<16xi32>
          %broadcast_in_dim3A_767 = vector.broadcast %jit3A_765 : i32 to vector<16xi32>
          %select_n3A_768 = arith.select %le3A_763, %broadcast_in_dim3A_766, %broadcast_in_dim3A_767 : vector<16xi1>, vector<16xi32>
          %add3A_769 = arith.addi %add3A_758, %select_n3A_768 : vector<16xi32>
          %add3A_770 = arith.constant 1 : i32
          %add3A_771 = vector.broadcast %add3A_770 : i32 to vector<16xi32>
          %add3A_772 = arith.addi %add3A_769, %add3A_771 : vector<16xi32>
          %gather3A_773 = tpu.vector_load_idx %arg5[%broadcast_in_dim3A, %add3A_772] : memref<64x256xi32, #tpu.memory_space<vmem>>[vector<16xi32>, vector<16xi32>], vector<16xi32>,
          %le3A_774 = arith.cmpi sle, %gather3A_773, %add3A_11 : vector<16xi32>
          %jit3A_775 = arith.constant 2 : i32
          %jit3A_776 = arith.constant 0 : i32
          %broadcast_in_dim3A_777 = vector.broadcast %jit3A_775 : i32 to vector<16xi32>
          %broadcast_in_dim3A_778 = vector.broadcast %jit3A_776 : i32 to vector<16xi32>
          %select_n3A_779 = arith.select %le3A_774, %broadcast_in_dim3A_777, %broadcast_in_dim3A_778 : vector<16xi1>, vector<16xi32>
          %add3A_780 = arith.addi %add3A_769, %select_n3A_779 : vector<16xi32>
          %add3A_781 = arith.constant 0 : i32
          %add3A_782 = vector.broadcast %add3A_781 : i32 to vector<16xi32>
          %add3A_783 = arith.addi %add3A_780, %add3A_782 : vector<16xi32>
          %gather3A_784 = tpu.vector_load_idx %arg5[%broadcast_in_dim3A, %add3A_783] : memref<64x256xi32, #tpu.memory_space<vmem>>[vector<16xi32>, vector<16xi32>], vector<16xi32>,
          %le3A_785 = arith.cmpi sle, %gather3A_784, %add3A_11 : vector<16xi32>
          %jit3A_786 = arith.constant 1 : i32
          %jit3A_787 = arith.constant 0 : i32
          %broadcast_in_dim3A_788 = vector.broadcast %jit3A_786 : i32 to vector<16xi32>
          %broadcast_in_dim3A_789 = vector.broadcast %jit3A_787 : i32 to vector<16xi32>
          %select_n3A_790 = arith.select %le3A_785, %broadcast_in_dim3A_788, %broadcast_in_dim3A_789 : vector<16xi1>, vector<16xi32>
          %add3A_791 = arith.addi %add3A_780, %select_n3A_790 : vector<16xi32>
          %sub3A_792 = arith.constant 1 : i32
          %sub3A_793 = vector.broadcast %sub3A_792 : i32 to vector<16xi32>
          %sub3A_794 = arith.subi %add3A_791, %sub3A_793 : vector<16xi32>
          %max3A_795 = arith.constant 0 : i32
          %max3A_796 = vector.broadcast %max3A_795 : i32 to vector<16xi32>
          %max3A_797 = arith.maxsi %sub3A_794, %max3A_796 : vector<16xi32>
          %gather3A_798 = tpu.vector_load_idx %arg5[%broadcast_in_dim3A, %max3A_797] : memref<64x256xi32, #tpu.memory_space<vmem>>[vector<16xi32>, vector<16xi32>], vector<16xi32>,
          %eq3A_799 = arith.constant 0 : i32
          %eq3A_800 = vector.broadcast %eq3A_799 : i32 to vector<16xi32>
          %eq3A_801 = arith.cmpi eq, %add3A_791, %eq3A_800 : vector<16xi32>
          %jit3A_802 = arith.constant 0 : i32
          %broadcast_in_dim3A_803 = vector.broadcast %jit3A_802 : i32 to vector<16xi32>
          %select_n3A_804 = arith.select %eq3A_801, %broadcast_in_dim3A_803, %gather3A_798 : vector<16xi1>, vector<16xi32>
          %sub3A_805 = arith.subi %add3A_11, %select_n3A_804 : vector<16xi32>
          %gather3A_806 = tpu.vector_load_idx %arg7[%broadcast_in_dim3A, %add3A_791] : memref<64x256xi32, #tpu.memory_space<vmem>>[vector<16xi32>, vector<16xi32>], vector<16xi32>,
          %broadcast_in_dim3A_807 = arith.constant 0 : i32
          %broadcast_in_dim3A_808 = vector.broadcast %broadcast_in_dim3A_807 : i32 to vector<16xi32>
          %add3A_809 = arith.constant 7 : i32
          %add3A_810 = vector.broadcast %add3A_809 : i32 to vector<16xi32>
          %add3A_811 = arith.addi %broadcast_in_dim3A_808, %add3A_810 : vector<16xi32>
          %shift_left3A_812 = arith.constant 2 : i32
          %shift_left3A_813 = vector.broadcast %shift_left3A_812 : i32 to vector<16xi32>
          %shift_left3A_814 = arith.shli %shift_left3A_813, %add3A_811 : vector<16xi32>
          %sub3A_815 = arith.constant 1 : i32
          %sub3A_816 = vector.broadcast %sub3A_815 : i32 to vector<16xi32>
          %sub3A_817 = arith.subi %shift_left3A_814, %sub3A_816 : vector<16xi32>
          %and3A_818 = arith.andi %gather3A_806, %sub3A_817 : vector<16xi32>
          %shift_right_arithmetic3A_819 = arith.constant 1 : i32
          %shift_right_arithmetic3A_820 = vector.broadcast %shift_right_arithmetic3A_819 : i32 to vector<16xi32>
          %shift_right_arithmetic3A_821 = arith.shrsi %and3A_818, %shift_right_arithmetic3A_820 : vector<16xi32>
          %and3A_822 = arith.constant 21845 : i32
          %and3A_823 = vector.broadcast %and3A_822 : i32 to vector<16xi32>
          %and3A_824 = arith.andi %shift_right_arithmetic3A_821, %and3A_823 : vector<16xi32>
          %sub3A_825 = arith.subi %and3A_818, %and3A_824 : vector<16xi32>
          %and3A_826 = arith.constant 13107 : i32
          %and3A_827 = vector.broadcast %and3A_826 : i32 to vector<16xi32>
          %and3A_828 = arith.andi %sub3A_825, %and3A_827 : vector<16xi32>
          %shift_right_arithmetic3A_829 = arith.constant 2 : i32
          %shift_right_arithmetic3A_830 = vector.broadcast %shift_right_arithmetic3A_829 : i32 to vector<16xi32>
          %shift_right_arithmetic3A_831 = arith.shrsi %sub3A_825, %shift_right_arithmetic3A_830 : vector<16xi32>
          %and3A_832 = arith.constant 13107 : i32
          %and3A_833 = vector.broadcast %and3A_832 : i32 to vector<16xi32>
          %and3A_834 = arith.andi %shift_right_arithmetic3A_831, %and3A_833 : vector<16xi32>
          %add3A_835 = arith.addi %and3A_828, %and3A_834 : vector<16xi32>
          %shift_right_arithmetic3A_836 = arith.constant 4 : i32
          %shift_right_arithmetic3A_837 = vector.broadcast %shift_right_arithmetic3A_836 : i32 to vector<16xi32>
          %shift_right_arithmetic3A_838 = arith.shrsi %add3A_835, %shift_right_arithmetic3A_837 : vector<16xi32>
          %add3A_839 = arith.addi %add3A_835, %shift_right_arithmetic3A_838 : vector<16xi32>
          %and3A_840 = arith.constant 3855 : i32
          %and3A_841 = vector.broadcast %and3A_840 : i32 to vector<16xi32>
          %and3A_842 = arith.andi %add3A_839, %and3A_841 : vector<16xi32>
          %shift_right_arithmetic3A_843 = arith.constant 8 : i32
          %shift_right_arithmetic3A_844 = vector.broadcast %shift_right_arithmetic3A_843 : i32 to vector<16xi32>
          %shift_right_arithmetic3A_845 = arith.shrsi %and3A_842, %shift_right_arithmetic3A_844 : vector<16xi32>
          %add3A_846 = arith.addi %and3A_842, %shift_right_arithmetic3A_845 : vector<16xi32>
          %and3A_847 = arith.constant 31 : i32
          %and3A_848 = vector.broadcast %and3A_847 : i32 to vector<16xi32>
          %and3A_849 = arith.andi %add3A_846, %and3A_848 : vector<16xi32>
          %le3A_850 = arith.cmpi sle, %and3A_849, %sub3A_805 : vector<16xi32>
          %jit3A_851 = arith.constant 8 : i32
          %jit3A_852 = arith.constant 0 : i32
          %broadcast_in_dim3A_853 = vector.broadcast %jit3A_851 : i32 to vector<16xi32>
          %broadcast_in_dim3A_854 = vector.broadcast %jit3A_852 : i32 to vector<16xi32>
          %select_n3A_855 = arith.select %le3A_850, %broadcast_in_dim3A_853, %broadcast_in_dim3A_854 : vector<16xi1>, vector<16xi32>
          %add3A_856 = arith.addi %broadcast_in_dim3A_808, %select_n3A_855 : vector<16xi32>
          %add3A_857 = arith.constant 3 : i32
          %add3A_858 = vector.broadcast %add3A_857 : i32 to vector<16xi32>
          %add3A_859 = arith.addi %add3A_856, %add3A_858 : vector<16xi32>
          %shift_left3A_860 = arith.constant 2 : i32
          %shift_left3A_861 = vector.broadcast %shift_left3A_860 : i32 to vector<16xi32>
          %shift_left3A_862 = arith.shli %shift_left3A_861, %add3A_859 : vector<16xi32>
          %sub3A_863 = arith.constant 1 : i32
          %sub3A_864 = vector.broadcast %sub3A_863 : i32 to vector<16xi32>
          %sub3A_865 = arith.subi %shift_left3A_862, %sub3A_864 : vector<16xi32>
          %and3A_866 = arith.andi %gather3A_806, %sub3A_865 : vector<16xi32>
          %shift_right_arithmetic3A_867 = arith.constant 1 : i32
          %shift_right_arithmetic3A_868 = vector.broadcast %shift_right_arithmetic3A_867 : i32 to vector<16xi32>
          %shift_right_arithmetic3A_869 = arith.shrsi %and3A_866, %shift_right_arithmetic3A_868 : vector<16xi32>
          %and3A_870 = arith.constant 21845 : i32
          %and3A_871 = vector.broadcast %and3A_870 : i32 to vector<16xi32>
          %and3A_872 = arith.andi %shift_right_arithmetic3A_869, %and3A_871 : vector<16xi32>
          %sub3A_873 = arith.subi %and3A_866, %and3A_872 : vector<16xi32>
          %and3A_874 = arith.constant 13107 : i32
          %and3A_875 = vector.broadcast %and3A_874 : i32 to vector<16xi32>
          %and3A_876 = arith.andi %sub3A_873, %and3A_875 : vector<16xi32>
          %shift_right_arithmetic3A_877 = arith.constant 2 : i32
          %shift_right_arithmetic3A_878 = vector.broadcast %shift_right_arithmetic3A_877 : i32 to vector<16xi32>
          %shift_right_arithmetic3A_879 = arith.shrsi %sub3A_873, %shift_right_arithmetic3A_878 : vector<16xi32>
          %and3A_880 = arith.constant 13107 : i32
          %and3A_881 = vector.broadcast %and3A_880 : i32 to vector<16xi32>
          %and3A_882 = arith.andi %shift_right_arithmetic3A_879, %and3A_881 : vector<16xi32>
          %add3A_883 = arith.addi %and3A_876, %and3A_882 : vector<16xi32>
          %shift_right_arithmetic3A_884 = arith.constant 4 : i32
          %shift_right_arithmetic3A_885 = vector.broadcast %shift_right_arithmetic3A_884 : i32 to vector<16xi32>
          %shift_right_arithmetic3A_886 = arith.shrsi %add3A_883, %shift_right_arithmetic3A_885 : vector<16xi32>
          %add3A_887 = arith.addi %add3A_883, %shift_right_arithmetic3A_886 : vector<16xi32>
          %and3A_888 = arith.constant 3855 : i32
          %and3A_889 = vector.broadcast %and3A_888 : i32 to vector<16xi32>
          %and3A_890 = arith.andi %add3A_887, %and3A_889 : vector<16xi32>
          %shift_right_arithmetic3A_891 = arith.constant 8 : i32
          %shift_right_arithmetic3A_892 = vector.broadcast %shift_right_arithmetic3A_891 : i32 to vector<16xi32>
          %shift_right_arithmetic3A_893 = arith.shrsi %and3A_890, %shift_right_arithmetic3A_892 : vector<16xi32>
          %add3A_894 = arith.addi %and3A_890, %shift_right_arithmetic3A_893 : vector<16xi32>
          %and3A_895 = arith.constant 31 : i32
          %and3A_896 = vector.broadcast %and3A_895 : i32 to vector<16xi32>
          %and3A_897 = arith.andi %add3A_894, %and3A_896 : vector<16xi32>
          %le3A_898 = arith.cmpi sle, %and3A_897, %sub3A_805 : vector<16xi32>
          %jit3A_899 = arith.constant 4 : i32
          %jit3A_900 = arith.constant 0 : i32
          %broadcast_in_dim3A_901 = vector.broadcast %jit3A_899 : i32 to vector<16xi32>
          %broadcast_in_dim3A_902 = vector.broadcast %jit3A_900 : i32 to vector<16xi32>
          %select_n3A_903 = arith.select %le3A_898, %broadcast_in_dim3A_901, %broadcast_in_dim3A_902 : vector<16xi1>, vector<16xi32>
          %add3A_904 = arith.addi %add3A_856, %select_n3A_903 : vector<16xi32>
          %add3A_905 = arith.constant 1 : i32
          %add3A_906 = vector.broadcast %add3A_905 : i32 to vector<16xi32>
          %add3A_907 = arith.addi %add3A_904, %add3A_906 : vector<16xi32>
          %shift_left3A_908 = arith.constant 2 : i32
          %shift_left3A_909 = vector.broadcast %shift_left3A_908 : i32 to vector<16xi32>
          %shift_left3A_910 = arith.shli %shift_left3A_909, %add3A_907 : vector<16xi32>
          %sub3A_911 = arith.constant 1 : i32
          %sub3A_912 = vector.broadcast %sub3A_911 : i32 to vector<16xi32>
          %sub3A_913 = arith.subi %shift_left3A_910, %sub3A_912 : vector<16xi32>
          %and3A_914 = arith.andi %gather3A_806, %sub3A_913 : vector<16xi32>
          %shift_right_arithmetic3A_915 = arith.constant 1 : i32
          %shift_right_arithmetic3A_916 = vector.broadcast %shift_right_arithmetic3A_915 : i32 to vector<16xi32>
          %shift_right_arithmetic3A_917 = arith.shrsi %and3A_914, %shift_right_arithmetic3A_916 : vector<16xi32>
          %and3A_918 = arith.constant 21845 : i32
          %and3A_919 = vector.broadcast %and3A_918 : i32 to vector<16xi32>
          %and3A_920 = arith.andi %shift_right_arithmetic3A_917, %and3A_919 : vector<16xi32>
          %sub3A_921 = arith.subi %and3A_914, %and3A_920 : vector<16xi32>
          %and3A_922 = arith.constant 13107 : i32
          %and3A_923 = vector.broadcast %and3A_922 : i32 to vector<16xi32>
          %and3A_924 = arith.andi %sub3A_921, %and3A_923 : vector<16xi32>
          %shift_right_arithmetic3A_925 = arith.constant 2 : i32
          %shift_right_arithmetic3A_926 = vector.broadcast %shift_right_arithmetic3A_925 : i32 to vector<16xi32>
          %shift_right_arithmetic3A_927 = arith.shrsi %sub3A_921, %shift_right_arithmetic3A_926 : vector<16xi32>
          %and3A_928 = arith.constant 13107 : i32
          %and3A_929 = vector.broadcast %and3A_928 : i32 to vector<16xi32>
          %and3A_930 = arith.andi %shift_right_arithmetic3A_927, %and3A_929 : vector<16xi32>
          %add3A_931 = arith.addi %and3A_924, %and3A_930 : vector<16xi32>
          %shift_right_arithmetic3A_932 = arith.constant 4 : i32
          %shift_right_arithmetic3A_933 = vector.broadcast %shift_right_arithmetic3A_932 : i32 to vector<16xi32>
          %shift_right_arithmetic3A_934 = arith.shrsi %add3A_931, %shift_right_arithmetic3A_933 : vector<16xi32>
          %add3A_935 = arith.addi %add3A_931, %shift_right_arithmetic3A_934 : vector<16xi32>
          %and3A_936 = arith.constant 3855 : i32
          %and3A_937 = vector.broadcast %and3A_936 : i32 to vector<16xi32>
          %and3A_938 = arith.andi %add3A_935, %and3A_937 : vector<16xi32>
          %shift_right_arithmetic3A_939 = arith.constant 8 : i32
          %shift_right_arithmetic3A_940 = vector.broadcast %shift_right_arithmetic3A_939 : i32 to vector<16xi32>
          %shift_right_arithmetic3A_941 = arith.shrsi %and3A_938, %shift_right_arithmetic3A_940 : vector<16xi32>
          %add3A_942 = arith.addi %and3A_938, %shift_right_arithmetic3A_941 : vector<16xi32>
          %and3A_943 = arith.constant 31 : i32
          %and3A_944 = vector.broadcast %and3A_943 : i32 to vector<16xi32>
          %and3A_945 = arith.andi %add3A_942, %and3A_944 : vector<16xi32>
          %le3A_946 = arith.cmpi sle, %and3A_945, %sub3A_805 : vector<16xi32>
          %jit3A_947 = arith.constant 2 : i32
          %jit3A_948 = arith.constant 0 : i32
          %broadcast_in_dim3A_949 = vector.broadcast %jit3A_947 : i32 to vector<16xi32>
          %broadcast_in_dim3A_950 = vector.broadcast %jit3A_948 : i32 to vector<16xi32>
          %select_n3A_951 = arith.select %le3A_946, %broadcast_in_dim3A_949, %broadcast_in_dim3A_950 : vector<16xi1>, vector<16xi32>
          %add3A_952 = arith.addi %add3A_904, %select_n3A_951 : vector<16xi32>
          %add3A_953 = arith.constant 0 : i32
          %add3A_954 = vector.broadcast %add3A_953 : i32 to vector<16xi32>
          %add3A_955 = arith.addi %add3A_952, %add3A_954 : vector<16xi32>
          %shift_left3A_956 = arith.constant 2 : i32
          %shift_left3A_957 = vector.broadcast %shift_left3A_956 : i32 to vector<16xi32>
          %shift_left3A_958 = arith.shli %shift_left3A_957, %add3A_955 : vector<16xi32>
          %sub3A_959 = arith.constant 1 : i32
          %sub3A_960 = vector.broadcast %sub3A_959 : i32 to vector<16xi32>
          %sub3A_961 = arith.subi %shift_left3A_958, %sub3A_960 : vector<16xi32>
          %and3A_962 = arith.andi %gather3A_806, %sub3A_961 : vector<16xi32>
          %shift_right_arithmetic3A_963 = arith.constant 1 : i32
          %shift_right_arithmetic3A_964 = vector.broadcast %shift_right_arithmetic3A_963 : i32 to vector<16xi32>
          %shift_right_arithmetic3A_965 = arith.shrsi %and3A_962, %shift_right_arithmetic3A_964 : vector<16xi32>
          %and3A_966 = arith.constant 21845 : i32
          %and3A_967 = vector.broadcast %and3A_966 : i32 to vector<16xi32>
          %and3A_968 = arith.andi %shift_right_arithmetic3A_965, %and3A_967 : vector<16xi32>
          %sub3A_969 = arith.subi %and3A_962, %and3A_968 : vector<16xi32>
          %and3A_970 = arith.constant 13107 : i32
          %and3A_971 = vector.broadcast %and3A_970 : i32 to vector<16xi32>
          %and3A_972 = arith.andi %sub3A_969, %and3A_971 : vector<16xi32>
          %shift_right_arithmetic3A_973 = arith.constant 2 : i32
          %shift_right_arithmetic3A_974 = vector.broadcast %shift_right_arithmetic3A_973 : i32 to vector<16xi32>
          %shift_right_arithmetic3A_975 = arith.shrsi %sub3A_969, %shift_right_arithmetic3A_974 : vector<16xi32>
          %and3A_976 = arith.constant 13107 : i32
          %and3A_977 = vector.broadcast %and3A_976 : i32 to vector<16xi32>
          %and3A_978 = arith.andi %shift_right_arithmetic3A_975, %and3A_977 : vector<16xi32>
          %add3A_979 = arith.addi %and3A_972, %and3A_978 : vector<16xi32>
          %shift_right_arithmetic3A_980 = arith.constant 4 : i32
          %shift_right_arithmetic3A_981 = vector.broadcast %shift_right_arithmetic3A_980 : i32 to vector<16xi32>
          %shift_right_arithmetic3A_982 = arith.shrsi %add3A_979, %shift_right_arithmetic3A_981 : vector<16xi32>
          %add3A_983 = arith.addi %add3A_979, %shift_right_arithmetic3A_982 : vector<16xi32>
          %and3A_984 = arith.constant 3855 : i32
          %and3A_985 = vector.broadcast %and3A_984 : i32 to vector<16xi32>
          %and3A_986 = arith.andi %add3A_983, %and3A_985 : vector<16xi32>
          %shift_right_arithmetic3A_987 = arith.constant 8 : i32
          %shift_right_arithmetic3A_988 = vector.broadcast %shift_right_arithmetic3A_987 : i32 to vector<16xi32>
          %shift_right_arithmetic3A_989 = arith.shrsi %and3A_986, %shift_right_arithmetic3A_988 : vector<16xi32>
          %add3A_990 = arith.addi %and3A_986, %shift_right_arithmetic3A_989 : vector<16xi32>
          %and3A_991 = arith.constant 31 : i32
          %and3A_992 = vector.broadcast %and3A_991 : i32 to vector<16xi32>
          %and3A_993 = arith.andi %add3A_990, %and3A_992 : vector<16xi32>
          %le3A_994 = arith.cmpi sle, %and3A_993, %sub3A_805 : vector<16xi32>
          %jit3A_995 = arith.constant 1 : i32
          %jit3A_996 = arith.constant 0 : i32
          %broadcast_in_dim3A_997 = vector.broadcast %jit3A_995 : i32 to vector<16xi32>
          %broadcast_in_dim3A_998 = vector.broadcast %jit3A_996 : i32 to vector<16xi32>
          %select_n3A_999 = arith.select %le3A_994, %broadcast_in_dim3A_997, %broadcast_in_dim3A_998 : vector<16xi1>, vector<16xi32>
          %add3A_1000 = arith.addi %add3A_952, %select_n3A_999 : vector<16xi32>
          %mul3A_1001 = arith.constant 16 : i32
          %mul3A_1002 = vector.broadcast %mul3A_1001 : i32 to vector<16xi32>
          %mul3A_1003 = arith.muli %add3A_791, %mul3A_1002 : vector<16xi32>
          %add3A_1004 = arith.addi %mul3A_1003, %add3A_1000 : vector<16xi32>
          %broadcast_in_dim3A_1005 = arith.constant 0 : i32
          %broadcast_in_dim3A_1006 = vector.broadcast %broadcast_in_dim3A_1005 : i32 to vector<16xi32>
          %add3A_1007 = arith.constant 127 : i32
          %add3A_1008 = vector.broadcast %add3A_1007 : i32 to vector<16xi32>
          %add3A_1009 = arith.addi %broadcast_in_dim3A_1006, %add3A_1008 : vector<16xi32>
          %gather3A_1010 = tpu.vector_load_idx %arg5[%broadcast_in_dim3A, %add3A_1009] : memref<64x256xi32, #tpu.memory_space<vmem>>[vector<16xi32>, vector<16xi32>], vector<16xi32>,
          %le3A_1011 = arith.cmpi sle, %gather3A_1010, %add3A_14 : vector<16xi32>
          %jit3A_1012 = arith.constant 128 : i32
          %jit3A_1013 = arith.constant 0 : i32
          %broadcast_in_dim3A_1014 = vector.broadcast %jit3A_1012 : i32 to vector<16xi32>
          %broadcast_in_dim3A_1015 = vector.broadcast %jit3A_1013 : i32 to vector<16xi32>
          %select_n3A_1016 = arith.select %le3A_1011, %broadcast_in_dim3A_1014, %broadcast_in_dim3A_1015 : vector<16xi1>, vector<16xi32>
          %add3A_1017 = arith.addi %broadcast_in_dim3A_1006, %select_n3A_1016 : vector<16xi32>
          %add3A_1018 = arith.constant 63 : i32
          %add3A_1019 = vector.broadcast %add3A_1018 : i32 to vector<16xi32>
          %add3A_1020 = arith.addi %add3A_1017, %add3A_1019 : vector<16xi32>
          %gather3A_1021 = tpu.vector_load_idx %arg5[%broadcast_in_dim3A, %add3A_1020] : memref<64x256xi32, #tpu.memory_space<vmem>>[vector<16xi32>, vector<16xi32>], vector<16xi32>,
          %le3A_1022 = arith.cmpi sle, %gather3A_1021, %add3A_14 : vector<16xi32>
          %jit3A_1023 = arith.constant 64 : i32
          %jit3A_1024 = arith.constant 0 : i32
          %broadcast_in_dim3A_1025 = vector.broadcast %jit3A_1023 : i32 to vector<16xi32>
          %broadcast_in_dim3A_1026 = vector.broadcast %jit3A_1024 : i32 to vector<16xi32>
          %select_n3A_1027 = arith.select %le3A_1022, %broadcast_in_dim3A_1025, %broadcast_in_dim3A_1026 : vector<16xi1>, vector<16xi32>
          %add3A_1028 = arith.addi %add3A_1017, %select_n3A_1027 : vector<16xi32>
          %add3A_1029 = arith.constant 31 : i32
          %add3A_1030 = vector.broadcast %add3A_1029 : i32 to vector<16xi32>
          %add3A_1031 = arith.addi %add3A_1028, %add3A_1030 : vector<16xi32>
          %gather3A_1032 = tpu.vector_load_idx %arg5[%broadcast_in_dim3A, %add3A_1031] : memref<64x256xi32, #tpu.memory_space<vmem>>[vector<16xi32>, vector<16xi32>], vector<16xi32>,
          %le3A_1033 = arith.cmpi sle, %gather3A_1032, %add3A_14 : vector<16xi32>
          %jit3A_1034 = arith.constant 32 : i32
          %jit3A_1035 = arith.constant 0 : i32
          %broadcast_in_dim3A_1036 = vector.broadcast %jit3A_1034 : i32 to vector<16xi32>
          %broadcast_in_dim3A_1037 = vector.broadcast %jit3A_1035 : i32 to vector<16xi32>
          %select_n3A_1038 = arith.select %le3A_1033, %broadcast_in_dim3A_1036, %broadcast_in_dim3A_1037 : vector<16xi1>, vector<16xi32>
          %add3A_1039 = arith.addi %add3A_1028, %select_n3A_1038 : vector<16xi32>
          %add3A_1040 = arith.constant 15 : i32
          %add3A_1041 = vector.broadcast %add3A_1040 : i32 to vector<16xi32>
          %add3A_1042 = arith.addi %add3A_1039, %add3A_1041 : vector<16xi32>
          %gather3A_1043 = tpu.vector_load_idx %arg5[%broadcast_in_dim3A, %add3A_1042] : memref<64x256xi32, #tpu.memory_space<vmem>>[vector<16xi32>, vector<16xi32>], vector<16xi32>,
          %le3A_1044 = arith.cmpi sle, %gather3A_1043, %add3A_14 : vector<16xi32>
          %jit3A_1045 = arith.constant 16 : i32
          %jit3A_1046 = arith.constant 0 : i32
          %broadcast_in_dim3A_1047 = vector.broadcast %jit3A_1045 : i32 to vector<16xi32>
          %broadcast_in_dim3A_1048 = vector.broadcast %jit3A_1046 : i32 to vector<16xi32>
          %select_n3A_1049 = arith.select %le3A_1044, %broadcast_in_dim3A_1047, %broadcast_in_dim3A_1048 : vector<16xi1>, vector<16xi32>
          %add3A_1050 = arith.addi %add3A_1039, %select_n3A_1049 : vector<16xi32>
          %add3A_1051 = arith.constant 7 : i32
          %add3A_1052 = vector.broadcast %add3A_1051 : i32 to vector<16xi32>
          %add3A_1053 = arith.addi %add3A_1050, %add3A_1052 : vector<16xi32>
          %gather3A_1054 = tpu.vector_load_idx %arg5[%broadcast_in_dim3A, %add3A_1053] : memref<64x256xi32, #tpu.memory_space<vmem>>[vector<16xi32>, vector<16xi32>], vector<16xi32>,
          %le3A_1055 = arith.cmpi sle, %gather3A_1054, %add3A_14 : vector<16xi32>
          %jit3A_1056 = arith.constant 8 : i32
          %jit3A_1057 = arith.constant 0 : i32
          %broadcast_in_dim3A_1058 = vector.broadcast %jit3A_1056 : i32 to vector<16xi32>
          %broadcast_in_dim3A_1059 = vector.broadcast %jit3A_1057 : i32 to vector<16xi32>
          %select_n3A_1060 = arith.select %le3A_1055, %broadcast_in_dim3A_1058, %broadcast_in_dim3A_1059 : vector<16xi1>, vector<16xi32>
          %add3A_1061 = arith.addi %add3A_1050, %select_n3A_1060 : vector<16xi32>
          %add3A_1062 = arith.constant 3 : i32
          %add3A_1063 = vector.broadcast %add3A_1062 : i32 to vector<16xi32>
          %add3A_1064 = arith.addi %add3A_1061, %add3A_1063 : vector<16xi32>
          %gather3A_1065 = tpu.vector_load_idx %arg5[%broadcast_in_dim3A, %add3A_1064] : memref<64x256xi32, #tpu.memory_space<vmem>>[vector<16xi32>, vector<16xi32>], vector<16xi32>,
          %le3A_1066 = arith.cmpi sle, %gather3A_1065, %add3A_14 : vector<16xi32>
          %jit3A_1067 = arith.constant 4 : i32
          %jit3A_1068 = arith.constant 0 : i32
          %broadcast_in_dim3A_1069 = vector.broadcast %jit3A_1067 : i32 to vector<16xi32>
          %broadcast_in_dim3A_1070 = vector.broadcast %jit3A_1068 : i32 to vector<16xi32>
          %select_n3A_1071 = arith.select %le3A_1066, %broadcast_in_dim3A_1069, %broadcast_in_dim3A_1070 : vector<16xi1>, vector<16xi32>
          %add3A_1072 = arith.addi %add3A_1061, %select_n3A_1071 : vector<16xi32>
          %add3A_1073 = arith.constant 1 : i32
          %add3A_1074 = vector.broadcast %add3A_1073 : i32 to vector<16xi32>
          %add3A_1075 = arith.addi %add3A_1072, %add3A_1074 : vector<16xi32>
          %gather3A_1076 = tpu.vector_load_idx %arg5[%broadcast_in_dim3A, %add3A_1075] : memref<64x256xi32, #tpu.memory_space<vmem>>[vector<16xi32>, vector<16xi32>], vector<16xi32>,
          %le3A_1077 = arith.cmpi sle, %gather3A_1076, %add3A_14 : vector<16xi32>
          %jit3A_1078 = arith.constant 2 : i32
          %jit3A_1079 = arith.constant 0 : i32
          %broadcast_in_dim3A_1080 = vector.broadcast %jit3A_1078 : i32 to vector<16xi32>
          %broadcast_in_dim3A_1081 = vector.broadcast %jit3A_1079 : i32 to vector<16xi32>
          %select_n3A_1082 = arith.select %le3A_1077, %broadcast_in_dim3A_1080, %broadcast_in_dim3A_1081 : vector<16xi1>, vector<16xi32>
          %add3A_1083 = arith.addi %add3A_1072, %select_n3A_1082 : vector<16xi32>
          %add3A_1084 = arith.constant 0 : i32
          %add3A_1085 = vector.broadcast %add3A_1084 : i32 to vector<16xi32>
          %add3A_1086 = arith.addi %add3A_1083, %add3A_1085 : vector<16xi32>
          %gather3A_1087 = tpu.vector_load_idx %arg5[%broadcast_in_dim3A, %add3A_1086] : memref<64x256xi32, #tpu.memory_space<vmem>>[vector<16xi32>, vector<16xi32>], vector<16xi32>,
          %le3A_1088 = arith.cmpi sle, %gather3A_1087, %add3A_14 : vector<16xi32>
          %jit3A_1089 = arith.constant 1 : i32
          %jit3A_1090 = arith.constant 0 : i32
          %broadcast_in_dim3A_1091 = vector.broadcast %jit3A_1089 : i32 to vector<16xi32>
          %broadcast_in_dim3A_1092 = vector.broadcast %jit3A_1090 : i32 to vector<16xi32>
          %select_n3A_1093 = arith.select %le3A_1088, %broadcast_in_dim3A_1091, %broadcast_in_dim3A_1092 : vector<16xi1>, vector<16xi32>
          %add3A_1094 = arith.addi %add3A_1083, %select_n3A_1093 : vector<16xi32>
          %sub3A_1095 = arith.constant 1 : i32
          %sub3A_1096 = vector.broadcast %sub3A_1095 : i32 to vector<16xi32>
          %sub3A_1097 = arith.subi %add3A_1094, %sub3A_1096 : vector<16xi32>
          %max3A_1098 = arith.constant 0 : i32
          %max3A_1099 = vector.broadcast %max3A_1098 : i32 to vector<16xi32>
          %max3A_1100 = arith.maxsi %sub3A_1097, %max3A_1099 : vector<16xi32>
          %gather3A_1101 = tpu.vector_load_idx %arg5[%broadcast_in_dim3A, %max3A_1100] : memref<64x256xi32, #tpu.memory_space<vmem>>[vector<16xi32>, vector<16xi32>], vector<16xi32>,
          %eq3A_1102 = arith.constant 0 : i32
          %eq3A_1103 = vector.broadcast %eq3A_1102 : i32 to vector<16xi32>
          %eq3A_1104 = arith.cmpi eq, %add3A_1094, %eq3A_1103 : vector<16xi32>
          %jit3A_1105 = arith.constant 0 : i32
          %broadcast_in_dim3A_1106 = vector.broadcast %jit3A_1105 : i32 to vector<16xi32>
          %select_n3A_1107 = arith.select %eq3A_1104, %broadcast_in_dim3A_1106, %gather3A_1101 : vector<16xi1>, vector<16xi32>
          %sub3A_1108 = arith.subi %add3A_14, %select_n3A_1107 : vector<16xi32>
          %gather3A_1109 = tpu.vector_load_idx %arg7[%broadcast_in_dim3A, %add3A_1094] : memref<64x256xi32, #tpu.memory_space<vmem>>[vector<16xi32>, vector<16xi32>], vector<16xi32>,
          %broadcast_in_dim3A_1110 = arith.constant 0 : i32
          %broadcast_in_dim3A_1111 = vector.broadcast %broadcast_in_dim3A_1110 : i32 to vector<16xi32>
          %add3A_1112 = arith.constant 7 : i32
          %add3A_1113 = vector.broadcast %add3A_1112 : i32 to vector<16xi32>
          %add3A_1114 = arith.addi %broadcast_in_dim3A_1111, %add3A_1113 : vector<16xi32>
          %shift_left3A_1115 = arith.constant 2 : i32
          %shift_left3A_1116 = vector.broadcast %shift_left3A_1115 : i32 to vector<16xi32>
          %shift_left3A_1117 = arith.shli %shift_left3A_1116, %add3A_1114 : vector<16xi32>
          %sub3A_1118 = arith.constant 1 : i32
          %sub3A_1119 = vector.broadcast %sub3A_1118 : i32 to vector<16xi32>
          %sub3A_1120 = arith.subi %shift_left3A_1117, %sub3A_1119 : vector<16xi32>
          %and3A_1121 = arith.andi %gather3A_1109, %sub3A_1120 : vector<16xi32>
          %shift_right_arithmetic3A_1122 = arith.constant 1 : i32
          %shift_right_arithmetic3A_1123 = vector.broadcast %shift_right_arithmetic3A_1122 : i32 to vector<16xi32>
          %shift_right_arithmetic3A_1124 = arith.shrsi %and3A_1121, %shift_right_arithmetic3A_1123 : vector<16xi32>
          %and3A_1125 = arith.constant 21845 : i32
          %and3A_1126 = vector.broadcast %and3A_1125 : i32 to vector<16xi32>
          %and3A_1127 = arith.andi %shift_right_arithmetic3A_1124, %and3A_1126 : vector<16xi32>
          %sub3A_1128 = arith.subi %and3A_1121, %and3A_1127 : vector<16xi32>
          %and3A_1129 = arith.constant 13107 : i32
          %and3A_1130 = vector.broadcast %and3A_1129 : i32 to vector<16xi32>
          %and3A_1131 = arith.andi %sub3A_1128, %and3A_1130 : vector<16xi32>
          %shift_right_arithmetic3A_1132 = arith.constant 2 : i32
          %shift_right_arithmetic3A_1133 = vector.broadcast %shift_right_arithmetic3A_1132 : i32 to vector<16xi32>
          %shift_right_arithmetic3A_1134 = arith.shrsi %sub3A_1128, %shift_right_arithmetic3A_1133 : vector<16xi32>
          %and3A_1135 = arith.constant 13107 : i32
          %and3A_1136 = vector.broadcast %and3A_1135 : i32 to vector<16xi32>
          %and3A_1137 = arith.andi %shift_right_arithmetic3A_1134, %and3A_1136 : vector<16xi32>
          %add3A_1138 = arith.addi %and3A_1131, %and3A_1137 : vector<16xi32>
          %shift_right_arithmetic3A_1139 = arith.constant 4 : i32
          %shift_right_arithmetic3A_1140 = vector.broadcast %shift_right_arithmetic3A_1139 : i32 to vector<16xi32>
          %shift_right_arithmetic3A_1141 = arith.shrsi %add3A_1138, %shift_right_arithmetic3A_1140 : vector<16xi32>
          %add3A_1142 = arith.addi %add3A_1138, %shift_right_arithmetic3A_1141 : vector<16xi32>
          %and3A_1143 = arith.constant 3855 : i32
          %and3A_1144 = vector.broadcast %and3A_1143 : i32 to vector<16xi32>
          %and3A_1145 = arith.andi %add3A_1142, %and3A_1144 : vector<16xi32>
          %shift_right_arithmetic3A_1146 = arith.constant 8 : i32
          %shift_right_arithmetic3A_1147 = vector.broadcast %shift_right_arithmetic3A_1146 : i32 to vector<16xi32>
          %shift_right_arithmetic3A_1148 = arith.shrsi %and3A_1145, %shift_right_arithmetic3A_1147 : vector<16xi32>
          %add3A_1149 = arith.addi %and3A_1145, %shift_right_arithmetic3A_1148 : vector<16xi32>
          %and3A_1150 = arith.constant 31 : i32
          %and3A_1151 = vector.broadcast %and3A_1150 : i32 to vector<16xi32>
          %and3A_1152 = arith.andi %add3A_1149, %and3A_1151 : vector<16xi32>
          %le3A_1153 = arith.cmpi sle, %and3A_1152, %sub3A_1108 : vector<16xi32>
          %jit3A_1154 = arith.constant 8 : i32
          %jit3A_1155 = arith.constant 0 : i32
          %broadcast_in_dim3A_1156 = vector.broadcast %jit3A_1154 : i32 to vector<16xi32>
          %broadcast_in_dim3A_1157 = vector.broadcast %jit3A_1155 : i32 to vector<16xi32>
          %select_n3A_1158 = arith.select %le3A_1153, %broadcast_in_dim3A_1156, %broadcast_in_dim3A_1157 : vector<16xi1>, vector<16xi32>
          %add3A_1159 = arith.addi %broadcast_in_dim3A_1111, %select_n3A_1158 : vector<16xi32>
          %add3A_1160 = arith.constant 3 : i32
          %add3A_1161 = vector.broadcast %add3A_1160 : i32 to vector<16xi32>
          %add3A_1162 = arith.addi %add3A_1159, %add3A_1161 : vector<16xi32>
          %shift_left3A_1163 = arith.constant 2 : i32
          %shift_left3A_1164 = vector.broadcast %shift_left3A_1163 : i32 to vector<16xi32>
          %shift_left3A_1165 = arith.shli %shift_left3A_1164, %add3A_1162 : vector<16xi32>
          %sub3A_1166 = arith.constant 1 : i32
          %sub3A_1167 = vector.broadcast %sub3A_1166 : i32 to vector<16xi32>
          %sub3A_1168 = arith.subi %shift_left3A_1165, %sub3A_1167 : vector<16xi32>
          %and3A_1169 = arith.andi %gather3A_1109, %sub3A_1168 : vector<16xi32>
          %shift_right_arithmetic3A_1170 = arith.constant 1 : i32
          %shift_right_arithmetic3A_1171 = vector.broadcast %shift_right_arithmetic3A_1170 : i32 to vector<16xi32>
          %shift_right_arithmetic3A_1172 = arith.shrsi %and3A_1169, %shift_right_arithmetic3A_1171 : vector<16xi32>
          %and3A_1173 = arith.constant 21845 : i32
          %and3A_1174 = vector.broadcast %and3A_1173 : i32 to vector<16xi32>
          %and3A_1175 = arith.andi %shift_right_arithmetic3A_1172, %and3A_1174 : vector<16xi32>
          %sub3A_1176 = arith.subi %and3A_1169, %and3A_1175 : vector<16xi32>
          %and3A_1177 = arith.constant 13107 : i32
          %and3A_1178 = vector.broadcast %and3A_1177 : i32 to vector<16xi32>
          %and3A_1179 = arith.andi %sub3A_1176, %and3A_1178 : vector<16xi32>
          %shift_right_arithmetic3A_1180 = arith.constant 2 : i32
          %shift_right_arithmetic3A_1181 = vector.broadcast %shift_right_arithmetic3A_1180 : i32 to vector<16xi32>
          %shift_right_arithmetic3A_1182 = arith.shrsi %sub3A_1176, %shift_right_arithmetic3A_1181 : vector<16xi32>
          %and3A_1183 = arith.constant 13107 : i32
          %and3A_1184 = vector.broadcast %and3A_1183 : i32 to vector<16xi32>
          %and3A_1185 = arith.andi %shift_right_arithmetic3A_1182, %and3A_1184 : vector<16xi32>
          %add3A_1186 = arith.addi %and3A_1179, %and3A_1185 : vector<16xi32>
          %shift_right_arithmetic3A_1187 = arith.constant 4 : i32
          %shift_right_arithmetic3A_1188 = vector.broadcast %shift_right_arithmetic3A_1187 : i32 to vector<16xi32>
          %shift_right_arithmetic3A_1189 = arith.shrsi %add3A_1186, %shift_right_arithmetic3A_1188 : vector<16xi32>
          %add3A_1190 = arith.addi %add3A_1186, %shift_right_arithmetic3A_1189 : vector<16xi32>
          %and3A_1191 = arith.constant 3855 : i32
          %and3A_1192 = vector.broadcast %and3A_1191 : i32 to vector<16xi32>
          %and3A_1193 = arith.andi %add3A_1190, %and3A_1192 : vector<16xi32>
          %shift_right_arithmetic3A_1194 = arith.constant 8 : i32
          %shift_right_arithmetic3A_1195 = vector.broadcast %shift_right_arithmetic3A_1194 : i32 to vector<16xi32>
          %shift_right_arithmetic3A_1196 = arith.shrsi %and3A_1193, %shift_right_arithmetic3A_1195 : vector<16xi32>
          %add3A_1197 = arith.addi %and3A_1193, %shift_right_arithmetic3A_1196 : vector<16xi32>
          %and3A_1198 = arith.constant 31 : i32
          %and3A_1199 = vector.broadcast %and3A_1198 : i32 to vector<16xi32>
          %and3A_1200 = arith.andi %add3A_1197, %and3A_1199 : vector<16xi32>
          %le3A_1201 = arith.cmpi sle, %and3A_1200, %sub3A_1108 : vector<16xi32>
          %jit3A_1202 = arith.constant 4 : i32
          %jit3A_1203 = arith.constant 0 : i32
          %broadcast_in_dim3A_1204 = vector.broadcast %jit3A_1202 : i32 to vector<16xi32>
          %broadcast_in_dim3A_1205 = vector.broadcast %jit3A_1203 : i32 to vector<16xi32>
          %select_n3A_1206 = arith.select %le3A_1201, %broadcast_in_dim3A_1204, %broadcast_in_dim3A_1205 : vector<16xi1>, vector<16xi32>
          %add3A_1207 = arith.addi %add3A_1159, %select_n3A_1206 : vector<16xi32>
          %add3A_1208 = arith.constant 1 : i32
          %add3A_1209 = vector.broadcast %add3A_1208 : i32 to vector<16xi32>
          %add3A_1210 = arith.addi %add3A_1207, %add3A_1209 : vector<16xi32>
          %shift_left3A_1211 = arith.constant 2 : i32
          %shift_left3A_1212 = vector.broadcast %shift_left3A_1211 : i32 to vector<16xi32>
          %shift_left3A_1213 = arith.shli %shift_left3A_1212, %add3A_1210 : vector<16xi32>
          %sub3A_1214 = arith.constant 1 : i32
          %sub3A_1215 = vector.broadcast %sub3A_1214 : i32 to vector<16xi32>
          %sub3A_1216 = arith.subi %shift_left3A_1213, %sub3A_1215 : vector<16xi32>
          %and3A_1217 = arith.andi %gather3A_1109, %sub3A_1216 : vector<16xi32>
          %shift_right_arithmetic3A_1218 = arith.constant 1 : i32
          %shift_right_arithmetic3A_1219 = vector.broadcast %shift_right_arithmetic3A_1218 : i32 to vector<16xi32>
          %shift_right_arithmetic3A_1220 = arith.shrsi %and3A_1217, %shift_right_arithmetic3A_1219 : vector<16xi32>
          %and3A_1221 = arith.constant 21845 : i32
          %and3A_1222 = vector.broadcast %and3A_1221 : i32 to vector<16xi32>
          %and3A_1223 = arith.andi %shift_right_arithmetic3A_1220, %and3A_1222 : vector<16xi32>
          %sub3A_1224 = arith.subi %and3A_1217, %and3A_1223 : vector<16xi32>
          %and3A_1225 = arith.constant 13107 : i32
          %and3A_1226 = vector.broadcast %and3A_1225 : i32 to vector<16xi32>
          %and3A_1227 = arith.andi %sub3A_1224, %and3A_1226 : vector<16xi32>
          %shift_right_arithmetic3A_1228 = arith.constant 2 : i32
          %shift_right_arithmetic3A_1229 = vector.broadcast %shift_right_arithmetic3A_1228 : i32 to vector<16xi32>
          %shift_right_arithmetic3A_1230 = arith.shrsi %sub3A_1224, %shift_right_arithmetic3A_1229 : vector<16xi32>
          %and3A_1231 = arith.constant 13107 : i32
          %and3A_1232 = vector.broadcast %and3A_1231 : i32 to vector<16xi32>
          %and3A_1233 = arith.andi %shift_right_arithmetic3A_1230, %and3A_1232 : vector<16xi32>
          %add3A_1234 = arith.addi %and3A_1227, %and3A_1233 : vector<16xi32>
          %shift_right_arithmetic3A_1235 = arith.constant 4 : i32
          %shift_right_arithmetic3A_1236 = vector.broadcast %shift_right_arithmetic3A_1235 : i32 to vector<16xi32>
          %shift_right_arithmetic3A_1237 = arith.shrsi %add3A_1234, %shift_right_arithmetic3A_1236 : vector<16xi32>
          %add3A_1238 = arith.addi %add3A_1234, %shift_right_arithmetic3A_1237 : vector<16xi32>
          %and3A_1239 = arith.constant 3855 : i32
          %and3A_1240 = vector.broadcast %and3A_1239 : i32 to vector<16xi32>
          %and3A_1241 = arith.andi %add3A_1238, %and3A_1240 : vector<16xi32>
          %shift_right_arithmetic3A_1242 = arith.constant 8 : i32
          %shift_right_arithmetic3A_1243 = vector.broadcast %shift_right_arithmetic3A_1242 : i32 to vector<16xi32>
          %shift_right_arithmetic3A_1244 = arith.shrsi %and3A_1241, %shift_right_arithmetic3A_1243 : vector<16xi32>
          %add3A_1245 = arith.addi %and3A_1241, %shift_right_arithmetic3A_1244 : vector<16xi32>
          %and3A_1246 = arith.constant 31 : i32
          %and3A_1247 = vector.broadcast %and3A_1246 : i32 to vector<16xi32>
          %and3A_1248 = arith.andi %add3A_1245, %and3A_1247 : vector<16xi32>
          %le3A_1249 = arith.cmpi sle, %and3A_1248, %sub3A_1108 : vector<16xi32>
          %jit3A_1250 = arith.constant 2 : i32
          %jit3A_1251 = arith.constant 0 : i32
          %broadcast_in_dim3A_1252 = vector.broadcast %jit3A_1250 : i32 to vector<16xi32>
          %broadcast_in_dim3A_1253 = vector.broadcast %jit3A_1251 : i32 to vector<16xi32>
          %select_n3A_1254 = arith.select %le3A_1249, %broadcast_in_dim3A_1252, %broadcast_in_dim3A_1253 : vector<16xi1>, vector<16xi32>
          %add3A_1255 = arith.addi %add3A_1207, %select_n3A_1254 : vector<16xi32>
          %add3A_1256 = arith.constant 0 : i32
          %add3A_1257 = vector.broadcast %add3A_1256 : i32 to vector<16xi32>
          %add3A_1258 = arith.addi %add3A_1255, %add3A_1257 : vector<16xi32>
          %shift_left3A_1259 = arith.constant 2 : i32
          %shift_left3A_1260 = vector.broadcast %shift_left3A_1259 : i32 to vector<16xi32>
          %shift_left3A_1261 = arith.shli %shift_left3A_1260, %add3A_1258 : vector<16xi32>
          %sub3A_1262 = arith.constant 1 : i32
          %sub3A_1263 = vector.broadcast %sub3A_1262 : i32 to vector<16xi32>
          %sub3A_1264 = arith.subi %shift_left3A_1261, %sub3A_1263 : vector<16xi32>
          %and3A_1265 = arith.andi %gather3A_1109, %sub3A_1264 : vector<16xi32>
          %shift_right_arithmetic3A_1266 = arith.constant 1 : i32
          %shift_right_arithmetic3A_1267 = vector.broadcast %shift_right_arithmetic3A_1266 : i32 to vector<16xi32>
          %shift_right_arithmetic3A_1268 = arith.shrsi %and3A_1265, %shift_right_arithmetic3A_1267 : vector<16xi32>
          %and3A_1269 = arith.constant 21845 : i32
          %and3A_1270 = vector.broadcast %and3A_1269 : i32 to vector<16xi32>
          %and3A_1271 = arith.andi %shift_right_arithmetic3A_1268, %and3A_1270 : vector<16xi32>
          %sub3A_1272 = arith.subi %and3A_1265, %and3A_1271 : vector<16xi32>
          %and3A_1273 = arith.constant 13107 : i32
          %and3A_1274 = vector.broadcast %and3A_1273 : i32 to vector<16xi32>
          %and3A_1275 = arith.andi %sub3A_1272, %and3A_1274 : vector<16xi32>
          %shift_right_arithmetic3A_1276 = arith.constant 2 : i32
          %shift_right_arithmetic3A_1277 = vector.broadcast %shift_right_arithmetic3A_1276 : i32 to vector<16xi32>
          %shift_right_arithmetic3A_1278 = arith.shrsi %sub3A_1272, %shift_right_arithmetic3A_1277 : vector<16xi32>
          %and3A_1279 = arith.constant 13107 : i32
          %and3A_1280 = vector.broadcast %and3A_1279 : i32 to vector<16xi32>
          %and3A_1281 = arith.andi %shift_right_arithmetic3A_1278, %and3A_1280 : vector<16xi32>
          %add3A_1282 = arith.addi %and3A_1275, %and3A_1281 : vector<16xi32>
          %shift_right_arithmetic3A_1283 = arith.constant 4 : i32
          %shift_right_arithmetic3A_1284 = vector.broadcast %shift_right_arithmetic3A_1283 : i32 to vector<16xi32>
          %shift_right_arithmetic3A_1285 = arith.shrsi %add3A_1282, %shift_right_arithmetic3A_1284 : vector<16xi32>
          %add3A_1286 = arith.addi %add3A_1282, %shift_right_arithmetic3A_1285 : vector<16xi32>
          %and3A_1287 = arith.constant 3855 : i32
          %and3A_1288 = vector.broadcast %and3A_1287 : i32 to vector<16xi32>
          %and3A_1289 = arith.andi %add3A_1286, %and3A_1288 : vector<16xi32>
          %shift_right_arithmetic3A_1290 = arith.constant 8 : i32
          %shift_right_arithmetic3A_1291 = vector.broadcast %shift_right_arithmetic3A_1290 : i32 to vector<16xi32>
          %shift_right_arithmetic3A_1292 = arith.shrsi %and3A_1289, %shift_right_arithmetic3A_1291 : vector<16xi32>
          %add3A_1293 = arith.addi %and3A_1289, %shift_right_arithmetic3A_1292 : vector<16xi32>
          %and3A_1294 = arith.constant 31 : i32
          %and3A_1295 = vector.broadcast %and3A_1294 : i32 to vector<16xi32>
          %and3A_1296 = arith.andi %add3A_1293, %and3A_1295 : vector<16xi32>
          %le3A_1297 = arith.cmpi sle, %and3A_1296, %sub3A_1108 : vector<16xi32>
          %jit3A_1298 = arith.constant 1 : i32
          %jit3A_1299 = arith.constant 0 : i32
          %broadcast_in_dim3A_1300 = vector.broadcast %jit3A_1298 : i32 to vector<16xi32>
          %broadcast_in_dim3A_1301 = vector.broadcast %jit3A_1299 : i32 to vector<16xi32>
          %select_n3A_1302 = arith.select %le3A_1297, %broadcast_in_dim3A_1300, %broadcast_in_dim3A_1301 : vector<16xi1>, vector<16xi32>
          %add3A_1303 = arith.addi %add3A_1255, %select_n3A_1302 : vector<16xi32>
          %mul3A_1304 = arith.constant 16 : i32
          %mul3A_1305 = vector.broadcast %mul3A_1304 : i32 to vector<16xi32>
          %mul3A_1306 = arith.muli %add3A_1094, %mul3A_1305 : vector<16xi32>
          %add3A_1307 = arith.addi %mul3A_1306, %add3A_1303 : vector<16xi32>
          %reduce_min3A = arith.constant true
          %reduce_min3A_1308 = vector.broadcast %reduce_min3A : i1 to vector<16xi1>
          %reduce_min3A_1309 = arith.constant -2147483648 : i32
          %reduce_min3A_1310 = vector.broadcast %reduce_min3A_1309 : i32 to vector<16xi32>
          %reduce_min3A_1311 = arith.xori %add3A_398, %reduce_min3A_1310 : vector<16xi32>
          %reduce_min3A_1312 = tpu.scan <min>, %reduce_min3A_1311 masked %reduce_min3A_1308 : vector<16xi32>, vector<16xi1> -> vector<16xi32>
          %reduce_min3A_1313 = arith.xori %reduce_min3A_1312, %reduce_min3A_1310 : vector<16xi32>
          %reduce_min3A_1314 = vector.extract %reduce_min3A_1313[15] : i32 from vector<16xi32>
          %broadcast_in_dim3A_1315 = vector.broadcast %reduce_min3A_1314 : i32 to vector<16xi32>
          %ge3A = arith.cmpi sge, %add3A_5, %gather3A : vector<16xi32>
          %select_n3A_1316 = arith.select %ge3A, %broadcast_in_dim3A_1315, %add3A_398 : vector<16xi1>, vector<16xi32>
          %mul3A_1317 = arith.constant 64 : i32
          %mul3A_1318 = arith.muli %add3A_98, %mul3A_1317 : i32
          %add3A_1319 = arith.constant 0 : i32
          %add3A_1320 = arith.addi %mul3A_1318, %add3A_1319 : i32
          %swap3A = arith.index_cast %add3A_1320 : i32 to index
          %swap3A_1321 = tpu.vector_load %arg9[%swap3A] {strides = array<i32>} : memref<16384xi32, #tpu.memory_space<vmem>>, vector<16xi32>,
          tpu.vector_store %arg9[%swap3A], %select_n3A_1316 {strides = array<i32>} : memref<16384xi32, #tpu.memory_space<vmem>>, vector<16xi32>,
          %ge3A_1322 = arith.cmpi sge, %add3A_8, %gather3A : vector<16xi32>
          %select_n3A_1323 = arith.select %ge3A_1322, %broadcast_in_dim3A_1315, %add3A_701 : vector<16xi1>, vector<16xi32>
          %mul3A_1324 = arith.constant 64 : i32
          %mul3A_1325 = arith.muli %add3A_98, %mul3A_1324 : i32
          %add3A_1326 = arith.constant 16 : i32
          %add3A_1327 = arith.addi %mul3A_1325, %add3A_1326 : i32
          %swap3A_1328 = arith.index_cast %add3A_1327 : i32 to index
          %swap3A_1329 = tpu.vector_load %arg9[%swap3A_1328] {strides = array<i32>} : memref<16384xi32, #tpu.memory_space<vmem>>, vector<16xi32>,
          tpu.vector_store %arg9[%swap3A_1328], %select_n3A_1323 {strides = array<i32>} : memref<16384xi32, #tpu.memory_space<vmem>>, vector<16xi32>,
          %ge3A_1330 = arith.cmpi sge, %add3A_11, %gather3A : vector<16xi32>
          %select_n3A_1331 = arith.select %ge3A_1330, %broadcast_in_dim3A_1315, %add3A_1004 : vector<16xi1>, vector<16xi32>
          %mul3A_1332 = arith.constant 64 : i32
          %mul3A_1333 = arith.muli %add3A_98, %mul3A_1332 : i32
          %add3A_1334 = arith.constant 32 : i32
          %add3A_1335 = arith.addi %mul3A_1333, %add3A_1334 : i32
          %swap3A_1336 = arith.index_cast %add3A_1335 : i32 to index
          %swap3A_1337 = tpu.vector_load %arg9[%swap3A_1336] {strides = array<i32>} : memref<16384xi32, #tpu.memory_space<vmem>>, vector<16xi32>,
          tpu.vector_store %arg9[%swap3A_1336], %select_n3A_1331 {strides = array<i32>} : memref<16384xi32, #tpu.memory_space<vmem>>, vector<16xi32>,
          %ge3A_1338 = arith.cmpi sge, %add3A_14, %gather3A : vector<16xi32>
          %select_n3A_1339 = arith.select %ge3A_1338, %broadcast_in_dim3A_1315, %add3A_1307 : vector<16xi1>, vector<16xi32>
          %mul3A_1340 = arith.constant 64 : i32
          %mul3A_1341 = arith.muli %add3A_98, %mul3A_1340 : i32
          %add3A_1342 = arith.constant 48 : i32
          %add3A_1343 = arith.addi %mul3A_1341, %add3A_1342 : i32
          %swap3A_1344 = arith.index_cast %add3A_1343 : i32 to index
          %swap3A_1345 = tpu.vector_load %arg9[%swap3A_1344] {strides = array<i32>} : memref<16384xi32, #tpu.memory_space<vmem>>, vector<16xi32>,
          tpu.vector_store %arg9[%swap3A_1344], %select_n3A_1339 {strides = array<i32>} : memref<16384xi32, #tpu.memory_space<vmem>>, vector<16xi32>,
        }
        %scan3A_94 = arith.constant 64 : i32
      } else {
      }
      %jit3A_48 = arith.constant 2 : i32
      %eq3A_49 = arith.constant 0 : i32
      %eq3A_50 = arith.cmpi eq, %jit3A_48, %eq3A_49 : i32
      %jit3A_51 = arith.constant 1 : i32
      %select_n3A_52 = arith.select %eq3A_50, %jit3A_51, %jit3A_48 : i32
      %rem3A_53 = arith.remsi %scan3A_34, %select_n3A_52 : i32
      %ne3A_54 = arith.constant 0 : i32
      %ne3A_55 = arith.cmpi ne, %rem3A_53, %ne3A_54 : i32
      %lt3A_56 = arith.constant 0 : i32
      %lt3A_57 = arith.cmpi slt, %rem3A_53, %lt3A_56 : i32
      %lt3A_58 = arith.constant 0 : i32
      %lt3A_59 = arith.cmpi slt, %select_n3A_52, %lt3A_58 : i32
      %ne3A_60 = arith.xori %lt3A_57, %lt3A_59 : i1
      %and3A_61 = arith.andi %ne3A_60, %ne3A_55 : i1
      %add3A_62 = arith.addi %rem3A_53, %select_n3A_52 : i32
      %select_n3A_63 = arith.select %and3A_61, %add3A_62, %rem3A_53 : i32
      %eq3A_64 = arith.constant 1 : i32
      %eq3A_65 = arith.cmpi eq, %select_n3A_63, %eq3A_64 : i32
      %convert_element_type3A_66 = arith.extui %eq3A_65 : i1 to i32
      %cond3A_67 = arith.constant 0 : i32
      %cond3A_68 = arith.cmpi ne, %convert_element_type3A_66, %cond3A_67 : i32
      scf.if %cond3A_68 {
        %add3A_70 = arith.constant 1 : i32
        %add3A_71 = arith.addi %scan3A_34, %add3A_70 : i32
        %lt3A_72 = arith.constant 4 : i32
        %lt3A_73 = arith.cmpi slt, %add3A_71, %lt3A_72 : i32
        %convert_element_type3A_74 = arith.extui %lt3A_73 : i1 to i32
        %cond3A_75 = arith.constant 0 : i32
        %cond3A_76 = arith.cmpi ne, %convert_element_type3A_74, %cond3A_75 : i32
        scf.if %cond3A_76 {
          %add3A_95 = arith.constant 1 : i32
          %add3A_96 = arith.addi %scan3A_34, %add3A_95 : i32
          %mul3A_97 = arith.constant 64 : i32
          %mul3A_98 = arith.muli %add3A_96, %mul3A_97 : i32
          %add3A_99 = arith.addi %mul3A_2, %mul3A_98 : i32
          %dma_start3A_100 = arith.constant 0 : i32
          %dma_start3A_101 = tpu.memref_slice %arg2[%add3A_99, %dma_start3A_100] : memref<8192x256xi32, #tpu.memory_space<hbm>> -> memref<64x256xi32, #tpu.memory_space<hbm>>
          %dma_start3A_102 = arith.constant 0 : i32
          %dma_start3A_103 = tpu.memref_slice %arg2[%add3A_99, %dma_start3A_102] : memref<8192x256xi32, #tpu.memory_space<hbm>> -> memref<64x256xi32, #tpu.memory_space<hbm>>
          tpu.enqueue_dma source(%dma_start3A_103 : memref<64x256xi32, #tpu.memory_space<hbm>>) target(%arg5 : memref<64x256xi32, #tpu.memory_space<vmem>>) target_semaphore(%arg10 : memref<!tpu.dma_semaphore, #tpu.memory_space<semaphore_mem>>)
          %mul3A_104 = arith.constant 64 : i32
          %mul3A_105 = arith.muli %add3A_96, %mul3A_104 : i32
          %add3A_106 = arith.addi %mul3A_2, %mul3A_105 : i32
          %dma_start3A_107 = arith.constant 0 : i32
          %dma_start3A_108 = tpu.memref_slice %arg3[%add3A_106, %dma_start3A_107] : memref<8192x256xi32, #tpu.memory_space<hbm>> -> memref<64x256xi32, #tpu.memory_space<hbm>>
          %dma_start3A_109 = arith.constant 0 : i32
          %dma_start3A_110 = tpu.memref_slice %arg3[%add3A_106, %dma_start3A_109] : memref<8192x256xi32, #tpu.memory_space<hbm>> -> memref<64x256xi32, #tpu.memory_space<hbm>>
          tpu.enqueue_dma source(%dma_start3A_110 : memref<64x256xi32, #tpu.memory_space<hbm>>) target(%arg7 : memref<64x256xi32, #tpu.memory_space<vmem>>) target_semaphore(%arg10 : memref<!tpu.dma_semaphore, #tpu.memory_space<semaphore_mem>>)
        } else {
        }
        %mul3A_77 = arith.constant 64 : i32
        %mul3A_78 = arith.muli %scan3A_34, %mul3A_77 : i32
        %add3A_79 = arith.addi %mul3A_2, %mul3A_78 : i32
        %dma_wait3A = arith.constant 0 : i32
        %dma_wait3A_80 = tpu.memref_slice %arg2[%add3A_79, %dma_wait3A] : memref<8192x256xi32, #tpu.memory_space<hbm>> -> memref<64x256xi32, #tpu.memory_space<hbm>>
        %dma_wait3A_81 = arith.constant 0 : i32
        %dma_wait3A_82 = tpu.memref_slice %arg2[%add3A_79, %dma_wait3A_81] : memref<8192x256xi32, #tpu.memory_space<hbm>> -> memref<64x256xi32, #tpu.memory_space<hbm>>
        tpu.wait_dma2 semaphore(%arg11 : memref<!tpu.dma_semaphore, #tpu.memory_space<semaphore_mem>>) src(%dma_wait3A_82 : memref<64x256xi32, #tpu.memory_space<hbm>>) dst(%arg6 : memref<64x256xi32, #tpu.memory_space<vmem>>)
        %mul3A_83 = arith.constant 64 : i32
        %mul3A_84 = arith.muli %scan3A_34, %mul3A_83 : i32
        %add3A_85 = arith.addi %mul3A_2, %mul3A_84 : i32
        %dma_wait3A_86 = arith.constant 0 : i32
        %dma_wait3A_87 = tpu.memref_slice %arg3[%add3A_85, %dma_wait3A_86] : memref<8192x256xi32, #tpu.memory_space<hbm>> -> memref<64x256xi32, #tpu.memory_space<hbm>>
        %dma_wait3A_88 = arith.constant 0 : i32
        %dma_wait3A_89 = tpu.memref_slice %arg3[%add3A_85, %dma_wait3A_88] : memref<8192x256xi32, #tpu.memory_space<hbm>> -> memref<64x256xi32, #tpu.memory_space<hbm>>
        tpu.wait_dma2 semaphore(%arg11 : memref<!tpu.dma_semaphore, #tpu.memory_space<semaphore_mem>>) src(%dma_wait3A_89 : memref<64x256xi32, #tpu.memory_space<hbm>>) dst(%arg8 : memref<64x256xi32, #tpu.memory_space<vmem>>)
        %scan3A_90 = arith.constant 0 : i32
        %scan3A_91 = arith.constant 64 : i32
        %scan3A_92 = arith.addi %scan3A_90, %scan3A_91 : i32
        %scan3A_93 = arith.constant 1 : i32
        scf.for %scan3A_95 = %scan3A_90 to %scan3A_92 step %scan3A_93  : i32 {
          %mul3A_96 = arith.constant 64 : i32
          %mul3A_97 = arith.muli %scan3A_34, %mul3A_96 : i32
          %add3A_98 = arith.addi %mul3A_97, %scan3A_95 : i32
          %broadcast_in_dim3A = vector.broadcast %scan3A_95 : i32 to vector<16xi32>
          %broadcast_in_dim3A_99 = arith.constant 255 : i32
          %broadcast_in_dim3A_100 = vector.broadcast %broadcast_in_dim3A_99 : i32 to vector<16xi32>
          %gather3A = tpu.vector_load_idx %arg6[%broadcast_in_dim3A, %broadcast_in_dim3A_100] : memref<64x256xi32, #tpu.memory_space<vmem>>[vector<16xi32>, vector<16xi32>], vector<16xi32>,
          %broadcast_in_dim3A_101 = arith.constant 0 : i32
          %broadcast_in_dim3A_102 = vector.broadcast %broadcast_in_dim3A_101 : i32 to vector<16xi32>
          %add3A_103 = arith.constant 127 : i32
          %add3A_104 = vector.broadcast %add3A_103 : i32 to vector<16xi32>
          %add3A_105 = arith.addi %broadcast_in_dim3A_102, %add3A_104 : vector<16xi32>
          %gather3A_106 = tpu.vector_load_idx %arg6[%broadcast_in_dim3A, %add3A_105] : memref<64x256xi32, #tpu.memory_space<vmem>>[vector<16xi32>, vector<16xi32>], vector<16xi32>,
          %le3A = arith.cmpi sle, %gather3A_106, %add3A_5 : vector<16xi32>
          %jit3A_107 = arith.constant 128 : i32
          %jit3A_108 = arith.constant 0 : i32
          %broadcast_in_dim3A_109 = vector.broadcast %jit3A_107 : i32 to vector<16xi32>
          %broadcast_in_dim3A_110 = vector.broadcast %jit3A_108 : i32 to vector<16xi32>
          %select_n3A_111 = arith.select %le3A, %broadcast_in_dim3A_109, %broadcast_in_dim3A_110 : vector<16xi1>, vector<16xi32>
          %add3A_112 = arith.addi %broadcast_in_dim3A_102, %select_n3A_111 : vector<16xi32>
          %add3A_113 = arith.constant 63 : i32
          %add3A_114 = vector.broadcast %add3A_113 : i32 to vector<16xi32>
          %add3A_115 = arith.addi %add3A_112, %add3A_114 : vector<16xi32>
          %gather3A_116 = tpu.vector_load_idx %arg6[%broadcast_in_dim3A, %add3A_115] : memref<64x256xi32, #tpu.memory_space<vmem>>[vector<16xi32>, vector<16xi32>], vector<16xi32>,
          %le3A_117 = arith.cmpi sle, %gather3A_116, %add3A_5 : vector<16xi32>
          %jit3A_118 = arith.constant 64 : i32
          %jit3A_119 = arith.constant 0 : i32
          %broadcast_in_dim3A_120 = vector.broadcast %jit3A_118 : i32 to vector<16xi32>
          %broadcast_in_dim3A_121 = vector.broadcast %jit3A_119 : i32 to vector<16xi32>
          %select_n3A_122 = arith.select %le3A_117, %broadcast_in_dim3A_120, %broadcast_in_dim3A_121 : vector<16xi1>, vector<16xi32>
          %add3A_123 = arith.addi %add3A_112, %select_n3A_122 : vector<16xi32>
          %add3A_124 = arith.constant 31 : i32
          %add3A_125 = vector.broadcast %add3A_124 : i32 to vector<16xi32>
          %add3A_126 = arith.addi %add3A_123, %add3A_125 : vector<16xi32>
          %gather3A_127 = tpu.vector_load_idx %arg6[%broadcast_in_dim3A, %add3A_126] : memref<64x256xi32, #tpu.memory_space<vmem>>[vector<16xi32>, vector<16xi32>], vector<16xi32>,
          %le3A_128 = arith.cmpi sle, %gather3A_127, %add3A_5 : vector<16xi32>
          %jit3A_129 = arith.constant 32 : i32
          %jit3A_130 = arith.constant 0 : i32
          %broadcast_in_dim3A_131 = vector.broadcast %jit3A_129 : i32 to vector<16xi32>
          %broadcast_in_dim3A_132 = vector.broadcast %jit3A_130 : i32 to vector<16xi32>
          %select_n3A_133 = arith.select %le3A_128, %broadcast_in_dim3A_131, %broadcast_in_dim3A_132 : vector<16xi1>, vector<16xi32>
          %add3A_134 = arith.addi %add3A_123, %select_n3A_133 : vector<16xi32>
          %add3A_135 = arith.constant 15 : i32
          %add3A_136 = vector.broadcast %add3A_135 : i32 to vector<16xi32>
          %add3A_137 = arith.addi %add3A_134, %add3A_136 : vector<16xi32>
          %gather3A_138 = tpu.vector_load_idx %arg6[%broadcast_in_dim3A, %add3A_137] : memref<64x256xi32, #tpu.memory_space<vmem>>[vector<16xi32>, vector<16xi32>], vector<16xi32>,
          %le3A_139 = arith.cmpi sle, %gather3A_138, %add3A_5 : vector<16xi32>
          %jit3A_140 = arith.constant 16 : i32
          %jit3A_141 = arith.constant 0 : i32
          %broadcast_in_dim3A_142 = vector.broadcast %jit3A_140 : i32 to vector<16xi32>
          %broadcast_in_dim3A_143 = vector.broadcast %jit3A_141 : i32 to vector<16xi32>
          %select_n3A_144 = arith.select %le3A_139, %broadcast_in_dim3A_142, %broadcast_in_dim3A_143 : vector<16xi1>, vector<16xi32>
          %add3A_145 = arith.addi %add3A_134, %select_n3A_144 : vector<16xi32>
          %add3A_146 = arith.constant 7 : i32
          %add3A_147 = vector.broadcast %add3A_146 : i32 to vector<16xi32>
          %add3A_148 = arith.addi %add3A_145, %add3A_147 : vector<16xi32>
          %gather3A_149 = tpu.vector_load_idx %arg6[%broadcast_in_dim3A, %add3A_148] : memref<64x256xi32, #tpu.memory_space<vmem>>[vector<16xi32>, vector<16xi32>], vector<16xi32>,
          %le3A_150 = arith.cmpi sle, %gather3A_149, %add3A_5 : vector<16xi32>
          %jit3A_151 = arith.constant 8 : i32
          %jit3A_152 = arith.constant 0 : i32
          %broadcast_in_dim3A_153 = vector.broadcast %jit3A_151 : i32 to vector<16xi32>
          %broadcast_in_dim3A_154 = vector.broadcast %jit3A_152 : i32 to vector<16xi32>
          %select_n3A_155 = arith.select %le3A_150, %broadcast_in_dim3A_153, %broadcast_in_dim3A_154 : vector<16xi1>, vector<16xi32>
          %add3A_156 = arith.addi %add3A_145, %select_n3A_155 : vector<16xi32>
          %add3A_157 = arith.constant 3 : i32
          %add3A_158 = vector.broadcast %add3A_157 : i32 to vector<16xi32>
          %add3A_159 = arith.addi %add3A_156, %add3A_158 : vector<16xi32>
          %gather3A_160 = tpu.vector_load_idx %arg6[%broadcast_in_dim3A, %add3A_159] : memref<64x256xi32, #tpu.memory_space<vmem>>[vector<16xi32>, vector<16xi32>], vector<16xi32>,
          %le3A_161 = arith.cmpi sle, %gather3A_160, %add3A_5 : vector<16xi32>
          %jit3A_162 = arith.constant 4 : i32
          %jit3A_163 = arith.constant 0 : i32
          %broadcast_in_dim3A_164 = vector.broadcast %jit3A_162 : i32 to vector<16xi32>
          %broadcast_in_dim3A_165 = vector.broadcast %jit3A_163 : i32 to vector<16xi32>
          %select_n3A_166 = arith.select %le3A_161, %broadcast_in_dim3A_164, %broadcast_in_dim3A_165 : vector<16xi1>, vector<16xi32>
          %add3A_167 = arith.addi %add3A_156, %select_n3A_166 : vector<16xi32>
          %add3A_168 = arith.constant 1 : i32
          %add3A_169 = vector.broadcast %add3A_168 : i32 to vector<16xi32>
          %add3A_170 = arith.addi %add3A_167, %add3A_169 : vector<16xi32>
          %gather3A_171 = tpu.vector_load_idx %arg6[%broadcast_in_dim3A, %add3A_170] : memref<64x256xi32, #tpu.memory_space<vmem>>[vector<16xi32>, vector<16xi32>], vector<16xi32>,
          %le3A_172 = arith.cmpi sle, %gather3A_171, %add3A_5 : vector<16xi32>
          %jit3A_173 = arith.constant 2 : i32
          %jit3A_174 = arith.constant 0 : i32
          %broadcast_in_dim3A_175 = vector.broadcast %jit3A_173 : i32 to vector<16xi32>
          %broadcast_in_dim3A_176 = vector.broadcast %jit3A_174 : i32 to vector<16xi32>
          %select_n3A_177 = arith.select %le3A_172, %broadcast_in_dim3A_175, %broadcast_in_dim3A_176 : vector<16xi1>, vector<16xi32>
          %add3A_178 = arith.addi %add3A_167, %select_n3A_177 : vector<16xi32>
          %add3A_179 = arith.constant 0 : i32
          %add3A_180 = vector.broadcast %add3A_179 : i32 to vector<16xi32>
          %add3A_181 = arith.addi %add3A_178, %add3A_180 : vector<16xi32>
          %gather3A_182 = tpu.vector_load_idx %arg6[%broadcast_in_dim3A, %add3A_181] : memref<64x256xi32, #tpu.memory_space<vmem>>[vector<16xi32>, vector<16xi32>], vector<16xi32>,
          %le3A_183 = arith.cmpi sle, %gather3A_182, %add3A_5 : vector<16xi32>
          %jit3A_184 = arith.constant 1 : i32
          %jit3A_185 = arith.constant 0 : i32
          %broadcast_in_dim3A_186 = vector.broadcast %jit3A_184 : i32 to vector<16xi32>
          %broadcast_in_dim3A_187 = vector.broadcast %jit3A_185 : i32 to vector<16xi32>
          %select_n3A_188 = arith.select %le3A_183, %broadcast_in_dim3A_186, %broadcast_in_dim3A_187 : vector<16xi1>, vector<16xi32>
          %add3A_189 = arith.addi %add3A_178, %select_n3A_188 : vector<16xi32>
          %sub3A = arith.constant 1 : i32
          %sub3A_190 = vector.broadcast %sub3A : i32 to vector<16xi32>
          %sub3A_191 = arith.subi %add3A_189, %sub3A_190 : vector<16xi32>
          %max3A = arith.constant 0 : i32
          %max3A_192 = vector.broadcast %max3A : i32 to vector<16xi32>
          %max3A_193 = arith.maxsi %sub3A_191, %max3A_192 : vector<16xi32>
          %gather3A_194 = tpu.vector_load_idx %arg6[%broadcast_in_dim3A, %max3A_193] : memref<64x256xi32, #tpu.memory_space<vmem>>[vector<16xi32>, vector<16xi32>], vector<16xi32>,
          %eq3A_195 = arith.constant 0 : i32
          %eq3A_196 = vector.broadcast %eq3A_195 : i32 to vector<16xi32>
          %eq3A_197 = arith.cmpi eq, %add3A_189, %eq3A_196 : vector<16xi32>
          %jit3A_198 = arith.constant 0 : i32
          %broadcast_in_dim3A_199 = vector.broadcast %jit3A_198 : i32 to vector<16xi32>
          %select_n3A_200 = arith.select %eq3A_197, %broadcast_in_dim3A_199, %gather3A_194 : vector<16xi1>, vector<16xi32>
          %sub3A_201 = arith.subi %add3A_5, %select_n3A_200 : vector<16xi32>
          %gather3A_202 = tpu.vector_load_idx %arg8[%broadcast_in_dim3A, %add3A_189] : memref<64x256xi32, #tpu.memory_space<vmem>>[vector<16xi32>, vector<16xi32>], vector<16xi32>,
          %broadcast_in_dim3A_203 = arith.constant 0 : i32
          %broadcast_in_dim3A_204 = vector.broadcast %broadcast_in_dim3A_203 : i32 to vector<16xi32>
          %add3A_205 = arith.constant 7 : i32
          %add3A_206 = vector.broadcast %add3A_205 : i32 to vector<16xi32>
          %add3A_207 = arith.addi %broadcast_in_dim3A_204, %add3A_206 : vector<16xi32>
          %shift_left3A = arith.constant 2 : i32
          %shift_left3A_208 = vector.broadcast %shift_left3A : i32 to vector<16xi32>
          %shift_left3A_209 = arith.shli %shift_left3A_208, %add3A_207 : vector<16xi32>
          %sub3A_210 = arith.constant 1 : i32
          %sub3A_211 = vector.broadcast %sub3A_210 : i32 to vector<16xi32>
          %sub3A_212 = arith.subi %shift_left3A_209, %sub3A_211 : vector<16xi32>
          %and3A_213 = arith.andi %gather3A_202, %sub3A_212 : vector<16xi32>
          %shift_right_arithmetic3A = arith.constant 1 : i32
          %shift_right_arithmetic3A_214 = vector.broadcast %shift_right_arithmetic3A : i32 to vector<16xi32>
          %shift_right_arithmetic3A_215 = arith.shrsi %and3A_213, %shift_right_arithmetic3A_214 : vector<16xi32>
          %and3A_216 = arith.constant 21845 : i32
          %and3A_217 = vector.broadcast %and3A_216 : i32 to vector<16xi32>
          %and3A_218 = arith.andi %shift_right_arithmetic3A_215, %and3A_217 : vector<16xi32>
          %sub3A_219 = arith.subi %and3A_213, %and3A_218 : vector<16xi32>
          %and3A_220 = arith.constant 13107 : i32
          %and3A_221 = vector.broadcast %and3A_220 : i32 to vector<16xi32>
          %and3A_222 = arith.andi %sub3A_219, %and3A_221 : vector<16xi32>
          %shift_right_arithmetic3A_223 = arith.constant 2 : i32
          %shift_right_arithmetic3A_224 = vector.broadcast %shift_right_arithmetic3A_223 : i32 to vector<16xi32>
          %shift_right_arithmetic3A_225 = arith.shrsi %sub3A_219, %shift_right_arithmetic3A_224 : vector<16xi32>
          %and3A_226 = arith.constant 13107 : i32
          %and3A_227 = vector.broadcast %and3A_226 : i32 to vector<16xi32>
          %and3A_228 = arith.andi %shift_right_arithmetic3A_225, %and3A_227 : vector<16xi32>
          %add3A_229 = arith.addi %and3A_222, %and3A_228 : vector<16xi32>
          %shift_right_arithmetic3A_230 = arith.constant 4 : i32
          %shift_right_arithmetic3A_231 = vector.broadcast %shift_right_arithmetic3A_230 : i32 to vector<16xi32>
          %shift_right_arithmetic3A_232 = arith.shrsi %add3A_229, %shift_right_arithmetic3A_231 : vector<16xi32>
          %add3A_233 = arith.addi %add3A_229, %shift_right_arithmetic3A_232 : vector<16xi32>
          %and3A_234 = arith.constant 3855 : i32
          %and3A_235 = vector.broadcast %and3A_234 : i32 to vector<16xi32>
          %and3A_236 = arith.andi %add3A_233, %and3A_235 : vector<16xi32>
          %shift_right_arithmetic3A_237 = arith.constant 8 : i32
          %shift_right_arithmetic3A_238 = vector.broadcast %shift_right_arithmetic3A_237 : i32 to vector<16xi32>
          %shift_right_arithmetic3A_239 = arith.shrsi %and3A_236, %shift_right_arithmetic3A_238 : vector<16xi32>
          %add3A_240 = arith.addi %and3A_236, %shift_right_arithmetic3A_239 : vector<16xi32>
          %and3A_241 = arith.constant 31 : i32
          %and3A_242 = vector.broadcast %and3A_241 : i32 to vector<16xi32>
          %and3A_243 = arith.andi %add3A_240, %and3A_242 : vector<16xi32>
          %le3A_244 = arith.cmpi sle, %and3A_243, %sub3A_201 : vector<16xi32>
          %jit3A_245 = arith.constant 8 : i32
          %jit3A_246 = arith.constant 0 : i32
          %broadcast_in_dim3A_247 = vector.broadcast %jit3A_245 : i32 to vector<16xi32>
          %broadcast_in_dim3A_248 = vector.broadcast %jit3A_246 : i32 to vector<16xi32>
          %select_n3A_249 = arith.select %le3A_244, %broadcast_in_dim3A_247, %broadcast_in_dim3A_248 : vector<16xi1>, vector<16xi32>
          %add3A_250 = arith.addi %broadcast_in_dim3A_204, %select_n3A_249 : vector<16xi32>
          %add3A_251 = arith.constant 3 : i32
          %add3A_252 = vector.broadcast %add3A_251 : i32 to vector<16xi32>
          %add3A_253 = arith.addi %add3A_250, %add3A_252 : vector<16xi32>
          %shift_left3A_254 = arith.constant 2 : i32
          %shift_left3A_255 = vector.broadcast %shift_left3A_254 : i32 to vector<16xi32>
          %shift_left3A_256 = arith.shli %shift_left3A_255, %add3A_253 : vector<16xi32>
          %sub3A_257 = arith.constant 1 : i32
          %sub3A_258 = vector.broadcast %sub3A_257 : i32 to vector<16xi32>
          %sub3A_259 = arith.subi %shift_left3A_256, %sub3A_258 : vector<16xi32>
          %and3A_260 = arith.andi %gather3A_202, %sub3A_259 : vector<16xi32>
          %shift_right_arithmetic3A_261 = arith.constant 1 : i32
          %shift_right_arithmetic3A_262 = vector.broadcast %shift_right_arithmetic3A_261 : i32 to vector<16xi32>
          %shift_right_arithmetic3A_263 = arith.shrsi %and3A_260, %shift_right_arithmetic3A_262 : vector<16xi32>
          %and3A_264 = arith.constant 21845 : i32
          %and3A_265 = vector.broadcast %and3A_264 : i32 to vector<16xi32>
          %and3A_266 = arith.andi %shift_right_arithmetic3A_263, %and3A_265 : vector<16xi32>
          %sub3A_267 = arith.subi %and3A_260, %and3A_266 : vector<16xi32>
          %and3A_268 = arith.constant 13107 : i32
          %and3A_269 = vector.broadcast %and3A_268 : i32 to vector<16xi32>
          %and3A_270 = arith.andi %sub3A_267, %and3A_269 : vector<16xi32>
          %shift_right_arithmetic3A_271 = arith.constant 2 : i32
          %shift_right_arithmetic3A_272 = vector.broadcast %shift_right_arithmetic3A_271 : i32 to vector<16xi32>
          %shift_right_arithmetic3A_273 = arith.shrsi %sub3A_267, %shift_right_arithmetic3A_272 : vector<16xi32>
          %and3A_274 = arith.constant 13107 : i32
          %and3A_275 = vector.broadcast %and3A_274 : i32 to vector<16xi32>
          %and3A_276 = arith.andi %shift_right_arithmetic3A_273, %and3A_275 : vector<16xi32>
          %add3A_277 = arith.addi %and3A_270, %and3A_276 : vector<16xi32>
          %shift_right_arithmetic3A_278 = arith.constant 4 : i32
          %shift_right_arithmetic3A_279 = vector.broadcast %shift_right_arithmetic3A_278 : i32 to vector<16xi32>
          %shift_right_arithmetic3A_280 = arith.shrsi %add3A_277, %shift_right_arithmetic3A_279 : vector<16xi32>
          %add3A_281 = arith.addi %add3A_277, %shift_right_arithmetic3A_280 : vector<16xi32>
          %and3A_282 = arith.constant 3855 : i32
          %and3A_283 = vector.broadcast %and3A_282 : i32 to vector<16xi32>
          %and3A_284 = arith.andi %add3A_281, %and3A_283 : vector<16xi32>
          %shift_right_arithmetic3A_285 = arith.constant 8 : i32
          %shift_right_arithmetic3A_286 = vector.broadcast %shift_right_arithmetic3A_285 : i32 to vector<16xi32>
          %shift_right_arithmetic3A_287 = arith.shrsi %and3A_284, %shift_right_arithmetic3A_286 : vector<16xi32>
          %add3A_288 = arith.addi %and3A_284, %shift_right_arithmetic3A_287 : vector<16xi32>
          %and3A_289 = arith.constant 31 : i32
          %and3A_290 = vector.broadcast %and3A_289 : i32 to vector<16xi32>
          %and3A_291 = arith.andi %add3A_288, %and3A_290 : vector<16xi32>
          %le3A_292 = arith.cmpi sle, %and3A_291, %sub3A_201 : vector<16xi32>
          %jit3A_293 = arith.constant 4 : i32
          %jit3A_294 = arith.constant 0 : i32
          %broadcast_in_dim3A_295 = vector.broadcast %jit3A_293 : i32 to vector<16xi32>
          %broadcast_in_dim3A_296 = vector.broadcast %jit3A_294 : i32 to vector<16xi32>
          %select_n3A_297 = arith.select %le3A_292, %broadcast_in_dim3A_295, %broadcast_in_dim3A_296 : vector<16xi1>, vector<16xi32>
          %add3A_298 = arith.addi %add3A_250, %select_n3A_297 : vector<16xi32>
          %add3A_299 = arith.constant 1 : i32
          %add3A_300 = vector.broadcast %add3A_299 : i32 to vector<16xi32>
          %add3A_301 = arith.addi %add3A_298, %add3A_300 : vector<16xi32>
          %shift_left3A_302 = arith.constant 2 : i32
          %shift_left3A_303 = vector.broadcast %shift_left3A_302 : i32 to vector<16xi32>
          %shift_left3A_304 = arith.shli %shift_left3A_303, %add3A_301 : vector<16xi32>
          %sub3A_305 = arith.constant 1 : i32
          %sub3A_306 = vector.broadcast %sub3A_305 : i32 to vector<16xi32>
          %sub3A_307 = arith.subi %shift_left3A_304, %sub3A_306 : vector<16xi32>
          %and3A_308 = arith.andi %gather3A_202, %sub3A_307 : vector<16xi32>
          %shift_right_arithmetic3A_309 = arith.constant 1 : i32
          %shift_right_arithmetic3A_310 = vector.broadcast %shift_right_arithmetic3A_309 : i32 to vector<16xi32>
          %shift_right_arithmetic3A_311 = arith.shrsi %and3A_308, %shift_right_arithmetic3A_310 : vector<16xi32>
          %and3A_312 = arith.constant 21845 : i32
          %and3A_313 = vector.broadcast %and3A_312 : i32 to vector<16xi32>
          %and3A_314 = arith.andi %shift_right_arithmetic3A_311, %and3A_313 : vector<16xi32>
          %sub3A_315 = arith.subi %and3A_308, %and3A_314 : vector<16xi32>
          %and3A_316 = arith.constant 13107 : i32
          %and3A_317 = vector.broadcast %and3A_316 : i32 to vector<16xi32>
          %and3A_318 = arith.andi %sub3A_315, %and3A_317 : vector<16xi32>
          %shift_right_arithmetic3A_319 = arith.constant 2 : i32
          %shift_right_arithmetic3A_320 = vector.broadcast %shift_right_arithmetic3A_319 : i32 to vector<16xi32>
          %shift_right_arithmetic3A_321 = arith.shrsi %sub3A_315, %shift_right_arithmetic3A_320 : vector<16xi32>
          %and3A_322 = arith.constant 13107 : i32
          %and3A_323 = vector.broadcast %and3A_322 : i32 to vector<16xi32>
          %and3A_324 = arith.andi %shift_right_arithmetic3A_321, %and3A_323 : vector<16xi32>
          %add3A_325 = arith.addi %and3A_318, %and3A_324 : vector<16xi32>
          %shift_right_arithmetic3A_326 = arith.constant 4 : i32
          %shift_right_arithmetic3A_327 = vector.broadcast %shift_right_arithmetic3A_326 : i32 to vector<16xi32>
          %shift_right_arithmetic3A_328 = arith.shrsi %add3A_325, %shift_right_arithmetic3A_327 : vector<16xi32>
          %add3A_329 = arith.addi %add3A_325, %shift_right_arithmetic3A_328 : vector<16xi32>
          %and3A_330 = arith.constant 3855 : i32
          %and3A_331 = vector.broadcast %and3A_330 : i32 to vector<16xi32>
          %and3A_332 = arith.andi %add3A_329, %and3A_331 : vector<16xi32>
          %shift_right_arithmetic3A_333 = arith.constant 8 : i32
          %shift_right_arithmetic3A_334 = vector.broadcast %shift_right_arithmetic3A_333 : i32 to vector<16xi32>
          %shift_right_arithmetic3A_335 = arith.shrsi %and3A_332, %shift_right_arithmetic3A_334 : vector<16xi32>
          %add3A_336 = arith.addi %and3A_332, %shift_right_arithmetic3A_335 : vector<16xi32>
          %and3A_337 = arith.constant 31 : i32
          %and3A_338 = vector.broadcast %and3A_337 : i32 to vector<16xi32>
          %and3A_339 = arith.andi %add3A_336, %and3A_338 : vector<16xi32>
          %le3A_340 = arith.cmpi sle, %and3A_339, %sub3A_201 : vector<16xi32>
          %jit3A_341 = arith.constant 2 : i32
          %jit3A_342 = arith.constant 0 : i32
          %broadcast_in_dim3A_343 = vector.broadcast %jit3A_341 : i32 to vector<16xi32>
          %broadcast_in_dim3A_344 = vector.broadcast %jit3A_342 : i32 to vector<16xi32>
          %select_n3A_345 = arith.select %le3A_340, %broadcast_in_dim3A_343, %broadcast_in_dim3A_344 : vector<16xi1>, vector<16xi32>
          %add3A_346 = arith.addi %add3A_298, %select_n3A_345 : vector<16xi32>
          %add3A_347 = arith.constant 0 : i32
          %add3A_348 = vector.broadcast %add3A_347 : i32 to vector<16xi32>
          %add3A_349 = arith.addi %add3A_346, %add3A_348 : vector<16xi32>
          %shift_left3A_350 = arith.constant 2 : i32
          %shift_left3A_351 = vector.broadcast %shift_left3A_350 : i32 to vector<16xi32>
          %shift_left3A_352 = arith.shli %shift_left3A_351, %add3A_349 : vector<16xi32>
          %sub3A_353 = arith.constant 1 : i32
          %sub3A_354 = vector.broadcast %sub3A_353 : i32 to vector<16xi32>
          %sub3A_355 = arith.subi %shift_left3A_352, %sub3A_354 : vector<16xi32>
          %and3A_356 = arith.andi %gather3A_202, %sub3A_355 : vector<16xi32>
          %shift_right_arithmetic3A_357 = arith.constant 1 : i32
          %shift_right_arithmetic3A_358 = vector.broadcast %shift_right_arithmetic3A_357 : i32 to vector<16xi32>
          %shift_right_arithmetic3A_359 = arith.shrsi %and3A_356, %shift_right_arithmetic3A_358 : vector<16xi32>
          %and3A_360 = arith.constant 21845 : i32
          %and3A_361 = vector.broadcast %and3A_360 : i32 to vector<16xi32>
          %and3A_362 = arith.andi %shift_right_arithmetic3A_359, %and3A_361 : vector<16xi32>
          %sub3A_363 = arith.subi %and3A_356, %and3A_362 : vector<16xi32>
          %and3A_364 = arith.constant 13107 : i32
          %and3A_365 = vector.broadcast %and3A_364 : i32 to vector<16xi32>
          %and3A_366 = arith.andi %sub3A_363, %and3A_365 : vector<16xi32>
          %shift_right_arithmetic3A_367 = arith.constant 2 : i32
          %shift_right_arithmetic3A_368 = vector.broadcast %shift_right_arithmetic3A_367 : i32 to vector<16xi32>
          %shift_right_arithmetic3A_369 = arith.shrsi %sub3A_363, %shift_right_arithmetic3A_368 : vector<16xi32>
          %and3A_370 = arith.constant 13107 : i32
          %and3A_371 = vector.broadcast %and3A_370 : i32 to vector<16xi32>
          %and3A_372 = arith.andi %shift_right_arithmetic3A_369, %and3A_371 : vector<16xi32>
          %add3A_373 = arith.addi %and3A_366, %and3A_372 : vector<16xi32>
          %shift_right_arithmetic3A_374 = arith.constant 4 : i32
          %shift_right_arithmetic3A_375 = vector.broadcast %shift_right_arithmetic3A_374 : i32 to vector<16xi32>
          %shift_right_arithmetic3A_376 = arith.shrsi %add3A_373, %shift_right_arithmetic3A_375 : vector<16xi32>
          %add3A_377 = arith.addi %add3A_373, %shift_right_arithmetic3A_376 : vector<16xi32>
          %and3A_378 = arith.constant 3855 : i32
          %and3A_379 = vector.broadcast %and3A_378 : i32 to vector<16xi32>
          %and3A_380 = arith.andi %add3A_377, %and3A_379 : vector<16xi32>
          %shift_right_arithmetic3A_381 = arith.constant 8 : i32
          %shift_right_arithmetic3A_382 = vector.broadcast %shift_right_arithmetic3A_381 : i32 to vector<16xi32>
          %shift_right_arithmetic3A_383 = arith.shrsi %and3A_380, %shift_right_arithmetic3A_382 : vector<16xi32>
          %add3A_384 = arith.addi %and3A_380, %shift_right_arithmetic3A_383 : vector<16xi32>
          %and3A_385 = arith.constant 31 : i32
          %and3A_386 = vector.broadcast %and3A_385 : i32 to vector<16xi32>
          %and3A_387 = arith.andi %add3A_384, %and3A_386 : vector<16xi32>
          %le3A_388 = arith.cmpi sle, %and3A_387, %sub3A_201 : vector<16xi32>
          %jit3A_389 = arith.constant 1 : i32
          %jit3A_390 = arith.constant 0 : i32
          %broadcast_in_dim3A_391 = vector.broadcast %jit3A_389 : i32 to vector<16xi32>
          %broadcast_in_dim3A_392 = vector.broadcast %jit3A_390 : i32 to vector<16xi32>
          %select_n3A_393 = arith.select %le3A_388, %broadcast_in_dim3A_391, %broadcast_in_dim3A_392 : vector<16xi1>, vector<16xi32>
          %add3A_394 = arith.addi %add3A_346, %select_n3A_393 : vector<16xi32>
          %mul3A_395 = arith.constant 16 : i32
          %mul3A_396 = vector.broadcast %mul3A_395 : i32 to vector<16xi32>
          %mul3A_397 = arith.muli %add3A_189, %mul3A_396 : vector<16xi32>
          %add3A_398 = arith.addi %mul3A_397, %add3A_394 : vector<16xi32>
          %broadcast_in_dim3A_399 = arith.constant 0 : i32
          %broadcast_in_dim3A_400 = vector.broadcast %broadcast_in_dim3A_399 : i32 to vector<16xi32>
          %add3A_401 = arith.constant 127 : i32
          %add3A_402 = vector.broadcast %add3A_401 : i32 to vector<16xi32>
          %add3A_403 = arith.addi %broadcast_in_dim3A_400, %add3A_402 : vector<16xi32>
          %gather3A_404 = tpu.vector_load_idx %arg6[%broadcast_in_dim3A, %add3A_403] : memref<64x256xi32, #tpu.memory_space<vmem>>[vector<16xi32>, vector<16xi32>], vector<16xi32>,
          %le3A_405 = arith.cmpi sle, %gather3A_404, %add3A_8 : vector<16xi32>
          %jit3A_406 = arith.constant 128 : i32
          %jit3A_407 = arith.constant 0 : i32
          %broadcast_in_dim3A_408 = vector.broadcast %jit3A_406 : i32 to vector<16xi32>
          %broadcast_in_dim3A_409 = vector.broadcast %jit3A_407 : i32 to vector<16xi32>
          %select_n3A_410 = arith.select %le3A_405, %broadcast_in_dim3A_408, %broadcast_in_dim3A_409 : vector<16xi1>, vector<16xi32>
          %add3A_411 = arith.addi %broadcast_in_dim3A_400, %select_n3A_410 : vector<16xi32>
          %add3A_412 = arith.constant 63 : i32
          %add3A_413 = vector.broadcast %add3A_412 : i32 to vector<16xi32>
          %add3A_414 = arith.addi %add3A_411, %add3A_413 : vector<16xi32>
          %gather3A_415 = tpu.vector_load_idx %arg6[%broadcast_in_dim3A, %add3A_414] : memref<64x256xi32, #tpu.memory_space<vmem>>[vector<16xi32>, vector<16xi32>], vector<16xi32>,
          %le3A_416 = arith.cmpi sle, %gather3A_415, %add3A_8 : vector<16xi32>
          %jit3A_417 = arith.constant 64 : i32
          %jit3A_418 = arith.constant 0 : i32
          %broadcast_in_dim3A_419 = vector.broadcast %jit3A_417 : i32 to vector<16xi32>
          %broadcast_in_dim3A_420 = vector.broadcast %jit3A_418 : i32 to vector<16xi32>
          %select_n3A_421 = arith.select %le3A_416, %broadcast_in_dim3A_419, %broadcast_in_dim3A_420 : vector<16xi1>, vector<16xi32>
          %add3A_422 = arith.addi %add3A_411, %select_n3A_421 : vector<16xi32>
          %add3A_423 = arith.constant 31 : i32
          %add3A_424 = vector.broadcast %add3A_423 : i32 to vector<16xi32>
          %add3A_425 = arith.addi %add3A_422, %add3A_424 : vector<16xi32>
          %gather3A_426 = tpu.vector_load_idx %arg6[%broadcast_in_dim3A, %add3A_425] : memref<64x256xi32, #tpu.memory_space<vmem>>[vector<16xi32>, vector<16xi32>], vector<16xi32>,
          %le3A_427 = arith.cmpi sle, %gather3A_426, %add3A_8 : vector<16xi32>
          %jit3A_428 = arith.constant 32 : i32
          %jit3A_429 = arith.constant 0 : i32
          %broadcast_in_dim3A_430 = vector.broadcast %jit3A_428 : i32 to vector<16xi32>
          %broadcast_in_dim3A_431 = vector.broadcast %jit3A_429 : i32 to vector<16xi32>
          %select_n3A_432 = arith.select %le3A_427, %broadcast_in_dim3A_430, %broadcast_in_dim3A_431 : vector<16xi1>, vector<16xi32>
          %add3A_433 = arith.addi %add3A_422, %select_n3A_432 : vector<16xi32>
          %add3A_434 = arith.constant 15 : i32
          %add3A_435 = vector.broadcast %add3A_434 : i32 to vector<16xi32>
          %add3A_436 = arith.addi %add3A_433, %add3A_435 : vector<16xi32>
          %gather3A_437 = tpu.vector_load_idx %arg6[%broadcast_in_dim3A, %add3A_436] : memref<64x256xi32, #tpu.memory_space<vmem>>[vector<16xi32>, vector<16xi32>], vector<16xi32>,
          %le3A_438 = arith.cmpi sle, %gather3A_437, %add3A_8 : vector<16xi32>
          %jit3A_439 = arith.constant 16 : i32
          %jit3A_440 = arith.constant 0 : i32
          %broadcast_in_dim3A_441 = vector.broadcast %jit3A_439 : i32 to vector<16xi32>
          %broadcast_in_dim3A_442 = vector.broadcast %jit3A_440 : i32 to vector<16xi32>
          %select_n3A_443 = arith.select %le3A_438, %broadcast_in_dim3A_441, %broadcast_in_dim3A_442 : vector<16xi1>, vector<16xi32>
          %add3A_444 = arith.addi %add3A_433, %select_n3A_443 : vector<16xi32>
          %add3A_445 = arith.constant 7 : i32
          %add3A_446 = vector.broadcast %add3A_445 : i32 to vector<16xi32>
          %add3A_447 = arith.addi %add3A_444, %add3A_446 : vector<16xi32>
          %gather3A_448 = tpu.vector_load_idx %arg6[%broadcast_in_dim3A, %add3A_447] : memref<64x256xi32, #tpu.memory_space<vmem>>[vector<16xi32>, vector<16xi32>], vector<16xi32>,
          %le3A_449 = arith.cmpi sle, %gather3A_448, %add3A_8 : vector<16xi32>
          %jit3A_450 = arith.constant 8 : i32
          %jit3A_451 = arith.constant 0 : i32
          %broadcast_in_dim3A_452 = vector.broadcast %jit3A_450 : i32 to vector<16xi32>
          %broadcast_in_dim3A_453 = vector.broadcast %jit3A_451 : i32 to vector<16xi32>
          %select_n3A_454 = arith.select %le3A_449, %broadcast_in_dim3A_452, %broadcast_in_dim3A_453 : vector<16xi1>, vector<16xi32>
          %add3A_455 = arith.addi %add3A_444, %select_n3A_454 : vector<16xi32>
          %add3A_456 = arith.constant 3 : i32
          %add3A_457 = vector.broadcast %add3A_456 : i32 to vector<16xi32>
          %add3A_458 = arith.addi %add3A_455, %add3A_457 : vector<16xi32>
          %gather3A_459 = tpu.vector_load_idx %arg6[%broadcast_in_dim3A, %add3A_458] : memref<64x256xi32, #tpu.memory_space<vmem>>[vector<16xi32>, vector<16xi32>], vector<16xi32>,
          %le3A_460 = arith.cmpi sle, %gather3A_459, %add3A_8 : vector<16xi32>
          %jit3A_461 = arith.constant 4 : i32
          %jit3A_462 = arith.constant 0 : i32
          %broadcast_in_dim3A_463 = vector.broadcast %jit3A_461 : i32 to vector<16xi32>
          %broadcast_in_dim3A_464 = vector.broadcast %jit3A_462 : i32 to vector<16xi32>
          %select_n3A_465 = arith.select %le3A_460, %broadcast_in_dim3A_463, %broadcast_in_dim3A_464 : vector<16xi1>, vector<16xi32>
          %add3A_466 = arith.addi %add3A_455, %select_n3A_465 : vector<16xi32>
          %add3A_467 = arith.constant 1 : i32
          %add3A_468 = vector.broadcast %add3A_467 : i32 to vector<16xi32>
          %add3A_469 = arith.addi %add3A_466, %add3A_468 : vector<16xi32>
          %gather3A_470 = tpu.vector_load_idx %arg6[%broadcast_in_dim3A, %add3A_469] : memref<64x256xi32, #tpu.memory_space<vmem>>[vector<16xi32>, vector<16xi32>], vector<16xi32>,
          %le3A_471 = arith.cmpi sle, %gather3A_470, %add3A_8 : vector<16xi32>
          %jit3A_472 = arith.constant 2 : i32
          %jit3A_473 = arith.constant 0 : i32
          %broadcast_in_dim3A_474 = vector.broadcast %jit3A_472 : i32 to vector<16xi32>
          %broadcast_in_dim3A_475 = vector.broadcast %jit3A_473 : i32 to vector<16xi32>
          %select_n3A_476 = arith.select %le3A_471, %broadcast_in_dim3A_474, %broadcast_in_dim3A_475 : vector<16xi1>, vector<16xi32>
          %add3A_477 = arith.addi %add3A_466, %select_n3A_476 : vector<16xi32>
          %add3A_478 = arith.constant 0 : i32
          %add3A_479 = vector.broadcast %add3A_478 : i32 to vector<16xi32>
          %add3A_480 = arith.addi %add3A_477, %add3A_479 : vector<16xi32>
          %gather3A_481 = tpu.vector_load_idx %arg6[%broadcast_in_dim3A, %add3A_480] : memref<64x256xi32, #tpu.memory_space<vmem>>[vector<16xi32>, vector<16xi32>], vector<16xi32>,
          %le3A_482 = arith.cmpi sle, %gather3A_481, %add3A_8 : vector<16xi32>
          %jit3A_483 = arith.constant 1 : i32
          %jit3A_484 = arith.constant 0 : i32
          %broadcast_in_dim3A_485 = vector.broadcast %jit3A_483 : i32 to vector<16xi32>
          %broadcast_in_dim3A_486 = vector.broadcast %jit3A_484 : i32 to vector<16xi32>
          %select_n3A_487 = arith.select %le3A_482, %broadcast_in_dim3A_485, %broadcast_in_dim3A_486 : vector<16xi1>, vector<16xi32>
          %add3A_488 = arith.addi %add3A_477, %select_n3A_487 : vector<16xi32>
          %sub3A_489 = arith.constant 1 : i32
          %sub3A_490 = vector.broadcast %sub3A_489 : i32 to vector<16xi32>
          %sub3A_491 = arith.subi %add3A_488, %sub3A_490 : vector<16xi32>
          %max3A_492 = arith.constant 0 : i32
          %max3A_493 = vector.broadcast %max3A_492 : i32 to vector<16xi32>
          %max3A_494 = arith.maxsi %sub3A_491, %max3A_493 : vector<16xi32>
          %gather3A_495 = tpu.vector_load_idx %arg6[%broadcast_in_dim3A, %max3A_494] : memref<64x256xi32, #tpu.memory_space<vmem>>[vector<16xi32>, vector<16xi32>], vector<16xi32>,
          %eq3A_496 = arith.constant 0 : i32
          %eq3A_497 = vector.broadcast %eq3A_496 : i32 to vector<16xi32>
          %eq3A_498 = arith.cmpi eq, %add3A_488, %eq3A_497 : vector<16xi32>
          %jit3A_499 = arith.constant 0 : i32
          %broadcast_in_dim3A_500 = vector.broadcast %jit3A_499 : i32 to vector<16xi32>
          %select_n3A_501 = arith.select %eq3A_498, %broadcast_in_dim3A_500, %gather3A_495 : vector<16xi1>, vector<16xi32>
          %sub3A_502 = arith.subi %add3A_8, %select_n3A_501 : vector<16xi32>
          %gather3A_503 = tpu.vector_load_idx %arg8[%broadcast_in_dim3A, %add3A_488] : memref<64x256xi32, #tpu.memory_space<vmem>>[vector<16xi32>, vector<16xi32>], vector<16xi32>,
          %broadcast_in_dim3A_504 = arith.constant 0 : i32
          %broadcast_in_dim3A_505 = vector.broadcast %broadcast_in_dim3A_504 : i32 to vector<16xi32>
          %add3A_506 = arith.constant 7 : i32
          %add3A_507 = vector.broadcast %add3A_506 : i32 to vector<16xi32>
          %add3A_508 = arith.addi %broadcast_in_dim3A_505, %add3A_507 : vector<16xi32>
          %shift_left3A_509 = arith.constant 2 : i32
          %shift_left3A_510 = vector.broadcast %shift_left3A_509 : i32 to vector<16xi32>
          %shift_left3A_511 = arith.shli %shift_left3A_510, %add3A_508 : vector<16xi32>
          %sub3A_512 = arith.constant 1 : i32
          %sub3A_513 = vector.broadcast %sub3A_512 : i32 to vector<16xi32>
          %sub3A_514 = arith.subi %shift_left3A_511, %sub3A_513 : vector<16xi32>
          %and3A_515 = arith.andi %gather3A_503, %sub3A_514 : vector<16xi32>
          %shift_right_arithmetic3A_516 = arith.constant 1 : i32
          %shift_right_arithmetic3A_517 = vector.broadcast %shift_right_arithmetic3A_516 : i32 to vector<16xi32>
          %shift_right_arithmetic3A_518 = arith.shrsi %and3A_515, %shift_right_arithmetic3A_517 : vector<16xi32>
          %and3A_519 = arith.constant 21845 : i32
          %and3A_520 = vector.broadcast %and3A_519 : i32 to vector<16xi32>
          %and3A_521 = arith.andi %shift_right_arithmetic3A_518, %and3A_520 : vector<16xi32>
          %sub3A_522 = arith.subi %and3A_515, %and3A_521 : vector<16xi32>
          %and3A_523 = arith.constant 13107 : i32
          %and3A_524 = vector.broadcast %and3A_523 : i32 to vector<16xi32>
          %and3A_525 = arith.andi %sub3A_522, %and3A_524 : vector<16xi32>
          %shift_right_arithmetic3A_526 = arith.constant 2 : i32
          %shift_right_arithmetic3A_527 = vector.broadcast %shift_right_arithmetic3A_526 : i32 to vector<16xi32>
          %shift_right_arithmetic3A_528 = arith.shrsi %sub3A_522, %shift_right_arithmetic3A_527 : vector<16xi32>
          %and3A_529 = arith.constant 13107 : i32
          %and3A_530 = vector.broadcast %and3A_529 : i32 to vector<16xi32>
          %and3A_531 = arith.andi %shift_right_arithmetic3A_528, %and3A_530 : vector<16xi32>
          %add3A_532 = arith.addi %and3A_525, %and3A_531 : vector<16xi32>
          %shift_right_arithmetic3A_533 = arith.constant 4 : i32
          %shift_right_arithmetic3A_534 = vector.broadcast %shift_right_arithmetic3A_533 : i32 to vector<16xi32>
          %shift_right_arithmetic3A_535 = arith.shrsi %add3A_532, %shift_right_arithmetic3A_534 : vector<16xi32>
          %add3A_536 = arith.addi %add3A_532, %shift_right_arithmetic3A_535 : vector<16xi32>
          %and3A_537 = arith.constant 3855 : i32
          %and3A_538 = vector.broadcast %and3A_537 : i32 to vector<16xi32>
          %and3A_539 = arith.andi %add3A_536, %and3A_538 : vector<16xi32>
          %shift_right_arithmetic3A_540 = arith.constant 8 : i32
          %shift_right_arithmetic3A_541 = vector.broadcast %shift_right_arithmetic3A_540 : i32 to vector<16xi32>
          %shift_right_arithmetic3A_542 = arith.shrsi %and3A_539, %shift_right_arithmetic3A_541 : vector<16xi32>
          %add3A_543 = arith.addi %and3A_539, %shift_right_arithmetic3A_542 : vector<16xi32>
          %and3A_544 = arith.constant 31 : i32
          %and3A_545 = vector.broadcast %and3A_544 : i32 to vector<16xi32>
          %and3A_546 = arith.andi %add3A_543, %and3A_545 : vector<16xi32>
          %le3A_547 = arith.cmpi sle, %and3A_546, %sub3A_502 : vector<16xi32>
          %jit3A_548 = arith.constant 8 : i32
          %jit3A_549 = arith.constant 0 : i32
          %broadcast_in_dim3A_550 = vector.broadcast %jit3A_548 : i32 to vector<16xi32>
          %broadcast_in_dim3A_551 = vector.broadcast %jit3A_549 : i32 to vector<16xi32>
          %select_n3A_552 = arith.select %le3A_547, %broadcast_in_dim3A_550, %broadcast_in_dim3A_551 : vector<16xi1>, vector<16xi32>
          %add3A_553 = arith.addi %broadcast_in_dim3A_505, %select_n3A_552 : vector<16xi32>
          %add3A_554 = arith.constant 3 : i32
          %add3A_555 = vector.broadcast %add3A_554 : i32 to vector<16xi32>
          %add3A_556 = arith.addi %add3A_553, %add3A_555 : vector<16xi32>
          %shift_left3A_557 = arith.constant 2 : i32
          %shift_left3A_558 = vector.broadcast %shift_left3A_557 : i32 to vector<16xi32>
          %shift_left3A_559 = arith.shli %shift_left3A_558, %add3A_556 : vector<16xi32>
          %sub3A_560 = arith.constant 1 : i32
          %sub3A_561 = vector.broadcast %sub3A_560 : i32 to vector<16xi32>
          %sub3A_562 = arith.subi %shift_left3A_559, %sub3A_561 : vector<16xi32>
          %and3A_563 = arith.andi %gather3A_503, %sub3A_562 : vector<16xi32>
          %shift_right_arithmetic3A_564 = arith.constant 1 : i32
          %shift_right_arithmetic3A_565 = vector.broadcast %shift_right_arithmetic3A_564 : i32 to vector<16xi32>
          %shift_right_arithmetic3A_566 = arith.shrsi %and3A_563, %shift_right_arithmetic3A_565 : vector<16xi32>
          %and3A_567 = arith.constant 21845 : i32
          %and3A_568 = vector.broadcast %and3A_567 : i32 to vector<16xi32>
          %and3A_569 = arith.andi %shift_right_arithmetic3A_566, %and3A_568 : vector<16xi32>
          %sub3A_570 = arith.subi %and3A_563, %and3A_569 : vector<16xi32>
          %and3A_571 = arith.constant 13107 : i32
          %and3A_572 = vector.broadcast %and3A_571 : i32 to vector<16xi32>
          %and3A_573 = arith.andi %sub3A_570, %and3A_572 : vector<16xi32>
          %shift_right_arithmetic3A_574 = arith.constant 2 : i32
          %shift_right_arithmetic3A_575 = vector.broadcast %shift_right_arithmetic3A_574 : i32 to vector<16xi32>
          %shift_right_arithmetic3A_576 = arith.shrsi %sub3A_570, %shift_right_arithmetic3A_575 : vector<16xi32>
          %and3A_577 = arith.constant 13107 : i32
          %and3A_578 = vector.broadcast %and3A_577 : i32 to vector<16xi32>
          %and3A_579 = arith.andi %shift_right_arithmetic3A_576, %and3A_578 : vector<16xi32>
          %add3A_580 = arith.addi %and3A_573, %and3A_579 : vector<16xi32>
          %shift_right_arithmetic3A_581 = arith.constant 4 : i32
          %shift_right_arithmetic3A_582 = vector.broadcast %shift_right_arithmetic3A_581 : i32 to vector<16xi32>
          %shift_right_arithmetic3A_583 = arith.shrsi %add3A_580, %shift_right_arithmetic3A_582 : vector<16xi32>
          %add3A_584 = arith.addi %add3A_580, %shift_right_arithmetic3A_583 : vector<16xi32>
          %and3A_585 = arith.constant 3855 : i32
          %and3A_586 = vector.broadcast %and3A_585 : i32 to vector<16xi32>
          %and3A_587 = arith.andi %add3A_584, %and3A_586 : vector<16xi32>
          %shift_right_arithmetic3A_588 = arith.constant 8 : i32
          %shift_right_arithmetic3A_589 = vector.broadcast %shift_right_arithmetic3A_588 : i32 to vector<16xi32>
          %shift_right_arithmetic3A_590 = arith.shrsi %and3A_587, %shift_right_arithmetic3A_589 : vector<16xi32>
          %add3A_591 = arith.addi %and3A_587, %shift_right_arithmetic3A_590 : vector<16xi32>
          %and3A_592 = arith.constant 31 : i32
          %and3A_593 = vector.broadcast %and3A_592 : i32 to vector<16xi32>
          %and3A_594 = arith.andi %add3A_591, %and3A_593 : vector<16xi32>
          %le3A_595 = arith.cmpi sle, %and3A_594, %sub3A_502 : vector<16xi32>
          %jit3A_596 = arith.constant 4 : i32
          %jit3A_597 = arith.constant 0 : i32
          %broadcast_in_dim3A_598 = vector.broadcast %jit3A_596 : i32 to vector<16xi32>
          %broadcast_in_dim3A_599 = vector.broadcast %jit3A_597 : i32 to vector<16xi32>
          %select_n3A_600 = arith.select %le3A_595, %broadcast_in_dim3A_598, %broadcast_in_dim3A_599 : vector<16xi1>, vector<16xi32>
          %add3A_601 = arith.addi %add3A_553, %select_n3A_600 : vector<16xi32>
          %add3A_602 = arith.constant 1 : i32
          %add3A_603 = vector.broadcast %add3A_602 : i32 to vector<16xi32>
          %add3A_604 = arith.addi %add3A_601, %add3A_603 : vector<16xi32>
          %shift_left3A_605 = arith.constant 2 : i32
          %shift_left3A_606 = vector.broadcast %shift_left3A_605 : i32 to vector<16xi32>
          %shift_left3A_607 = arith.shli %shift_left3A_606, %add3A_604 : vector<16xi32>
          %sub3A_608 = arith.constant 1 : i32
          %sub3A_609 = vector.broadcast %sub3A_608 : i32 to vector<16xi32>
          %sub3A_610 = arith.subi %shift_left3A_607, %sub3A_609 : vector<16xi32>
          %and3A_611 = arith.andi %gather3A_503, %sub3A_610 : vector<16xi32>
          %shift_right_arithmetic3A_612 = arith.constant 1 : i32
          %shift_right_arithmetic3A_613 = vector.broadcast %shift_right_arithmetic3A_612 : i32 to vector<16xi32>
          %shift_right_arithmetic3A_614 = arith.shrsi %and3A_611, %shift_right_arithmetic3A_613 : vector<16xi32>
          %and3A_615 = arith.constant 21845 : i32
          %and3A_616 = vector.broadcast %and3A_615 : i32 to vector<16xi32>
          %and3A_617 = arith.andi %shift_right_arithmetic3A_614, %and3A_616 : vector<16xi32>
          %sub3A_618 = arith.subi %and3A_611, %and3A_617 : vector<16xi32>
          %and3A_619 = arith.constant 13107 : i32
          %and3A_620 = vector.broadcast %and3A_619 : i32 to vector<16xi32>
          %and3A_621 = arith.andi %sub3A_618, %and3A_620 : vector<16xi32>
          %shift_right_arithmetic3A_622 = arith.constant 2 : i32
          %shift_right_arithmetic3A_623 = vector.broadcast %shift_right_arithmetic3A_622 : i32 to vector<16xi32>
          %shift_right_arithmetic3A_624 = arith.shrsi %sub3A_618, %shift_right_arithmetic3A_623 : vector<16xi32>
          %and3A_625 = arith.constant 13107 : i32
          %and3A_626 = vector.broadcast %and3A_625 : i32 to vector<16xi32>
          %and3A_627 = arith.andi %shift_right_arithmetic3A_624, %and3A_626 : vector<16xi32>
          %add3A_628 = arith.addi %and3A_621, %and3A_627 : vector<16xi32>
          %shift_right_arithmetic3A_629 = arith.constant 4 : i32
          %shift_right_arithmetic3A_630 = vector.broadcast %shift_right_arithmetic3A_629 : i32 to vector<16xi32>
          %shift_right_arithmetic3A_631 = arith.shrsi %add3A_628, %shift_right_arithmetic3A_630 : vector<16xi32>
          %add3A_632 = arith.addi %add3A_628, %shift_right_arithmetic3A_631 : vector<16xi32>
          %and3A_633 = arith.constant 3855 : i32
          %and3A_634 = vector.broadcast %and3A_633 : i32 to vector<16xi32>
          %and3A_635 = arith.andi %add3A_632, %and3A_634 : vector<16xi32>
          %shift_right_arithmetic3A_636 = arith.constant 8 : i32
          %shift_right_arithmetic3A_637 = vector.broadcast %shift_right_arithmetic3A_636 : i32 to vector<16xi32>
          %shift_right_arithmetic3A_638 = arith.shrsi %and3A_635, %shift_right_arithmetic3A_637 : vector<16xi32>
          %add3A_639 = arith.addi %and3A_635, %shift_right_arithmetic3A_638 : vector<16xi32>
          %and3A_640 = arith.constant 31 : i32
          %and3A_641 = vector.broadcast %and3A_640 : i32 to vector<16xi32>
          %and3A_642 = arith.andi %add3A_639, %and3A_641 : vector<16xi32>
          %le3A_643 = arith.cmpi sle, %and3A_642, %sub3A_502 : vector<16xi32>
          %jit3A_644 = arith.constant 2 : i32
          %jit3A_645 = arith.constant 0 : i32
          %broadcast_in_dim3A_646 = vector.broadcast %jit3A_644 : i32 to vector<16xi32>
          %broadcast_in_dim3A_647 = vector.broadcast %jit3A_645 : i32 to vector<16xi32>
          %select_n3A_648 = arith.select %le3A_643, %broadcast_in_dim3A_646, %broadcast_in_dim3A_647 : vector<16xi1>, vector<16xi32>
          %add3A_649 = arith.addi %add3A_601, %select_n3A_648 : vector<16xi32>
          %add3A_650 = arith.constant 0 : i32
          %add3A_651 = vector.broadcast %add3A_650 : i32 to vector<16xi32>
          %add3A_652 = arith.addi %add3A_649, %add3A_651 : vector<16xi32>
          %shift_left3A_653 = arith.constant 2 : i32
          %shift_left3A_654 = vector.broadcast %shift_left3A_653 : i32 to vector<16xi32>
          %shift_left3A_655 = arith.shli %shift_left3A_654, %add3A_652 : vector<16xi32>
          %sub3A_656 = arith.constant 1 : i32
          %sub3A_657 = vector.broadcast %sub3A_656 : i32 to vector<16xi32>
          %sub3A_658 = arith.subi %shift_left3A_655, %sub3A_657 : vector<16xi32>
          %and3A_659 = arith.andi %gather3A_503, %sub3A_658 : vector<16xi32>
          %shift_right_arithmetic3A_660 = arith.constant 1 : i32
          %shift_right_arithmetic3A_661 = vector.broadcast %shift_right_arithmetic3A_660 : i32 to vector<16xi32>
          %shift_right_arithmetic3A_662 = arith.shrsi %and3A_659, %shift_right_arithmetic3A_661 : vector<16xi32>
          %and3A_663 = arith.constant 21845 : i32
          %and3A_664 = vector.broadcast %and3A_663 : i32 to vector<16xi32>
          %and3A_665 = arith.andi %shift_right_arithmetic3A_662, %and3A_664 : vector<16xi32>
          %sub3A_666 = arith.subi %and3A_659, %and3A_665 : vector<16xi32>
          %and3A_667 = arith.constant 13107 : i32
          %and3A_668 = vector.broadcast %and3A_667 : i32 to vector<16xi32>
          %and3A_669 = arith.andi %sub3A_666, %and3A_668 : vector<16xi32>
          %shift_right_arithmetic3A_670 = arith.constant 2 : i32
          %shift_right_arithmetic3A_671 = vector.broadcast %shift_right_arithmetic3A_670 : i32 to vector<16xi32>
          %shift_right_arithmetic3A_672 = arith.shrsi %sub3A_666, %shift_right_arithmetic3A_671 : vector<16xi32>
          %and3A_673 = arith.constant 13107 : i32
          %and3A_674 = vector.broadcast %and3A_673 : i32 to vector<16xi32>
          %and3A_675 = arith.andi %shift_right_arithmetic3A_672, %and3A_674 : vector<16xi32>
          %add3A_676 = arith.addi %and3A_669, %and3A_675 : vector<16xi32>
          %shift_right_arithmetic3A_677 = arith.constant 4 : i32
          %shift_right_arithmetic3A_678 = vector.broadcast %shift_right_arithmetic3A_677 : i32 to vector<16xi32>
          %shift_right_arithmetic3A_679 = arith.shrsi %add3A_676, %shift_right_arithmetic3A_678 : vector<16xi32>
          %add3A_680 = arith.addi %add3A_676, %shift_right_arithmetic3A_679 : vector<16xi32>
          %and3A_681 = arith.constant 3855 : i32
          %and3A_682 = vector.broadcast %and3A_681 : i32 to vector<16xi32>
          %and3A_683 = arith.andi %add3A_680, %and3A_682 : vector<16xi32>
          %shift_right_arithmetic3A_684 = arith.constant 8 : i32
          %shift_right_arithmetic3A_685 = vector.broadcast %shift_right_arithmetic3A_684 : i32 to vector<16xi32>
          %shift_right_arithmetic3A_686 = arith.shrsi %and3A_683, %shift_right_arithmetic3A_685 : vector<16xi32>
          %add3A_687 = arith.addi %and3A_683, %shift_right_arithmetic3A_686 : vector<16xi32>
          %and3A_688 = arith.constant 31 : i32
          %and3A_689 = vector.broadcast %and3A_688 : i32 to vector<16xi32>
          %and3A_690 = arith.andi %add3A_687, %and3A_689 : vector<16xi32>
          %le3A_691 = arith.cmpi sle, %and3A_690, %sub3A_502 : vector<16xi32>
          %jit3A_692 = arith.constant 1 : i32
          %jit3A_693 = arith.constant 0 : i32
          %broadcast_in_dim3A_694 = vector.broadcast %jit3A_692 : i32 to vector<16xi32>
          %broadcast_in_dim3A_695 = vector.broadcast %jit3A_693 : i32 to vector<16xi32>
          %select_n3A_696 = arith.select %le3A_691, %broadcast_in_dim3A_694, %broadcast_in_dim3A_695 : vector<16xi1>, vector<16xi32>
          %add3A_697 = arith.addi %add3A_649, %select_n3A_696 : vector<16xi32>
          %mul3A_698 = arith.constant 16 : i32
          %mul3A_699 = vector.broadcast %mul3A_698 : i32 to vector<16xi32>
          %mul3A_700 = arith.muli %add3A_488, %mul3A_699 : vector<16xi32>
          %add3A_701 = arith.addi %mul3A_700, %add3A_697 : vector<16xi32>
          %broadcast_in_dim3A_702 = arith.constant 0 : i32
          %broadcast_in_dim3A_703 = vector.broadcast %broadcast_in_dim3A_702 : i32 to vector<16xi32>
          %add3A_704 = arith.constant 127 : i32
          %add3A_705 = vector.broadcast %add3A_704 : i32 to vector<16xi32>
          %add3A_706 = arith.addi %broadcast_in_dim3A_703, %add3A_705 : vector<16xi32>
          %gather3A_707 = tpu.vector_load_idx %arg6[%broadcast_in_dim3A, %add3A_706] : memref<64x256xi32, #tpu.memory_space<vmem>>[vector<16xi32>, vector<16xi32>], vector<16xi32>,
          %le3A_708 = arith.cmpi sle, %gather3A_707, %add3A_11 : vector<16xi32>
          %jit3A_709 = arith.constant 128 : i32
          %jit3A_710 = arith.constant 0 : i32
          %broadcast_in_dim3A_711 = vector.broadcast %jit3A_709 : i32 to vector<16xi32>
          %broadcast_in_dim3A_712 = vector.broadcast %jit3A_710 : i32 to vector<16xi32>
          %select_n3A_713 = arith.select %le3A_708, %broadcast_in_dim3A_711, %broadcast_in_dim3A_712 : vector<16xi1>, vector<16xi32>
          %add3A_714 = arith.addi %broadcast_in_dim3A_703, %select_n3A_713 : vector<16xi32>
          %add3A_715 = arith.constant 63 : i32
          %add3A_716 = vector.broadcast %add3A_715 : i32 to vector<16xi32>
          %add3A_717 = arith.addi %add3A_714, %add3A_716 : vector<16xi32>
          %gather3A_718 = tpu.vector_load_idx %arg6[%broadcast_in_dim3A, %add3A_717] : memref<64x256xi32, #tpu.memory_space<vmem>>[vector<16xi32>, vector<16xi32>], vector<16xi32>,
          %le3A_719 = arith.cmpi sle, %gather3A_718, %add3A_11 : vector<16xi32>
          %jit3A_720 = arith.constant 64 : i32
          %jit3A_721 = arith.constant 0 : i32
          %broadcast_in_dim3A_722 = vector.broadcast %jit3A_720 : i32 to vector<16xi32>
          %broadcast_in_dim3A_723 = vector.broadcast %jit3A_721 : i32 to vector<16xi32>
          %select_n3A_724 = arith.select %le3A_719, %broadcast_in_dim3A_722, %broadcast_in_dim3A_723 : vector<16xi1>, vector<16xi32>
          %add3A_725 = arith.addi %add3A_714, %select_n3A_724 : vector<16xi32>
          %add3A_726 = arith.constant 31 : i32
          %add3A_727 = vector.broadcast %add3A_726 : i32 to vector<16xi32>
          %add3A_728 = arith.addi %add3A_725, %add3A_727 : vector<16xi32>
          %gather3A_729 = tpu.vector_load_idx %arg6[%broadcast_in_dim3A, %add3A_728] : memref<64x256xi32, #tpu.memory_space<vmem>>[vector<16xi32>, vector<16xi32>], vector<16xi32>,
          %le3A_730 = arith.cmpi sle, %gather3A_729, %add3A_11 : vector<16xi32>
          %jit3A_731 = arith.constant 32 : i32
          %jit3A_732 = arith.constant 0 : i32
          %broadcast_in_dim3A_733 = vector.broadcast %jit3A_731 : i32 to vector<16xi32>
          %broadcast_in_dim3A_734 = vector.broadcast %jit3A_732 : i32 to vector<16xi32>
          %select_n3A_735 = arith.select %le3A_730, %broadcast_in_dim3A_733, %broadcast_in_dim3A_734 : vector<16xi1>, vector<16xi32>
          %add3A_736 = arith.addi %add3A_725, %select_n3A_735 : vector<16xi32>
          %add3A_737 = arith.constant 15 : i32
          %add3A_738 = vector.broadcast %add3A_737 : i32 to vector<16xi32>
          %add3A_739 = arith.addi %add3A_736, %add3A_738 : vector<16xi32>
          %gather3A_740 = tpu.vector_load_idx %arg6[%broadcast_in_dim3A, %add3A_739] : memref<64x256xi32, #tpu.memory_space<vmem>>[vector<16xi32>, vector<16xi32>], vector<16xi32>,
          %le3A_741 = arith.cmpi sle, %gather3A_740, %add3A_11 : vector<16xi32>
          %jit3A_742 = arith.constant 16 : i32
          %jit3A_743 = arith.constant 0 : i32
          %broadcast_in_dim3A_744 = vector.broadcast %jit3A_742 : i32 to vector<16xi32>
          %broadcast_in_dim3A_745 = vector.broadcast %jit3A_743 : i32 to vector<16xi32>
          %select_n3A_746 = arith.select %le3A_741, %broadcast_in_dim3A_744, %broadcast_in_dim3A_745 : vector<16xi1>, vector<16xi32>
          %add3A_747 = arith.addi %add3A_736, %select_n3A_746 : vector<16xi32>
          %add3A_748 = arith.constant 7 : i32
          %add3A_749 = vector.broadcast %add3A_748 : i32 to vector<16xi32>
          %add3A_750 = arith.addi %add3A_747, %add3A_749 : vector<16xi32>
          %gather3A_751 = tpu.vector_load_idx %arg6[%broadcast_in_dim3A, %add3A_750] : memref<64x256xi32, #tpu.memory_space<vmem>>[vector<16xi32>, vector<16xi32>], vector<16xi32>,
          %le3A_752 = arith.cmpi sle, %gather3A_751, %add3A_11 : vector<16xi32>
          %jit3A_753 = arith.constant 8 : i32
          %jit3A_754 = arith.constant 0 : i32
          %broadcast_in_dim3A_755 = vector.broadcast %jit3A_753 : i32 to vector<16xi32>
          %broadcast_in_dim3A_756 = vector.broadcast %jit3A_754 : i32 to vector<16xi32>
          %select_n3A_757 = arith.select %le3A_752, %broadcast_in_dim3A_755, %broadcast_in_dim3A_756 : vector<16xi1>, vector<16xi32>
          %add3A_758 = arith.addi %add3A_747, %select_n3A_757 : vector<16xi32>
          %add3A_759 = arith.constant 3 : i32
          %add3A_760 = vector.broadcast %add3A_759 : i32 to vector<16xi32>
          %add3A_761 = arith.addi %add3A_758, %add3A_760 : vector<16xi32>
          %gather3A_762 = tpu.vector_load_idx %arg6[%broadcast_in_dim3A, %add3A_761] : memref<64x256xi32, #tpu.memory_space<vmem>>[vector<16xi32>, vector<16xi32>], vector<16xi32>,
          %le3A_763 = arith.cmpi sle, %gather3A_762, %add3A_11 : vector<16xi32>
          %jit3A_764 = arith.constant 4 : i32
          %jit3A_765 = arith.constant 0 : i32
          %broadcast_in_dim3A_766 = vector.broadcast %jit3A_764 : i32 to vector<16xi32>
          %broadcast_in_dim3A_767 = vector.broadcast %jit3A_765 : i32 to vector<16xi32>
          %select_n3A_768 = arith.select %le3A_763, %broadcast_in_dim3A_766, %broadcast_in_dim3A_767 : vector<16xi1>, vector<16xi32>
          %add3A_769 = arith.addi %add3A_758, %select_n3A_768 : vector<16xi32>
          %add3A_770 = arith.constant 1 : i32
          %add3A_771 = vector.broadcast %add3A_770 : i32 to vector<16xi32>
          %add3A_772 = arith.addi %add3A_769, %add3A_771 : vector<16xi32>
          %gather3A_773 = tpu.vector_load_idx %arg6[%broadcast_in_dim3A, %add3A_772] : memref<64x256xi32, #tpu.memory_space<vmem>>[vector<16xi32>, vector<16xi32>], vector<16xi32>,
          %le3A_774 = arith.cmpi sle, %gather3A_773, %add3A_11 : vector<16xi32>
          %jit3A_775 = arith.constant 2 : i32
          %jit3A_776 = arith.constant 0 : i32
          %broadcast_in_dim3A_777 = vector.broadcast %jit3A_775 : i32 to vector<16xi32>
          %broadcast_in_dim3A_778 = vector.broadcast %jit3A_776 : i32 to vector<16xi32>
          %select_n3A_779 = arith.select %le3A_774, %broadcast_in_dim3A_777, %broadcast_in_dim3A_778 : vector<16xi1>, vector<16xi32>
          %add3A_780 = arith.addi %add3A_769, %select_n3A_779 : vector<16xi32>
          %add3A_781 = arith.constant 0 : i32
          %add3A_782 = vector.broadcast %add3A_781 : i32 to vector<16xi32>
          %add3A_783 = arith.addi %add3A_780, %add3A_782 : vector<16xi32>
          %gather3A_784 = tpu.vector_load_idx %arg6[%broadcast_in_dim3A, %add3A_783] : memref<64x256xi32, #tpu.memory_space<vmem>>[vector<16xi32>, vector<16xi32>], vector<16xi32>,
          %le3A_785 = arith.cmpi sle, %gather3A_784, %add3A_11 : vector<16xi32>
          %jit3A_786 = arith.constant 1 : i32
          %jit3A_787 = arith.constant 0 : i32
          %broadcast_in_dim3A_788 = vector.broadcast %jit3A_786 : i32 to vector<16xi32>
          %broadcast_in_dim3A_789 = vector.broadcast %jit3A_787 : i32 to vector<16xi32>
          %select_n3A_790 = arith.select %le3A_785, %broadcast_in_dim3A_788, %broadcast_in_dim3A_789 : vector<16xi1>, vector<16xi32>
          %add3A_791 = arith.addi %add3A_780, %select_n3A_790 : vector<16xi32>
          %sub3A_792 = arith.constant 1 : i32
          %sub3A_793 = vector.broadcast %sub3A_792 : i32 to vector<16xi32>
          %sub3A_794 = arith.subi %add3A_791, %sub3A_793 : vector<16xi32>
          %max3A_795 = arith.constant 0 : i32
          %max3A_796 = vector.broadcast %max3A_795 : i32 to vector<16xi32>
          %max3A_797 = arith.maxsi %sub3A_794, %max3A_796 : vector<16xi32>
          %gather3A_798 = tpu.vector_load_idx %arg6[%broadcast_in_dim3A, %max3A_797] : memref<64x256xi32, #tpu.memory_space<vmem>>[vector<16xi32>, vector<16xi32>], vector<16xi32>,
          %eq3A_799 = arith.constant 0 : i32
          %eq3A_800 = vector.broadcast %eq3A_799 : i32 to vector<16xi32>
          %eq3A_801 = arith.cmpi eq, %add3A_791, %eq3A_800 : vector<16xi32>
          %jit3A_802 = arith.constant 0 : i32
          %broadcast_in_dim3A_803 = vector.broadcast %jit3A_802 : i32 to vector<16xi32>
          %select_n3A_804 = arith.select %eq3A_801, %broadcast_in_dim3A_803, %gather3A_798 : vector<16xi1>, vector<16xi32>
          %sub3A_805 = arith.subi %add3A_11, %select_n3A_804 : vector<16xi32>
          %gather3A_806 = tpu.vector_load_idx %arg8[%broadcast_in_dim3A, %add3A_791] : memref<64x256xi32, #tpu.memory_space<vmem>>[vector<16xi32>, vector<16xi32>], vector<16xi32>,
          %broadcast_in_dim3A_807 = arith.constant 0 : i32
          %broadcast_in_dim3A_808 = vector.broadcast %broadcast_in_dim3A_807 : i32 to vector<16xi32>
          %add3A_809 = arith.constant 7 : i32
          %add3A_810 = vector.broadcast %add3A_809 : i32 to vector<16xi32>
          %add3A_811 = arith.addi %broadcast_in_dim3A_808, %add3A_810 : vector<16xi32>
          %shift_left3A_812 = arith.constant 2 : i32
          %shift_left3A_813 = vector.broadcast %shift_left3A_812 : i32 to vector<16xi32>
          %shift_left3A_814 = arith.shli %shift_left3A_813, %add3A_811 : vector<16xi32>
          %sub3A_815 = arith.constant 1 : i32
          %sub3A_816 = vector.broadcast %sub3A_815 : i32 to vector<16xi32>
          %sub3A_817 = arith.subi %shift_left3A_814, %sub3A_816 : vector<16xi32>
          %and3A_818 = arith.andi %gather3A_806, %sub3A_817 : vector<16xi32>
          %shift_right_arithmetic3A_819 = arith.constant 1 : i32
          %shift_right_arithmetic3A_820 = vector.broadcast %shift_right_arithmetic3A_819 : i32 to vector<16xi32>
          %shift_right_arithmetic3A_821 = arith.shrsi %and3A_818, %shift_right_arithmetic3A_820 : vector<16xi32>
          %and3A_822 = arith.constant 21845 : i32
          %and3A_823 = vector.broadcast %and3A_822 : i32 to vector<16xi32>
          %and3A_824 = arith.andi %shift_right_arithmetic3A_821, %and3A_823 : vector<16xi32>
          %sub3A_825 = arith.subi %and3A_818, %and3A_824 : vector<16xi32>
          %and3A_826 = arith.constant 13107 : i32
          %and3A_827 = vector.broadcast %and3A_826 : i32 to vector<16xi32>
          %and3A_828 = arith.andi %sub3A_825, %and3A_827 : vector<16xi32>
          %shift_right_arithmetic3A_829 = arith.constant 2 : i32
          %shift_right_arithmetic3A_830 = vector.broadcast %shift_right_arithmetic3A_829 : i32 to vector<16xi32>
          %shift_right_arithmetic3A_831 = arith.shrsi %sub3A_825, %shift_right_arithmetic3A_830 : vector<16xi32>
          %and3A_832 = arith.constant 13107 : i32
          %and3A_833 = vector.broadcast %and3A_832 : i32 to vector<16xi32>
          %and3A_834 = arith.andi %shift_right_arithmetic3A_831, %and3A_833 : vector<16xi32>
          %add3A_835 = arith.addi %and3A_828, %and3A_834 : vector<16xi32>
          %shift_right_arithmetic3A_836 = arith.constant 4 : i32
          %shift_right_arithmetic3A_837 = vector.broadcast %shift_right_arithmetic3A_836 : i32 to vector<16xi32>
          %shift_right_arithmetic3A_838 = arith.shrsi %add3A_835, %shift_right_arithmetic3A_837 : vector<16xi32>
          %add3A_839 = arith.addi %add3A_835, %shift_right_arithmetic3A_838 : vector<16xi32>
          %and3A_840 = arith.constant 3855 : i32
          %and3A_841 = vector.broadcast %and3A_840 : i32 to vector<16xi32>
          %and3A_842 = arith.andi %add3A_839, %and3A_841 : vector<16xi32>
          %shift_right_arithmetic3A_843 = arith.constant 8 : i32
          %shift_right_arithmetic3A_844 = vector.broadcast %shift_right_arithmetic3A_843 : i32 to vector<16xi32>
          %shift_right_arithmetic3A_845 = arith.shrsi %and3A_842, %shift_right_arithmetic3A_844 : vector<16xi32>
          %add3A_846 = arith.addi %and3A_842, %shift_right_arithmetic3A_845 : vector<16xi32>
          %and3A_847 = arith.constant 31 : i32
          %and3A_848 = vector.broadcast %and3A_847 : i32 to vector<16xi32>
          %and3A_849 = arith.andi %add3A_846, %and3A_848 : vector<16xi32>
          %le3A_850 = arith.cmpi sle, %and3A_849, %sub3A_805 : vector<16xi32>
          %jit3A_851 = arith.constant 8 : i32
          %jit3A_852 = arith.constant 0 : i32
          %broadcast_in_dim3A_853 = vector.broadcast %jit3A_851 : i32 to vector<16xi32>
          %broadcast_in_dim3A_854 = vector.broadcast %jit3A_852 : i32 to vector<16xi32>
          %select_n3A_855 = arith.select %le3A_850, %broadcast_in_dim3A_853, %broadcast_in_dim3A_854 : vector<16xi1>, vector<16xi32>
          %add3A_856 = arith.addi %broadcast_in_dim3A_808, %select_n3A_855 : vector<16xi32>
          %add3A_857 = arith.constant 3 : i32
          %add3A_858 = vector.broadcast %add3A_857 : i32 to vector<16xi32>
          %add3A_859 = arith.addi %add3A_856, %add3A_858 : vector<16xi32>
          %shift_left3A_860 = arith.constant 2 : i32
          %shift_left3A_861 = vector.broadcast %shift_left3A_860 : i32 to vector<16xi32>
          %shift_left3A_862 = arith.shli %shift_left3A_861, %add3A_859 : vector<16xi32>
          %sub3A_863 = arith.constant 1 : i32
          %sub3A_864 = vector.broadcast %sub3A_863 : i32 to vector<16xi32>
          %sub3A_865 = arith.subi %shift_left3A_862, %sub3A_864 : vector<16xi32>
          %and3A_866 = arith.andi %gather3A_806, %sub3A_865 : vector<16xi32>
          %shift_right_arithmetic3A_867 = arith.constant 1 : i32
          %shift_right_arithmetic3A_868 = vector.broadcast %shift_right_arithmetic3A_867 : i32 to vector<16xi32>
          %shift_right_arithmetic3A_869 = arith.shrsi %and3A_866, %shift_right_arithmetic3A_868 : vector<16xi32>
          %and3A_870 = arith.constant 21845 : i32
          %and3A_871 = vector.broadcast %and3A_870 : i32 to vector<16xi32>
          %and3A_872 = arith.andi %shift_right_arithmetic3A_869, %and3A_871 : vector<16xi32>
          %sub3A_873 = arith.subi %and3A_866, %and3A_872 : vector<16xi32>
          %and3A_874 = arith.constant 13107 : i32
          %and3A_875 = vector.broadcast %and3A_874 : i32 to vector<16xi32>
          %and3A_876 = arith.andi %sub3A_873, %and3A_875 : vector<16xi32>
          %shift_right_arithmetic3A_877 = arith.constant 2 : i32
          %shift_right_arithmetic3A_878 = vector.broadcast %shift_right_arithmetic3A_877 : i32 to vector<16xi32>
          %shift_right_arithmetic3A_879 = arith.shrsi %sub3A_873, %shift_right_arithmetic3A_878 : vector<16xi32>
          %and3A_880 = arith.constant 13107 : i32
          %and3A_881 = vector.broadcast %and3A_880 : i32 to vector<16xi32>
          %and3A_882 = arith.andi %shift_right_arithmetic3A_879, %and3A_881 : vector<16xi32>
          %add3A_883 = arith.addi %and3A_876, %and3A_882 : vector<16xi32>
          %shift_right_arithmetic3A_884 = arith.constant 4 : i32
          %shift_right_arithmetic3A_885 = vector.broadcast %shift_right_arithmetic3A_884 : i32 to vector<16xi32>
          %shift_right_arithmetic3A_886 = arith.shrsi %add3A_883, %shift_right_arithmetic3A_885 : vector<16xi32>
          %add3A_887 = arith.addi %add3A_883, %shift_right_arithmetic3A_886 : vector<16xi32>
          %and3A_888 = arith.constant 3855 : i32
          %and3A_889 = vector.broadcast %and3A_888 : i32 to vector<16xi32>
          %and3A_890 = arith.andi %add3A_887, %and3A_889 : vector<16xi32>
          %shift_right_arithmetic3A_891 = arith.constant 8 : i32
          %shift_right_arithmetic3A_892 = vector.broadcast %shift_right_arithmetic3A_891 : i32 to vector<16xi32>
          %shift_right_arithmetic3A_893 = arith.shrsi %and3A_890, %shift_right_arithmetic3A_892 : vector<16xi32>
          %add3A_894 = arith.addi %and3A_890, %shift_right_arithmetic3A_893 : vector<16xi32>
          %and3A_895 = arith.constant 31 : i32
          %and3A_896 = vector.broadcast %and3A_895 : i32 to vector<16xi32>
          %and3A_897 = arith.andi %add3A_894, %and3A_896 : vector<16xi32>
          %le3A_898 = arith.cmpi sle, %and3A_897, %sub3A_805 : vector<16xi32>
          %jit3A_899 = arith.constant 4 : i32
          %jit3A_900 = arith.constant 0 : i32
          %broadcast_in_dim3A_901 = vector.broadcast %jit3A_899 : i32 to vector<16xi32>
          %broadcast_in_dim3A_902 = vector.broadcast %jit3A_900 : i32 to vector<16xi32>
          %select_n3A_903 = arith.select %le3A_898, %broadcast_in_dim3A_901, %broadcast_in_dim3A_902 : vector<16xi1>, vector<16xi32>
          %add3A_904 = arith.addi %add3A_856, %select_n3A_903 : vector<16xi32>
          %add3A_905 = arith.constant 1 : i32
          %add3A_906 = vector.broadcast %add3A_905 : i32 to vector<16xi32>
          %add3A_907 = arith.addi %add3A_904, %add3A_906 : vector<16xi32>
          %shift_left3A_908 = arith.constant 2 : i32
          %shift_left3A_909 = vector.broadcast %shift_left3A_908 : i32 to vector<16xi32>
          %shift_left3A_910 = arith.shli %shift_left3A_909, %add3A_907 : vector<16xi32>
          %sub3A_911 = arith.constant 1 : i32
          %sub3A_912 = vector.broadcast %sub3A_911 : i32 to vector<16xi32>
          %sub3A_913 = arith.subi %shift_left3A_910, %sub3A_912 : vector<16xi32>
          %and3A_914 = arith.andi %gather3A_806, %sub3A_913 : vector<16xi32>
          %shift_right_arithmetic3A_915 = arith.constant 1 : i32
          %shift_right_arithmetic3A_916 = vector.broadcast %shift_right_arithmetic3A_915 : i32 to vector<16xi32>
          %shift_right_arithmetic3A_917 = arith.shrsi %and3A_914, %shift_right_arithmetic3A_916 : vector<16xi32>
          %and3A_918 = arith.constant 21845 : i32
          %and3A_919 = vector.broadcast %and3A_918 : i32 to vector<16xi32>
          %and3A_920 = arith.andi %shift_right_arithmetic3A_917, %and3A_919 : vector<16xi32>
          %sub3A_921 = arith.subi %and3A_914, %and3A_920 : vector<16xi32>
          %and3A_922 = arith.constant 13107 : i32
          %and3A_923 = vector.broadcast %and3A_922 : i32 to vector<16xi32>
          %and3A_924 = arith.andi %sub3A_921, %and3A_923 : vector<16xi32>
          %shift_right_arithmetic3A_925 = arith.constant 2 : i32
          %shift_right_arithmetic3A_926 = vector.broadcast %shift_right_arithmetic3A_925 : i32 to vector<16xi32>
          %shift_right_arithmetic3A_927 = arith.shrsi %sub3A_921, %shift_right_arithmetic3A_926 : vector<16xi32>
          %and3A_928 = arith.constant 13107 : i32
          %and3A_929 = vector.broadcast %and3A_928 : i32 to vector<16xi32>
          %and3A_930 = arith.andi %shift_right_arithmetic3A_927, %and3A_929 : vector<16xi32>
          %add3A_931 = arith.addi %and3A_924, %and3A_930 : vector<16xi32>
          %shift_right_arithmetic3A_932 = arith.constant 4 : i32
          %shift_right_arithmetic3A_933 = vector.broadcast %shift_right_arithmetic3A_932 : i32 to vector<16xi32>
          %shift_right_arithmetic3A_934 = arith.shrsi %add3A_931, %shift_right_arithmetic3A_933 : vector<16xi32>
          %add3A_935 = arith.addi %add3A_931, %shift_right_arithmetic3A_934 : vector<16xi32>
          %and3A_936 = arith.constant 3855 : i32
          %and3A_937 = vector.broadcast %and3A_936 : i32 to vector<16xi32>
          %and3A_938 = arith.andi %add3A_935, %and3A_937 : vector<16xi32>
          %shift_right_arithmetic3A_939 = arith.constant 8 : i32
          %shift_right_arithmetic3A_940 = vector.broadcast %shift_right_arithmetic3A_939 : i32 to vector<16xi32>
          %shift_right_arithmetic3A_941 = arith.shrsi %and3A_938, %shift_right_arithmetic3A_940 : vector<16xi32>
          %add3A_942 = arith.addi %and3A_938, %shift_right_arithmetic3A_941 : vector<16xi32>
          %and3A_943 = arith.constant 31 : i32
          %and3A_944 = vector.broadcast %and3A_943 : i32 to vector<16xi32>
          %and3A_945 = arith.andi %add3A_942, %and3A_944 : vector<16xi32>
          %le3A_946 = arith.cmpi sle, %and3A_945, %sub3A_805 : vector<16xi32>
          %jit3A_947 = arith.constant 2 : i32
          %jit3A_948 = arith.constant 0 : i32
          %broadcast_in_dim3A_949 = vector.broadcast %jit3A_947 : i32 to vector<16xi32>
          %broadcast_in_dim3A_950 = vector.broadcast %jit3A_948 : i32 to vector<16xi32>
          %select_n3A_951 = arith.select %le3A_946, %broadcast_in_dim3A_949, %broadcast_in_dim3A_950 : vector<16xi1>, vector<16xi32>
          %add3A_952 = arith.addi %add3A_904, %select_n3A_951 : vector<16xi32>
          %add3A_953 = arith.constant 0 : i32
          %add3A_954 = vector.broadcast %add3A_953 : i32 to vector<16xi32>
          %add3A_955 = arith.addi %add3A_952, %add3A_954 : vector<16xi32>
          %shift_left3A_956 = arith.constant 2 : i32
          %shift_left3A_957 = vector.broadcast %shift_left3A_956 : i32 to vector<16xi32>
          %shift_left3A_958 = arith.shli %shift_left3A_957, %add3A_955 : vector<16xi32>
          %sub3A_959 = arith.constant 1 : i32
          %sub3A_960 = vector.broadcast %sub3A_959 : i32 to vector<16xi32>
          %sub3A_961 = arith.subi %shift_left3A_958, %sub3A_960 : vector<16xi32>
          %and3A_962 = arith.andi %gather3A_806, %sub3A_961 : vector<16xi32>
          %shift_right_arithmetic3A_963 = arith.constant 1 : i32
          %shift_right_arithmetic3A_964 = vector.broadcast %shift_right_arithmetic3A_963 : i32 to vector<16xi32>
          %shift_right_arithmetic3A_965 = arith.shrsi %and3A_962, %shift_right_arithmetic3A_964 : vector<16xi32>
          %and3A_966 = arith.constant 21845 : i32
          %and3A_967 = vector.broadcast %and3A_966 : i32 to vector<16xi32>
          %and3A_968 = arith.andi %shift_right_arithmetic3A_965, %and3A_967 : vector<16xi32>
          %sub3A_969 = arith.subi %and3A_962, %and3A_968 : vector<16xi32>
          %and3A_970 = arith.constant 13107 : i32
          %and3A_971 = vector.broadcast %and3A_970 : i32 to vector<16xi32>
          %and3A_972 = arith.andi %sub3A_969, %and3A_971 : vector<16xi32>
          %shift_right_arithmetic3A_973 = arith.constant 2 : i32
          %shift_right_arithmetic3A_974 = vector.broadcast %shift_right_arithmetic3A_973 : i32 to vector<16xi32>
          %shift_right_arithmetic3A_975 = arith.shrsi %sub3A_969, %shift_right_arithmetic3A_974 : vector<16xi32>
          %and3A_976 = arith.constant 13107 : i32
          %and3A_977 = vector.broadcast %and3A_976 : i32 to vector<16xi32>
          %and3A_978 = arith.andi %shift_right_arithmetic3A_975, %and3A_977 : vector<16xi32>
          %add3A_979 = arith.addi %and3A_972, %and3A_978 : vector<16xi32>
          %shift_right_arithmetic3A_980 = arith.constant 4 : i32
          %shift_right_arithmetic3A_981 = vector.broadcast %shift_right_arithmetic3A_980 : i32 to vector<16xi32>
          %shift_right_arithmetic3A_982 = arith.shrsi %add3A_979, %shift_right_arithmetic3A_981 : vector<16xi32>
          %add3A_983 = arith.addi %add3A_979, %shift_right_arithmetic3A_982 : vector<16xi32>
          %and3A_984 = arith.constant 3855 : i32
          %and3A_985 = vector.broadcast %and3A_984 : i32 to vector<16xi32>
          %and3A_986 = arith.andi %add3A_983, %and3A_985 : vector<16xi32>
          %shift_right_arithmetic3A_987 = arith.constant 8 : i32
          %shift_right_arithmetic3A_988 = vector.broadcast %shift_right_arithmetic3A_987 : i32 to vector<16xi32>
          %shift_right_arithmetic3A_989 = arith.shrsi %and3A_986, %shift_right_arithmetic3A_988 : vector<16xi32>
          %add3A_990 = arith.addi %and3A_986, %shift_right_arithmetic3A_989 : vector<16xi32>
          %and3A_991 = arith.constant 31 : i32
          %and3A_992 = vector.broadcast %and3A_991 : i32 to vector<16xi32>
          %and3A_993 = arith.andi %add3A_990, %and3A_992 : vector<16xi32>
          %le3A_994 = arith.cmpi sle, %and3A_993, %sub3A_805 : vector<16xi32>
          %jit3A_995 = arith.constant 1 : i32
          %jit3A_996 = arith.constant 0 : i32
          %broadcast_in_dim3A_997 = vector.broadcast %jit3A_995 : i32 to vector<16xi32>
          %broadcast_in_dim3A_998 = vector.broadcast %jit3A_996 : i32 to vector<16xi32>
          %select_n3A_999 = arith.select %le3A_994, %broadcast_in_dim3A_997, %broadcast_in_dim3A_998 : vector<16xi1>, vector<16xi32>
          %add3A_1000 = arith.addi %add3A_952, %select_n3A_999 : vector<16xi32>
          %mul3A_1001 = arith.constant 16 : i32
          %mul3A_1002 = vector.broadcast %mul3A_1001 : i32 to vector<16xi32>
          %mul3A_1003 = arith.muli %add3A_791, %mul3A_1002 : vector<16xi32>
          %add3A_1004 = arith.addi %mul3A_1003, %add3A_1000 : vector<16xi32>
          %broadcast_in_dim3A_1005 = arith.constant 0 : i32
          %broadcast_in_dim3A_1006 = vector.broadcast %broadcast_in_dim3A_1005 : i32 to vector<16xi32>
          %add3A_1007 = arith.constant 127 : i32
          %add3A_1008 = vector.broadcast %add3A_1007 : i32 to vector<16xi32>
          %add3A_1009 = arith.addi %broadcast_in_dim3A_1006, %add3A_1008 : vector<16xi32>
          %gather3A_1010 = tpu.vector_load_idx %arg6[%broadcast_in_dim3A, %add3A_1009] : memref<64x256xi32, #tpu.memory_space<vmem>>[vector<16xi32>, vector<16xi32>], vector<16xi32>,
          %le3A_1011 = arith.cmpi sle, %gather3A_1010, %add3A_14 : vector<16xi32>
          %jit3A_1012 = arith.constant 128 : i32
          %jit3A_1013 = arith.constant 0 : i32
          %broadcast_in_dim3A_1014 = vector.broadcast %jit3A_1012 : i32 to vector<16xi32>
          %broadcast_in_dim3A_1015 = vector.broadcast %jit3A_1013 : i32 to vector<16xi32>
          %select_n3A_1016 = arith.select %le3A_1011, %broadcast_in_dim3A_1014, %broadcast_in_dim3A_1015 : vector<16xi1>, vector<16xi32>
          %add3A_1017 = arith.addi %broadcast_in_dim3A_1006, %select_n3A_1016 : vector<16xi32>
          %add3A_1018 = arith.constant 63 : i32
          %add3A_1019 = vector.broadcast %add3A_1018 : i32 to vector<16xi32>
          %add3A_1020 = arith.addi %add3A_1017, %add3A_1019 : vector<16xi32>
          %gather3A_1021 = tpu.vector_load_idx %arg6[%broadcast_in_dim3A, %add3A_1020] : memref<64x256xi32, #tpu.memory_space<vmem>>[vector<16xi32>, vector<16xi32>], vector<16xi32>,
          %le3A_1022 = arith.cmpi sle, %gather3A_1021, %add3A_14 : vector<16xi32>
          %jit3A_1023 = arith.constant 64 : i32
          %jit3A_1024 = arith.constant 0 : i32
          %broadcast_in_dim3A_1025 = vector.broadcast %jit3A_1023 : i32 to vector<16xi32>
          %broadcast_in_dim3A_1026 = vector.broadcast %jit3A_1024 : i32 to vector<16xi32>
          %select_n3A_1027 = arith.select %le3A_1022, %broadcast_in_dim3A_1025, %broadcast_in_dim3A_1026 : vector<16xi1>, vector<16xi32>
          %add3A_1028 = arith.addi %add3A_1017, %select_n3A_1027 : vector<16xi32>
          %add3A_1029 = arith.constant 31 : i32
          %add3A_1030 = vector.broadcast %add3A_1029 : i32 to vector<16xi32>
          %add3A_1031 = arith.addi %add3A_1028, %add3A_1030 : vector<16xi32>
          %gather3A_1032 = tpu.vector_load_idx %arg6[%broadcast_in_dim3A, %add3A_1031] : memref<64x256xi32, #tpu.memory_space<vmem>>[vector<16xi32>, vector<16xi32>], vector<16xi32>,
          %le3A_1033 = arith.cmpi sle, %gather3A_1032, %add3A_14 : vector<16xi32>
          %jit3A_1034 = arith.constant 32 : i32
          %jit3A_1035 = arith.constant 0 : i32
          %broadcast_in_dim3A_1036 = vector.broadcast %jit3A_1034 : i32 to vector<16xi32>
          %broadcast_in_dim3A_1037 = vector.broadcast %jit3A_1035 : i32 to vector<16xi32>
          %select_n3A_1038 = arith.select %le3A_1033, %broadcast_in_dim3A_1036, %broadcast_in_dim3A_1037 : vector<16xi1>, vector<16xi32>
          %add3A_1039 = arith.addi %add3A_1028, %select_n3A_1038 : vector<16xi32>
          %add3A_1040 = arith.constant 15 : i32
          %add3A_1041 = vector.broadcast %add3A_1040 : i32 to vector<16xi32>
          %add3A_1042 = arith.addi %add3A_1039, %add3A_1041 : vector<16xi32>
          %gather3A_1043 = tpu.vector_load_idx %arg6[%broadcast_in_dim3A, %add3A_1042] : memref<64x256xi32, #tpu.memory_space<vmem>>[vector<16xi32>, vector<16xi32>], vector<16xi32>,
          %le3A_1044 = arith.cmpi sle, %gather3A_1043, %add3A_14 : vector<16xi32>
          %jit3A_1045 = arith.constant 16 : i32
          %jit3A_1046 = arith.constant 0 : i32
          %broadcast_in_dim3A_1047 = vector.broadcast %jit3A_1045 : i32 to vector<16xi32>
          %broadcast_in_dim3A_1048 = vector.broadcast %jit3A_1046 : i32 to vector<16xi32>
          %select_n3A_1049 = arith.select %le3A_1044, %broadcast_in_dim3A_1047, %broadcast_in_dim3A_1048 : vector<16xi1>, vector<16xi32>
          %add3A_1050 = arith.addi %add3A_1039, %select_n3A_1049 : vector<16xi32>
          %add3A_1051 = arith.constant 7 : i32
          %add3A_1052 = vector.broadcast %add3A_1051 : i32 to vector<16xi32>
          %add3A_1053 = arith.addi %add3A_1050, %add3A_1052 : vector<16xi32>
          %gather3A_1054 = tpu.vector_load_idx %arg6[%broadcast_in_dim3A, %add3A_1053] : memref<64x256xi32, #tpu.memory_space<vmem>>[vector<16xi32>, vector<16xi32>], vector<16xi32>,
          %le3A_1055 = arith.cmpi sle, %gather3A_1054, %add3A_14 : vector<16xi32>
          %jit3A_1056 = arith.constant 8 : i32
          %jit3A_1057 = arith.constant 0 : i32
          %broadcast_in_dim3A_1058 = vector.broadcast %jit3A_1056 : i32 to vector<16xi32>
          %broadcast_in_dim3A_1059 = vector.broadcast %jit3A_1057 : i32 to vector<16xi32>
          %select_n3A_1060 = arith.select %le3A_1055, %broadcast_in_dim3A_1058, %broadcast_in_dim3A_1059 : vector<16xi1>, vector<16xi32>
          %add3A_1061 = arith.addi %add3A_1050, %select_n3A_1060 : vector<16xi32>
          %add3A_1062 = arith.constant 3 : i32
          %add3A_1063 = vector.broadcast %add3A_1062 : i32 to vector<16xi32>
          %add3A_1064 = arith.addi %add3A_1061, %add3A_1063 : vector<16xi32>
          %gather3A_1065 = tpu.vector_load_idx %arg6[%broadcast_in_dim3A, %add3A_1064] : memref<64x256xi32, #tpu.memory_space<vmem>>[vector<16xi32>, vector<16xi32>], vector<16xi32>,
          %le3A_1066 = arith.cmpi sle, %gather3A_1065, %add3A_14 : vector<16xi32>
          %jit3A_1067 = arith.constant 4 : i32
          %jit3A_1068 = arith.constant 0 : i32
          %broadcast_in_dim3A_1069 = vector.broadcast %jit3A_1067 : i32 to vector<16xi32>
          %broadcast_in_dim3A_1070 = vector.broadcast %jit3A_1068 : i32 to vector<16xi32>
          %select_n3A_1071 = arith.select %le3A_1066, %broadcast_in_dim3A_1069, %broadcast_in_dim3A_1070 : vector<16xi1>, vector<16xi32>
          %add3A_1072 = arith.addi %add3A_1061, %select_n3A_1071 : vector<16xi32>
          %add3A_1073 = arith.constant 1 : i32
          %add3A_1074 = vector.broadcast %add3A_1073 : i32 to vector<16xi32>
          %add3A_1075 = arith.addi %add3A_1072, %add3A_1074 : vector<16xi32>
          %gather3A_1076 = tpu.vector_load_idx %arg6[%broadcast_in_dim3A, %add3A_1075] : memref<64x256xi32, #tpu.memory_space<vmem>>[vector<16xi32>, vector<16xi32>], vector<16xi32>,
          %le3A_1077 = arith.cmpi sle, %gather3A_1076, %add3A_14 : vector<16xi32>
          %jit3A_1078 = arith.constant 2 : i32
          %jit3A_1079 = arith.constant 0 : i32
          %broadcast_in_dim3A_1080 = vector.broadcast %jit3A_1078 : i32 to vector<16xi32>
          %broadcast_in_dim3A_1081 = vector.broadcast %jit3A_1079 : i32 to vector<16xi32>
          %select_n3A_1082 = arith.select %le3A_1077, %broadcast_in_dim3A_1080, %broadcast_in_dim3A_1081 : vector<16xi1>, vector<16xi32>
          %add3A_1083 = arith.addi %add3A_1072, %select_n3A_1082 : vector<16xi32>
          %add3A_1084 = arith.constant 0 : i32
          %add3A_1085 = vector.broadcast %add3A_1084 : i32 to vector<16xi32>
          %add3A_1086 = arith.addi %add3A_1083, %add3A_1085 : vector<16xi32>
          %gather3A_1087 = tpu.vector_load_idx %arg6[%broadcast_in_dim3A, %add3A_1086] : memref<64x256xi32, #tpu.memory_space<vmem>>[vector<16xi32>, vector<16xi32>], vector<16xi32>,
          %le3A_1088 = arith.cmpi sle, %gather3A_1087, %add3A_14 : vector<16xi32>
          %jit3A_1089 = arith.constant 1 : i32
          %jit3A_1090 = arith.constant 0 : i32
          %broadcast_in_dim3A_1091 = vector.broadcast %jit3A_1089 : i32 to vector<16xi32>
          %broadcast_in_dim3A_1092 = vector.broadcast %jit3A_1090 : i32 to vector<16xi32>
          %select_n3A_1093 = arith.select %le3A_1088, %broadcast_in_dim3A_1091, %broadcast_in_dim3A_1092 : vector<16xi1>, vector<16xi32>
          %add3A_1094 = arith.addi %add3A_1083, %select_n3A_1093 : vector<16xi32>
          %sub3A_1095 = arith.constant 1 : i32
          %sub3A_1096 = vector.broadcast %sub3A_1095 : i32 to vector<16xi32>
          %sub3A_1097 = arith.subi %add3A_1094, %sub3A_1096 : vector<16xi32>
          %max3A_1098 = arith.constant 0 : i32
          %max3A_1099 = vector.broadcast %max3A_1098 : i32 to vector<16xi32>
          %max3A_1100 = arith.maxsi %sub3A_1097, %max3A_1099 : vector<16xi32>
          %gather3A_1101 = tpu.vector_load_idx %arg6[%broadcast_in_dim3A, %max3A_1100] : memref<64x256xi32, #tpu.memory_space<vmem>>[vector<16xi32>, vector<16xi32>], vector<16xi32>,
          %eq3A_1102 = arith.constant 0 : i32
          %eq3A_1103 = vector.broadcast %eq3A_1102 : i32 to vector<16xi32>
          %eq3A_1104 = arith.cmpi eq, %add3A_1094, %eq3A_1103 : vector<16xi32>
          %jit3A_1105 = arith.constant 0 : i32
          %broadcast_in_dim3A_1106 = vector.broadcast %jit3A_1105 : i32 to vector<16xi32>
          %select_n3A_1107 = arith.select %eq3A_1104, %broadcast_in_dim3A_1106, %gather3A_1101 : vector<16xi1>, vector<16xi32>
          %sub3A_1108 = arith.subi %add3A_14, %select_n3A_1107 : vector<16xi32>
          %gather3A_1109 = tpu.vector_load_idx %arg8[%broadcast_in_dim3A, %add3A_1094] : memref<64x256xi32, #tpu.memory_space<vmem>>[vector<16xi32>, vector<16xi32>], vector<16xi32>,
          %broadcast_in_dim3A_1110 = arith.constant 0 : i32
          %broadcast_in_dim3A_1111 = vector.broadcast %broadcast_in_dim3A_1110 : i32 to vector<16xi32>
          %add3A_1112 = arith.constant 7 : i32
          %add3A_1113 = vector.broadcast %add3A_1112 : i32 to vector<16xi32>
          %add3A_1114 = arith.addi %broadcast_in_dim3A_1111, %add3A_1113 : vector<16xi32>
          %shift_left3A_1115 = arith.constant 2 : i32
          %shift_left3A_1116 = vector.broadcast %shift_left3A_1115 : i32 to vector<16xi32>
          %shift_left3A_1117 = arith.shli %shift_left3A_1116, %add3A_1114 : vector<16xi32>
          %sub3A_1118 = arith.constant 1 : i32
          %sub3A_1119 = vector.broadcast %sub3A_1118 : i32 to vector<16xi32>
          %sub3A_1120 = arith.subi %shift_left3A_1117, %sub3A_1119 : vector<16xi32>
          %and3A_1121 = arith.andi %gather3A_1109, %sub3A_1120 : vector<16xi32>
          %shift_right_arithmetic3A_1122 = arith.constant 1 : i32
          %shift_right_arithmetic3A_1123 = vector.broadcast %shift_right_arithmetic3A_1122 : i32 to vector<16xi32>
          %shift_right_arithmetic3A_1124 = arith.shrsi %and3A_1121, %shift_right_arithmetic3A_1123 : vector<16xi32>
          %and3A_1125 = arith.constant 21845 : i32
          %and3A_1126 = vector.broadcast %and3A_1125 : i32 to vector<16xi32>
          %and3A_1127 = arith.andi %shift_right_arithmetic3A_1124, %and3A_1126 : vector<16xi32>
          %sub3A_1128 = arith.subi %and3A_1121, %and3A_1127 : vector<16xi32>
          %and3A_1129 = arith.constant 13107 : i32
          %and3A_1130 = vector.broadcast %and3A_1129 : i32 to vector<16xi32>
          %and3A_1131 = arith.andi %sub3A_1128, %and3A_1130 : vector<16xi32>
          %shift_right_arithmetic3A_1132 = arith.constant 2 : i32
          %shift_right_arithmetic3A_1133 = vector.broadcast %shift_right_arithmetic3A_1132 : i32 to vector<16xi32>
          %shift_right_arithmetic3A_1134 = arith.shrsi %sub3A_1128, %shift_right_arithmetic3A_1133 : vector<16xi32>
          %and3A_1135 = arith.constant 13107 : i32
          %and3A_1136 = vector.broadcast %and3A_1135 : i32 to vector<16xi32>
          %and3A_1137 = arith.andi %shift_right_arithmetic3A_1134, %and3A_1136 : vector<16xi32>
          %add3A_1138 = arith.addi %and3A_1131, %and3A_1137 : vector<16xi32>
          %shift_right_arithmetic3A_1139 = arith.constant 4 : i32
          %shift_right_arithmetic3A_1140 = vector.broadcast %shift_right_arithmetic3A_1139 : i32 to vector<16xi32>
          %shift_right_arithmetic3A_1141 = arith.shrsi %add3A_1138, %shift_right_arithmetic3A_1140 : vector<16xi32>
          %add3A_1142 = arith.addi %add3A_1138, %shift_right_arithmetic3A_1141 : vector<16xi32>
          %and3A_1143 = arith.constant 3855 : i32
          %and3A_1144 = vector.broadcast %and3A_1143 : i32 to vector<16xi32>
          %and3A_1145 = arith.andi %add3A_1142, %and3A_1144 : vector<16xi32>
          %shift_right_arithmetic3A_1146 = arith.constant 8 : i32
          %shift_right_arithmetic3A_1147 = vector.broadcast %shift_right_arithmetic3A_1146 : i32 to vector<16xi32>
          %shift_right_arithmetic3A_1148 = arith.shrsi %and3A_1145, %shift_right_arithmetic3A_1147 : vector<16xi32>
          %add3A_1149 = arith.addi %and3A_1145, %shift_right_arithmetic3A_1148 : vector<16xi32>
          %and3A_1150 = arith.constant 31 : i32
          %and3A_1151 = vector.broadcast %and3A_1150 : i32 to vector<16xi32>
          %and3A_1152 = arith.andi %add3A_1149, %and3A_1151 : vector<16xi32>
          %le3A_1153 = arith.cmpi sle, %and3A_1152, %sub3A_1108 : vector<16xi32>
          %jit3A_1154 = arith.constant 8 : i32
          %jit3A_1155 = arith.constant 0 : i32
          %broadcast_in_dim3A_1156 = vector.broadcast %jit3A_1154 : i32 to vector<16xi32>
          %broadcast_in_dim3A_1157 = vector.broadcast %jit3A_1155 : i32 to vector<16xi32>
          %select_n3A_1158 = arith.select %le3A_1153, %broadcast_in_dim3A_1156, %broadcast_in_dim3A_1157 : vector<16xi1>, vector<16xi32>
          %add3A_1159 = arith.addi %broadcast_in_dim3A_1111, %select_n3A_1158 : vector<16xi32>
          %add3A_1160 = arith.constant 3 : i32
          %add3A_1161 = vector.broadcast %add3A_1160 : i32 to vector<16xi32>
          %add3A_1162 = arith.addi %add3A_1159, %add3A_1161 : vector<16xi32>
          %shift_left3A_1163 = arith.constant 2 : i32
          %shift_left3A_1164 = vector.broadcast %shift_left3A_1163 : i32 to vector<16xi32>
          %shift_left3A_1165 = arith.shli %shift_left3A_1164, %add3A_1162 : vector<16xi32>
          %sub3A_1166 = arith.constant 1 : i32
          %sub3A_1167 = vector.broadcast %sub3A_1166 : i32 to vector<16xi32>
          %sub3A_1168 = arith.subi %shift_left3A_1165, %sub3A_1167 : vector<16xi32>
          %and3A_1169 = arith.andi %gather3A_1109, %sub3A_1168 : vector<16xi32>
          %shift_right_arithmetic3A_1170 = arith.constant 1 : i32
          %shift_right_arithmetic3A_1171 = vector.broadcast %shift_right_arithmetic3A_1170 : i32 to vector<16xi32>
          %shift_right_arithmetic3A_1172 = arith.shrsi %and3A_1169, %shift_right_arithmetic3A_1171 : vector<16xi32>
          %and3A_1173 = arith.constant 21845 : i32
          %and3A_1174 = vector.broadcast %and3A_1173 : i32 to vector<16xi32>
          %and3A_1175 = arith.andi %shift_right_arithmetic3A_1172, %and3A_1174 : vector<16xi32>
          %sub3A_1176 = arith.subi %and3A_1169, %and3A_1175 : vector<16xi32>
          %and3A_1177 = arith.constant 13107 : i32
          %and3A_1178 = vector.broadcast %and3A_1177 : i32 to vector<16xi32>
          %and3A_1179 = arith.andi %sub3A_1176, %and3A_1178 : vector<16xi32>
          %shift_right_arithmetic3A_1180 = arith.constant 2 : i32
          %shift_right_arithmetic3A_1181 = vector.broadcast %shift_right_arithmetic3A_1180 : i32 to vector<16xi32>
          %shift_right_arithmetic3A_1182 = arith.shrsi %sub3A_1176, %shift_right_arithmetic3A_1181 : vector<16xi32>
          %and3A_1183 = arith.constant 13107 : i32
          %and3A_1184 = vector.broadcast %and3A_1183 : i32 to vector<16xi32>
          %and3A_1185 = arith.andi %shift_right_arithmetic3A_1182, %and3A_1184 : vector<16xi32>
          %add3A_1186 = arith.addi %and3A_1179, %and3A_1185 : vector<16xi32>
          %shift_right_arithmetic3A_1187 = arith.constant 4 : i32
          %shift_right_arithmetic3A_1188 = vector.broadcast %shift_right_arithmetic3A_1187 : i32 to vector<16xi32>
          %shift_right_arithmetic3A_1189 = arith.shrsi %add3A_1186, %shift_right_arithmetic3A_1188 : vector<16xi32>
          %add3A_1190 = arith.addi %add3A_1186, %shift_right_arithmetic3A_1189 : vector<16xi32>
          %and3A_1191 = arith.constant 3855 : i32
          %and3A_1192 = vector.broadcast %and3A_1191 : i32 to vector<16xi32>
          %and3A_1193 = arith.andi %add3A_1190, %and3A_1192 : vector<16xi32>
          %shift_right_arithmetic3A_1194 = arith.constant 8 : i32
          %shift_right_arithmetic3A_1195 = vector.broadcast %shift_right_arithmetic3A_1194 : i32 to vector<16xi32>
          %shift_right_arithmetic3A_1196 = arith.shrsi %and3A_1193, %shift_right_arithmetic3A_1195 : vector<16xi32>
          %add3A_1197 = arith.addi %and3A_1193, %shift_right_arithmetic3A_1196 : vector<16xi32>
          %and3A_1198 = arith.constant 31 : i32
          %and3A_1199 = vector.broadcast %and3A_1198 : i32 to vector<16xi32>
          %and3A_1200 = arith.andi %add3A_1197, %and3A_1199 : vector<16xi32>
          %le3A_1201 = arith.cmpi sle, %and3A_1200, %sub3A_1108 : vector<16xi32>
          %jit3A_1202 = arith.constant 4 : i32
          %jit3A_1203 = arith.constant 0 : i32
          %broadcast_in_dim3A_1204 = vector.broadcast %jit3A_1202 : i32 to vector<16xi32>
          %broadcast_in_dim3A_1205 = vector.broadcast %jit3A_1203 : i32 to vector<16xi32>
          %select_n3A_1206 = arith.select %le3A_1201, %broadcast_in_dim3A_1204, %broadcast_in_dim3A_1205 : vector<16xi1>, vector<16xi32>
          %add3A_1207 = arith.addi %add3A_1159, %select_n3A_1206 : vector<16xi32>
          %add3A_1208 = arith.constant 1 : i32
          %add3A_1209 = vector.broadcast %add3A_1208 : i32 to vector<16xi32>
          %add3A_1210 = arith.addi %add3A_1207, %add3A_1209 : vector<16xi32>
          %shift_left3A_1211 = arith.constant 2 : i32
          %shift_left3A_1212 = vector.broadcast %shift_left3A_1211 : i32 to vector<16xi32>
          %shift_left3A_1213 = arith.shli %shift_left3A_1212, %add3A_1210 : vector<16xi32>
          %sub3A_1214 = arith.constant 1 : i32
          %sub3A_1215 = vector.broadcast %sub3A_1214 : i32 to vector<16xi32>
          %sub3A_1216 = arith.subi %shift_left3A_1213, %sub3A_1215 : vector<16xi32>
          %and3A_1217 = arith.andi %gather3A_1109, %sub3A_1216 : vector<16xi32>
          %shift_right_arithmetic3A_1218 = arith.constant 1 : i32
          %shift_right_arithmetic3A_1219 = vector.broadcast %shift_right_arithmetic3A_1218 : i32 to vector<16xi32>
          %shift_right_arithmetic3A_1220 = arith.shrsi %and3A_1217, %shift_right_arithmetic3A_1219 : vector<16xi32>
          %and3A_1221 = arith.constant 21845 : i32
          %and3A_1222 = vector.broadcast %and3A_1221 : i32 to vector<16xi32>
          %and3A_1223 = arith.andi %shift_right_arithmetic3A_1220, %and3A_1222 : vector<16xi32>
          %sub3A_1224 = arith.subi %and3A_1217, %and3A_1223 : vector<16xi32>
          %and3A_1225 = arith.constant 13107 : i32
          %and3A_1226 = vector.broadcast %and3A_1225 : i32 to vector<16xi32>
          %and3A_1227 = arith.andi %sub3A_1224, %and3A_1226 : vector<16xi32>
          %shift_right_arithmetic3A_1228 = arith.constant 2 : i32
          %shift_right_arithmetic3A_1229 = vector.broadcast %shift_right_arithmetic3A_1228 : i32 to vector<16xi32>
          %shift_right_arithmetic3A_1230 = arith.shrsi %sub3A_1224, %shift_right_arithmetic3A_1229 : vector<16xi32>
          %and3A_1231 = arith.constant 13107 : i32
          %and3A_1232 = vector.broadcast %and3A_1231 : i32 to vector<16xi32>
          %and3A_1233 = arith.andi %shift_right_arithmetic3A_1230, %and3A_1232 : vector<16xi32>
          %add3A_1234 = arith.addi %and3A_1227, %and3A_1233 : vector<16xi32>
          %shift_right_arithmetic3A_1235 = arith.constant 4 : i32
          %shift_right_arithmetic3A_1236 = vector.broadcast %shift_right_arithmetic3A_1235 : i32 to vector<16xi32>
          %shift_right_arithmetic3A_1237 = arith.shrsi %add3A_1234, %shift_right_arithmetic3A_1236 : vector<16xi32>
          %add3A_1238 = arith.addi %add3A_1234, %shift_right_arithmetic3A_1237 : vector<16xi32>
          %and3A_1239 = arith.constant 3855 : i32
          %and3A_1240 = vector.broadcast %and3A_1239 : i32 to vector<16xi32>
          %and3A_1241 = arith.andi %add3A_1238, %and3A_1240 : vector<16xi32>
          %shift_right_arithmetic3A_1242 = arith.constant 8 : i32
          %shift_right_arithmetic3A_1243 = vector.broadcast %shift_right_arithmetic3A_1242 : i32 to vector<16xi32>
          %shift_right_arithmetic3A_1244 = arith.shrsi %and3A_1241, %shift_right_arithmetic3A_1243 : vector<16xi32>
          %add3A_1245 = arith.addi %and3A_1241, %shift_right_arithmetic3A_1244 : vector<16xi32>
          %and3A_1246 = arith.constant 31 : i32
          %and3A_1247 = vector.broadcast %and3A_1246 : i32 to vector<16xi32>
          %and3A_1248 = arith.andi %add3A_1245, %and3A_1247 : vector<16xi32>
          %le3A_1249 = arith.cmpi sle, %and3A_1248, %sub3A_1108 : vector<16xi32>
          %jit3A_1250 = arith.constant 2 : i32
          %jit3A_1251 = arith.constant 0 : i32
          %broadcast_in_dim3A_1252 = vector.broadcast %jit3A_1250 : i32 to vector<16xi32>
          %broadcast_in_dim3A_1253 = vector.broadcast %jit3A_1251 : i32 to vector<16xi32>
          %select_n3A_1254 = arith.select %le3A_1249, %broadcast_in_dim3A_1252, %broadcast_in_dim3A_1253 : vector<16xi1>, vector<16xi32>
          %add3A_1255 = arith.addi %add3A_1207, %select_n3A_1254 : vector<16xi32>
          %add3A_1256 = arith.constant 0 : i32
          %add3A_1257 = vector.broadcast %add3A_1256 : i32 to vector<16xi32>
          %add3A_1258 = arith.addi %add3A_1255, %add3A_1257 : vector<16xi32>
          %shift_left3A_1259 = arith.constant 2 : i32
          %shift_left3A_1260 = vector.broadcast %shift_left3A_1259 : i32 to vector<16xi32>
          %shift_left3A_1261 = arith.shli %shift_left3A_1260, %add3A_1258 : vector<16xi32>
          %sub3A_1262 = arith.constant 1 : i32
          %sub3A_1263 = vector.broadcast %sub3A_1262 : i32 to vector<16xi32>
          %sub3A_1264 = arith.subi %shift_left3A_1261, %sub3A_1263 : vector<16xi32>
          %and3A_1265 = arith.andi %gather3A_1109, %sub3A_1264 : vector<16xi32>
          %shift_right_arithmetic3A_1266 = arith.constant 1 : i32
          %shift_right_arithmetic3A_1267 = vector.broadcast %shift_right_arithmetic3A_1266 : i32 to vector<16xi32>
          %shift_right_arithmetic3A_1268 = arith.shrsi %and3A_1265, %shift_right_arithmetic3A_1267 : vector<16xi32>
          %and3A_1269 = arith.constant 21845 : i32
          %and3A_1270 = vector.broadcast %and3A_1269 : i32 to vector<16xi32>
          %and3A_1271 = arith.andi %shift_right_arithmetic3A_1268, %and3A_1270 : vector<16xi32>
          %sub3A_1272 = arith.subi %and3A_1265, %and3A_1271 : vector<16xi32>
          %and3A_1273 = arith.constant 13107 : i32
          %and3A_1274 = vector.broadcast %and3A_1273 : i32 to vector<16xi32>
          %and3A_1275 = arith.andi %sub3A_1272, %and3A_1274 : vector<16xi32>
          %shift_right_arithmetic3A_1276 = arith.constant 2 : i32
          %shift_right_arithmetic3A_1277 = vector.broadcast %shift_right_arithmetic3A_1276 : i32 to vector<16xi32>
          %shift_right_arithmetic3A_1278 = arith.shrsi %sub3A_1272, %shift_right_arithmetic3A_1277 : vector<16xi32>
          %and3A_1279 = arith.constant 13107 : i32
          %and3A_1280 = vector.broadcast %and3A_1279 : i32 to vector<16xi32>
          %and3A_1281 = arith.andi %shift_right_arithmetic3A_1278, %and3A_1280 : vector<16xi32>
          %add3A_1282 = arith.addi %and3A_1275, %and3A_1281 : vector<16xi32>
          %shift_right_arithmetic3A_1283 = arith.constant 4 : i32
          %shift_right_arithmetic3A_1284 = vector.broadcast %shift_right_arithmetic3A_1283 : i32 to vector<16xi32>
          %shift_right_arithmetic3A_1285 = arith.shrsi %add3A_1282, %shift_right_arithmetic3A_1284 : vector<16xi32>
          %add3A_1286 = arith.addi %add3A_1282, %shift_right_arithmetic3A_1285 : vector<16xi32>
          %and3A_1287 = arith.constant 3855 : i32
          %and3A_1288 = vector.broadcast %and3A_1287 : i32 to vector<16xi32>
          %and3A_1289 = arith.andi %add3A_1286, %and3A_1288 : vector<16xi32>
          %shift_right_arithmetic3A_1290 = arith.constant 8 : i32
          %shift_right_arithmetic3A_1291 = vector.broadcast %shift_right_arithmetic3A_1290 : i32 to vector<16xi32>
          %shift_right_arithmetic3A_1292 = arith.shrsi %and3A_1289, %shift_right_arithmetic3A_1291 : vector<16xi32>
          %add3A_1293 = arith.addi %and3A_1289, %shift_right_arithmetic3A_1292 : vector<16xi32>
          %and3A_1294 = arith.constant 31 : i32
          %and3A_1295 = vector.broadcast %and3A_1294 : i32 to vector<16xi32>
          %and3A_1296 = arith.andi %add3A_1293, %and3A_1295 : vector<16xi32>
          %le3A_1297 = arith.cmpi sle, %and3A_1296, %sub3A_1108 : vector<16xi32>
          %jit3A_1298 = arith.constant 1 : i32
          %jit3A_1299 = arith.constant 0 : i32
          %broadcast_in_dim3A_1300 = vector.broadcast %jit3A_1298 : i32 to vector<16xi32>
          %broadcast_in_dim3A_1301 = vector.broadcast %jit3A_1299 : i32 to vector<16xi32>
          %select_n3A_1302 = arith.select %le3A_1297, %broadcast_in_dim3A_1300, %broadcast_in_dim3A_1301 : vector<16xi1>, vector<16xi32>
          %add3A_1303 = arith.addi %add3A_1255, %select_n3A_1302 : vector<16xi32>
          %mul3A_1304 = arith.constant 16 : i32
          %mul3A_1305 = vector.broadcast %mul3A_1304 : i32 to vector<16xi32>
          %mul3A_1306 = arith.muli %add3A_1094, %mul3A_1305 : vector<16xi32>
          %add3A_1307 = arith.addi %mul3A_1306, %add3A_1303 : vector<16xi32>
          %reduce_min3A = arith.constant true
          %reduce_min3A_1308 = vector.broadcast %reduce_min3A : i1 to vector<16xi1>
          %reduce_min3A_1309 = arith.constant -2147483648 : i32
          %reduce_min3A_1310 = vector.broadcast %reduce_min3A_1309 : i32 to vector<16xi32>
          %reduce_min3A_1311 = arith.xori %add3A_398, %reduce_min3A_1310 : vector<16xi32>
          %reduce_min3A_1312 = tpu.scan <min>, %reduce_min3A_1311 masked %reduce_min3A_1308 : vector<16xi32>, vector<16xi1> -> vector<16xi32>
          %reduce_min3A_1313 = arith.xori %reduce_min3A_1312, %reduce_min3A_1310 : vector<16xi32>
          %reduce_min3A_1314 = vector.extract %reduce_min3A_1313[15] : i32 from vector<16xi32>
          %broadcast_in_dim3A_1315 = vector.broadcast %reduce_min3A_1314 : i32 to vector<16xi32>
          %ge3A = arith.cmpi sge, %add3A_5, %gather3A : vector<16xi32>
          %select_n3A_1316 = arith.select %ge3A, %broadcast_in_dim3A_1315, %add3A_398 : vector<16xi1>, vector<16xi32>
          %mul3A_1317 = arith.constant 64 : i32
          %mul3A_1318 = arith.muli %add3A_98, %mul3A_1317 : i32
          %add3A_1319 = arith.constant 0 : i32
          %add3A_1320 = arith.addi %mul3A_1318, %add3A_1319 : i32
          %swap3A = arith.index_cast %add3A_1320 : i32 to index
          %swap3A_1321 = tpu.vector_load %arg9[%swap3A] {strides = array<i32>} : memref<16384xi32, #tpu.memory_space<vmem>>, vector<16xi32>,
          tpu.vector_store %arg9[%swap3A], %select_n3A_1316 {strides = array<i32>} : memref<16384xi32, #tpu.memory_space<vmem>>, vector<16xi32>,
          %ge3A_1322 = arith.cmpi sge, %add3A_8, %gather3A : vector<16xi32>
          %select_n3A_1323 = arith.select %ge3A_1322, %broadcast_in_dim3A_1315, %add3A_701 : vector<16xi1>, vector<16xi32>
          %mul3A_1324 = arith.constant 64 : i32
          %mul3A_1325 = arith.muli %add3A_98, %mul3A_1324 : i32
          %add3A_1326 = arith.constant 16 : i32
          %add3A_1327 = arith.addi %mul3A_1325, %add3A_1326 : i32
          %swap3A_1328 = arith.index_cast %add3A_1327 : i32 to index
          %swap3A_1329 = tpu.vector_load %arg9[%swap3A_1328] {strides = array<i32>} : memref<16384xi32, #tpu.memory_space<vmem>>, vector<16xi32>,
          tpu.vector_store %arg9[%swap3A_1328], %select_n3A_1323 {strides = array<i32>} : memref<16384xi32, #tpu.memory_space<vmem>>, vector<16xi32>,
          %ge3A_1330 = arith.cmpi sge, %add3A_11, %gather3A : vector<16xi32>
          %select_n3A_1331 = arith.select %ge3A_1330, %broadcast_in_dim3A_1315, %add3A_1004 : vector<16xi1>, vector<16xi32>
          %mul3A_1332 = arith.constant 64 : i32
          %mul3A_1333 = arith.muli %add3A_98, %mul3A_1332 : i32
          %add3A_1334 = arith.constant 32 : i32
          %add3A_1335 = arith.addi %mul3A_1333, %add3A_1334 : i32
          %swap3A_1336 = arith.index_cast %add3A_1335 : i32 to index
          %swap3A_1337 = tpu.vector_load %arg9[%swap3A_1336] {strides = array<i32>} : memref<16384xi32, #tpu.memory_space<vmem>>, vector<16xi32>,
          tpu.vector_store %arg9[%swap3A_1336], %select_n3A_1331 {strides = array<i32>} : memref<16384xi32, #tpu.memory_space<vmem>>, vector<16xi32>,
          %ge3A_1338 = arith.cmpi sge, %add3A_14, %gather3A : vector<16xi32>
          %select_n3A_1339 = arith.select %ge3A_1338, %broadcast_in_dim3A_1315, %add3A_1307 : vector<16xi1>, vector<16xi32>
          %mul3A_1340 = arith.constant 64 : i32
          %mul3A_1341 = arith.muli %add3A_98, %mul3A_1340 : i32
          %add3A_1342 = arith.constant 48 : i32
          %add3A_1343 = arith.addi %mul3A_1341, %add3A_1342 : i32
          %swap3A_1344 = arith.index_cast %add3A_1343 : i32 to index
          %swap3A_1345 = tpu.vector_load %arg9[%swap3A_1344] {strides = array<i32>} : memref<16384xi32, #tpu.memory_space<vmem>>, vector<16xi32>,
          tpu.vector_store %arg9[%swap3A_1344], %select_n3A_1339 {strides = array<i32>} : memref<16384xi32, #tpu.memory_space<vmem>>, vector<16xi32>,
        }
        %scan3A_94 = arith.constant 64 : i32
      } else {
      }
      %scan3A_69 = arith.constant 0 : i32
      scf.yield %scan3A_69 : i32
    }
    %scan3A_31 = arith.constant 4 : i32
    %mul3A_32 = arith.constant 64 : i32
    %mul3A_33 = arith.muli %mul3A_2, %mul3A_32 : i32
    "tpu.region"() ({
      %run_scoped3A = tpu.sem_alloc : memref<!tpu.dma_semaphore, #tpu.memory_space<semaphore_mem>>
      %dma_start3A_34 = tpu.memref_slice %arg4[%mul3A_33] : memref<524288xi32, #tpu.memory_space<hbm>> -> memref<16384xi32, #tpu.memory_space<hbm>>
      %dma_start3A_35 = tpu.memref_slice %arg4[%mul3A_33] : memref<524288xi32, #tpu.memory_space<hbm>> -> memref<16384xi32, #tpu.memory_space<hbm>>
      tpu.enqueue_dma source(%arg9 : memref<16384xi32, #tpu.memory_space<vmem>>) target(%dma_start3A_35 : memref<16384xi32, #tpu.memory_space<hbm>>) target_semaphore(%run_scoped3A : memref<!tpu.dma_semaphore, #tpu.memory_space<semaphore_mem>>)
      %dma_wait3A = tpu.memref_slice %arg4[%mul3A_33] : memref<524288xi32, #tpu.memory_space<hbm>> -> memref<16384xi32, #tpu.memory_space<hbm>>
      %dma_wait3A_36 = tpu.memref_slice %arg4[%mul3A_33] : memref<524288xi32, #tpu.memory_space<hbm>> -> memref<16384xi32, #tpu.memory_space<hbm>>
      tpu.wait_dma2 semaphore(%run_scoped3A : memref<!tpu.dma_semaphore, #tpu.memory_space<semaphore_mem>>) src(%arg9 : memref<16384xi32, #tpu.memory_space<vmem>>) dst(%dma_wait3A_36 : memref<16384xi32, #tpu.memory_space<hbm>>)
      tpu.yield
    }) : () -> ()
    return
  }
}

module attributes {stable_mosaic.version = 14 : i64} {
  func.func @_tc_body(%arg0: i32, %arg1: i32, %arg2: memref<1x3x4096xf32, #tpu.memory_space<vmem>>, %arg3: memref<1x256x1xi32, #tpu.memory_space<vmem>>, %arg4: memref<4096x512xbf16, #tpu.memory_space<vmem>>, %arg5: memref<256x256xbf16, #tpu.memory_space<vmem>>, %arg6: memref<256x256xi32, #tpu.memory_space<vmem>>, %arg7: memref<256x256xi32, #tpu.memory_space<vmem>>) attributes {dimension_semantics = [#tpu.dimension_semantics<arbitrary>, #tpu.dimension_semantics<arbitrary>], iteration_bounds = array<i64: 8, 4>, scalar_prefetch = 0 : i64, scratch_operands = 0 : i64, tpu.core_type = #tpu.core_type<tc>, window_params = [{transform_indices = @transform_0, window_bounds = array<i64: 1, 3, 4096>}, {transform_indices = @transform_1, window_bounds = array<i64: 1, 256, 1>}, {pipeline_mode = #tpu.pipeline_mode<synchronous>, transform_indices = @transform_2, window_bounds = array<i64: 4096, 512>}, {pipeline_mode = #tpu.pipeline_mode<synchronous>, transform_indices = @transform_3, window_bounds = array<i64: 256, 256>}, {transform_indices = @transform_4, window_bounds = array<i64: 256, 256>}, {transform_indices = @transform_5, window_bounds = array<i64: 256, 256>}]} {
    %get3A = arith.constant 0 : index
    %get3A_0 = arith.constant 0 : index
    %get3A_1 = arith.constant 0 : index
    %get3A_2 = vector.load %arg2[%get3A, %get3A_0, %get3A_1] : memref<1x3x4096xf32, #tpu.memory_space<vmem>>, vector<1x3x4096xf32>
    %get3A_3 = vector.shape_cast %get3A_2 : vector<1x3x4096xf32> to vector<3x4096xf32>
    %get3A_4 = arith.constant 0 : index
    %get3A_5 = arith.constant 0 : index
    %get3A_6 = arith.constant 0 : index
    %get3A_7 = vector.load %arg3[%get3A_4, %get3A_5, %get3A_6] : memref<1x256x1xi32, #tpu.memory_space<vmem>>, vector<1x256x1xi32>
    %get3A_8 = vector.shape_cast %get3A_7 : vector<1x256x1xi32> to vector<256x1xi32>
    %iota3A = tpu.iota {dimensions = array<i32: 1>} : vector<256x4096xi32>
    %eq3A = vector.broadcast %get3A_8 : vector<256x1xi32> to vector<256x4096xi32>
    %eq3A_9 = arith.cmpi eq, %iota3A, %eq3A : vector<256x4096xi32>
    %convert_element_type3A = arith.extui %eq3A_9 : vector<256x4096xi1> to vector<256x4096xi32>
    %convert_element_type3A_10 = arith.sitofp %convert_element_type3A : vector<256x4096xi32> to vector<256x4096xf32>
    %dot_general3A = arith.constant dense<0.000000e+00> : vector<256x3xf32>
    %dot_general3A_11 = tpu.matmul %convert_element_type3A_10, %get3A_3, %dot_general3A {dimension_numbers = #tpu.dot_dimension_numbers<[1], [1], [0], [0], [0, 0, 1, 0], [], []>, transpose_lhs_hint = false} : vector<256x4096xf32>, vector<3x4096xf32>, vector<256x3xf32> -> vector<256x3xf32>
    %dot_general3A_12 = arith.constant dense<0.000000e+00> : vector<256x4096xf32>
    %dot_general3A_13 = tpu.matmul %dot_general3A_11, %get3A_3, %dot_general3A_12 {dimension_numbers = #tpu.dot_dimension_numbers<[1], [0], [0], [1], [0, 0, 1, 1], [], []>, transpose_lhs_hint = false} : vector<256x3xf32>, vector<3x4096xf32>, vector<256x4096xf32> -> vector<256x4096xf32>
    %slice3A = vector.extract_strided_slice %dot_general3A_11 {offsets = [0, 0], sizes = [256, 1], strides = [1, 1]} : vector<256x3xf32> to vector<256x1xf32>
    %slice3A_14 = vector.extract_strided_slice %dot_general3A_11 {offsets = [0, 0], sizes = [256, 1], strides = [1, 1]} : vector<256x3xf32> to vector<256x1xf32>
    %mul3A = arith.mulf %slice3A, %slice3A_14 : vector<256x1xf32>
    %slice3A_15 = vector.extract_strided_slice %dot_general3A_11 {offsets = [0, 1], sizes = [256, 1], strides = [1, 1]} : vector<256x3xf32> to vector<256x1xf32>
    %slice3A_16 = vector.extract_strided_slice %dot_general3A_11 {offsets = [0, 1], sizes = [256, 1], strides = [1, 1]} : vector<256x3xf32> to vector<256x1xf32>
    %mul3A_17 = arith.mulf %slice3A_15, %slice3A_16 : vector<256x1xf32>
    %add3A = arith.addf %mul3A, %mul3A_17 : vector<256x1xf32>
    %slice3A_18 = vector.extract_strided_slice %dot_general3A_11 {offsets = [0, 2], sizes = [256, 1], strides = [1, 1]} : vector<256x3xf32> to vector<256x1xf32>
    %slice3A_19 = vector.extract_strided_slice %dot_general3A_11 {offsets = [0, 2], sizes = [256, 1], strides = [1, 1]} : vector<256x3xf32> to vector<256x1xf32>
    %mul3A_20 = arith.mulf %slice3A_18, %slice3A_19 : vector<256x1xf32>
    %add3A_21 = arith.addf %add3A, %mul3A_20 : vector<256x1xf32>
    %slice3A_22 = vector.extract_strided_slice %get3A_3 {offsets = [0, 0], sizes = [1, 4096], strides = [1, 1]} : vector<3x4096xf32> to vector<1x4096xf32>
    %slice3A_23 = vector.extract_strided_slice %get3A_3 {offsets = [0, 0], sizes = [1, 4096], strides = [1, 1]} : vector<3x4096xf32> to vector<1x4096xf32>
    %mul3A_24 = arith.mulf %slice3A_22, %slice3A_23 : vector<1x4096xf32>
    %slice3A_25 = vector.extract_strided_slice %get3A_3 {offsets = [1, 0], sizes = [1, 4096], strides = [1, 1]} : vector<3x4096xf32> to vector<1x4096xf32>
    %slice3A_26 = vector.extract_strided_slice %get3A_3 {offsets = [1, 0], sizes = [1, 4096], strides = [1, 1]} : vector<3x4096xf32> to vector<1x4096xf32>
    %mul3A_27 = arith.mulf %slice3A_25, %slice3A_26 : vector<1x4096xf32>
    %add3A_28 = arith.addf %mul3A_24, %mul3A_27 : vector<1x4096xf32>
    %slice3A_29 = vector.extract_strided_slice %get3A_3 {offsets = [2, 0], sizes = [1, 4096], strides = [1, 1]} : vector<3x4096xf32> to vector<1x4096xf32>
    %slice3A_30 = vector.extract_strided_slice %get3A_3 {offsets = [2, 0], sizes = [1, 4096], strides = [1, 1]} : vector<3x4096xf32> to vector<1x4096xf32>
    %mul3A_31 = arith.mulf %slice3A_29, %slice3A_30 : vector<1x4096xf32>
    %add3A_32 = arith.addf %add3A_28, %mul3A_31 : vector<1x4096xf32>
    %mul3A_33 = arith.constant -2.000000e+00 : f32
    %mul3A_34 = vector.broadcast %mul3A_33 : f32 to vector<256x4096xf32>
    %mul3A_35 = arith.mulf %mul3A_34, %dot_general3A_13 : vector<256x4096xf32>
    %add3A_36 = vector.broadcast %add3A_21 : vector<256x1xf32> to vector<256x4096xf32>
    %add3A_37 = arith.addf %mul3A_35, %add3A_36 : vector<256x4096xf32>
    %add3A_38 = vector.broadcast %add3A_32 : vector<1x4096xf32> to vector<256x4096xf32>
    %add3A_39 = arith.addf %add3A_37, %add3A_38 : vector<256x4096xf32>
    %le3A = arith.constant 4.000000e-02 : f32
    %le3A_40 = vector.broadcast %le3A : f32 to vector<256x4096xf32>
    %le3A_41 = arith.cmpf ole, %add3A_39, %le3A_40 : vector<256x4096xf32>
    %convert_element_type3A_42 = arith.extui %le3A_41 : vector<256x4096xi1> to vector<256x4096xi32>
    %convert_element_type3A_43 = arith.sitofp %convert_element_type3A_42 : vector<256x4096xi32> to vector<256x4096xf32>
    %convert_element_type3A_44 = arith.truncf %convert_element_type3A_43 : vector<256x4096xf32> to vector<256x4096xbf16>
    %get3A_45 = arith.constant 0 : index
    %get3A_46 = arith.constant 0 : index
    %get3A_47 = vector.load %arg4[%get3A_45, %get3A_46] : memref<4096x512xbf16, #tpu.memory_space<vmem>>, vector<4096x512xbf16>
    %dot_general3A_48 = arith.constant dense<0.000000e+00> : vector<256x512xf32>
    %dot_general3A_49 = tpu.matmul %convert_element_type3A_44, %get3A_47, %dot_general3A_48 {dimension_numbers = #tpu.dot_dimension_numbers<[1], [0], [0], [1], [0, 0, 1, 1], [], []>, transpose_lhs_hint = false} : vector<256x4096xbf16>, vector<4096x512xbf16>, vector<256x512xf32> -> vector<256x512xf32>
    %slice3A_50 = vector.extract_strided_slice %dot_general3A_49 {offsets = [0, 0], sizes = [256, 256], strides = [1, 1]} : vector<256x512xf32> to vector<256x256xf32>
    %slice3A_51 = vector.extract_strided_slice %dot_general3A_49 {offsets = [0, 256], sizes = [256, 256], strides = [1, 1]} : vector<256x512xf32> to vector<256x256xf32>
    %convert_element_type3A_52 = arith.truncf %slice3A_50 : vector<256x256xf32> to vector<256x256xbf16>
    %get3A_53 = arith.constant 0 : index
    %get3A_54 = arith.constant 0 : index
    %get3A_55 = vector.load %arg5[%get3A_53, %get3A_54] : memref<256x256xbf16, #tpu.memory_space<vmem>>, vector<256x256xbf16>
    %dot_general3A_56 = arith.constant dense<0.000000e+00> : vector<256x256xf32>
    %dot_general3A_57 = tpu.matmul %convert_element_type3A_52, %get3A_55, %dot_general3A_56 {dimension_numbers = #tpu.dot_dimension_numbers<[1], [0], [0], [1], [0, 0, 1, 1], [], []>, transpose_lhs_hint = false} : vector<256x256xbf16>, vector<256x256xbf16>, vector<256x256xf32> -> vector<256x256xf32>
    %convert_element_type3A_58 = arith.fptosi %dot_general3A_57 : vector<256x256xf32> to vector<256x256xi32>
    %swap3A = arith.constant 0 : index
    %swap3A_59 = arith.constant 0 : index
    %swap3A_60 = vector.load %arg6[%swap3A, %swap3A_59] : memref<256x256xi32, #tpu.memory_space<vmem>>, vector<256x256xi32>
    tpu.vector_store %arg6[%swap3A, %swap3A_59], %convert_element_type3A_58 {strides = array<i32>} : memref<256x256xi32, #tpu.memory_space<vmem>>, vector<256x256xi32>,
    %convert_element_type3A_61 = arith.fptosi %slice3A_51 : vector<256x256xf32> to vector<256x256xi32>
    %swap3A_62 = arith.constant 0 : index
    %swap3A_63 = arith.constant 0 : index
    %swap3A_64 = vector.load %arg7[%swap3A_62, %swap3A_63] : memref<256x256xi32, #tpu.memory_space<vmem>>, vector<256x256xi32>
    tpu.vector_store %arg7[%swap3A_62, %swap3A_63], %convert_element_type3A_61 {strides = array<i32>} : memref<256x256xi32, #tpu.memory_space<vmem>>, vector<256x256xi32>,
    return
  }
  func.func @transform_0(%arg0: i32, %arg1: i32) -> (i32, i32, i32) {
    %c0_i32 = arith.constant 0 : i32
    %c0_i32_0 = arith.constant 0 : i32
    %c0_i32_1 = arith.constant 0 : i32
    return %arg0, %c0_i32, %c0_i32_0 : i32, i32, i32
  }
  func.func @transform_1(%arg0: i32, %arg1: i32) -> (i32, i32, i32) {
    %mul3A = arith.constant 4 : i32
    %mul3A_0 = arith.muli %arg0, %mul3A : i32
    %add3A = arith.addi %mul3A_0, %arg1 : i32
    %c0_i32 = arith.constant 0 : i32
    %c0_i32_1 = arith.constant 0 : i32
    %c0_i32_2 = arith.constant 0 : i32
    return %add3A, %c0_i32, %c0_i32_1 : i32, i32, i32
  }
  func.func @transform_2(%arg0: i32, %arg1: i32) -> (i32, i32) {
    %c0_i32 = arith.constant 0 : i32
    %c0_i32_0 = arith.constant 0 : i32
    %c0_i32_1 = arith.constant 0 : i32
    return %c0_i32, %c0_i32_0 : i32, i32
  }
  func.func @transform_3(%arg0: i32, %arg1: i32) -> (i32, i32) {
    %c0_i32 = arith.constant 0 : i32
    %c0_i32_0 = arith.constant 0 : i32
    %c0_i32_1 = arith.constant 0 : i32
    return %c0_i32, %c0_i32_0 : i32, i32
  }
  func.func @transform_4(%arg0: i32, %arg1: i32) -> (i32, i32) {
    %mul3A = arith.constant 4 : i32
    %mul3A_0 = arith.muli %arg0, %mul3A : i32
    %add3A = arith.addi %mul3A_0, %arg1 : i32
    %c0_i32 = arith.constant 0 : i32
    %c0_i32_1 = arith.constant 0 : i32
    return %add3A, %c0_i32 : i32, i32
  }
  func.func @transform_5(%arg0: i32, %arg1: i32) -> (i32, i32) {
    %mul3A = arith.constant 4 : i32
    %mul3A_0 = arith.muli %arg0, %mul3A : i32
    %add3A = arith.addi %mul3A_0, %arg1 : i32
    %c0_i32 = arith.constant 0 : i32
    %c0_i32_1 = arith.constant 0 : i32
    return %add3A, %c0_i32 : i32, i32
  }
}

</mosaic_0001>

<sc_bundles>
// kernel: kernel.4.cloned.1.call-start
scs
__scs_entry_jumppad:
0x0: {  	(pc) =	sbr.rel $0x88, $3  }
0x1: {  	(tag) =	ssettag $0x0;
	lr =	simm.s32 $0x1  }
0x2: {  	[smem:$0x3F9F] =	sst lr;
	_ =	strace $0xD0000000  }
0x3: {  	_ = 	snop  }
0x4: {  	_ = 	snop  }
0x5: {  	_ = 	snop  }
0x6: {  	_ = 	snop  }
0x7: {  	_ = 	snop  }
__scs_overlays_trampoline_lowered:
0x8: {  	[smem:$0x3FAE] =	sst s0  }
0x9: {  	[smem:$0x3FAF] =	sst s1  }
0xa: {  	[smem:$0x3FB0] =	sst s2  }
0xb: {  	[smem:$0x3FB1] =	sst s3  }
0xc: {  	[smem:$0x3FB2] =	sst s4  }
0xd: {  	[smem:$0x3FB3] =	sst s5  }
0xe: {  	[smem:$0x3FB4] =	sst s6  }
0xf: {  	[smem:$0x3FB5] =	sst s7  }
0x10: {  	[smem:$0x3FB6] =	sst s8  }
0x11: {  	[smem:$0x3FB7] =	sst s9;
	s0 =	simm.s32 @!p0 $0x0  }
0x12: {  	s1 =	sld [smem:$0x3F9D];
	s0 =	simm.s32 @p0 $0x1  }
0x13: {  	[smem:$0x3FB8] =	sst s0;
	s0 =	simm.s32 @!p1 $0x0  }
0x14: {  	s2 =	sld [smem:$0x3F9C];
	s0 =	simm.s32 @p1 $0x1  }
0x15: {  	[smem:$0x3FB9] =	sst s0;
	s0 =	simm.s32 @!p2 $0x0  }
0x16: {  	s3 =	sld [smem:$0x3FDB];
	s0 =	simm.s32 @p2 $0x1  }
0x17: {  	s4 =	simm.s32 $0x1BF5;
	[smem:$0x3FBB] =	sst s0  }
0x18: {  	s0 =	sld [smem:$0x3F9E];
	_ =	swait.ge [sflag:s4], $0x0  }
0x19: {  	s7 =	sld [smem:$0x3F9F]  }
0x1a: {  	s8 =	sadd.s32 $0xFFFFE003, lr  }
0x1b: {  	s9 =	sadd.s32 $0xFFFFFEF7, lr;
	s5 =	simm.s32 $0xFFFFFFFF;
	p2 =	slt.u32 s8, $0xFFFFF086  }
0x1c: {  	p1 =	slt.u32 s9, $0xF7A;
	s5 =	simm.s32 @!p2 $0x0  }
0x1d: {  	s5 =	simm.s32 @p1 $0x1;
	p0 =	seq.s32 s7, s2  }
0x1e: {  	s7 =	smul.u32 @!p0 $0xF7A, s2;
	p2 =	seq.s32 @!p0 s5, $0x0  }
0x1f: {  	s9 =	smul.u32 $0xF7A, s1;
	s8 =	simm.s32 @!p0 $0x1BF5;
	p2 =	por !p2, p0  }
0x20: {  	[sflag:s8] =	ssyncset.s32 @!p0 $0xFFFFF086;
	s6 =	sadd.s32 @!p0 s3, s7;
	s7 =	simm.s32 @!p0 $0x108  }
0x21: {  	s3 =	sadd.s32 s3, s9;
	s6 =	sadd.s32 @!p0 $0x88, s6;
	s7 =	simm.s32 @p2 $0x1082  }
0x22: {  	[simem:s7], [sflag:s8] =	dma.local @!p0 [hbm:s6], $0xF7A  }
0x23: {  	s9 =	sor.u32 $0xD0000000, s2;
	s6 =	simm.s32 $0x108;
	_ =	swait.ge @!p0 [sflag:s8], $0x0  }
0x24: {  	s3 =	sadd.s32 $0x88, s3;
	s6 =	simm.s32 @!p1 $0x1082;
	[sflag:s4] =	ssyncset.s32 $0xFFFFF086  }
0x25: {  	[simem:s6], [sflag:s4] =	dma.local [hbm:s3], $0xF7A  }
0x26: {  	[smem:$0x3F9F] =	sst s1;
	(tag) =	ssettag s2;
	_ =	strace s9  }
0x27: {  	s1 =	sld [smem:$0x3FAF]  }
0x28: {  	s2 =	sld [smem:$0x3FB0]  }
0x29: {  	s4 =	sld [smem:$0x3FB2]  }
0x2a: {  	p0 =	seq.s32 s5, $0x0;
	s5 =	sld [smem:$0x3FB3]  }
0x2b: {  	s6 =	sld [smem:$0x3FB4]  }
0x2c: {  	s7 =	sld [smem:$0x3FB5]  }
0x2d: {  	s3 =	simm.s32 $0x108;
	s8 =	sld [smem:$0x3FB6]  }
0x2e: {  	s3 =	simm.s32 @!p0 $0x1082;
	s9 =	sld [smem:$0x3FB7]  }
0x2f: {  	lr =	sadd.s32 s0, s3;
	s0 =	sld [smem:$0x3FAE]  }
0x30: {  	s3 =	sld [smem:$0x3FB1]  }
0x31: {  	[smem:$0x3FBA] =	sst s10  }
0x32: {  	s10 =	sld [smem:$0x3FB8];
	_ =	sdelay $0x3  }
0x33: {  	p0 =	seq.s32 s10, $0x1;
	s10 =	sld [smem:$0x3FBA];
	_ =	sdelay $0x3  }
0x34: {  	[smem:$0x3FBA] =	sst s10  }
0x35: {  	s10 =	sld [smem:$0x3FB9];
	_ =	sdelay $0x3  }
0x36: {  	p1 =	seq.s32 s10, $0x1;
	s10 =	sld [smem:$0x3FBA];
	_ =	sdelay $0x3  }
0x37: {  	[smem:$0x3FBA] =	sst s10  }
0x38: {  	s10 =	sld [smem:$0x3FBB]  }
0x39: {  	_ = 	snop;
	(pc) =	sbr.ind lr, $3  }
0x3a: {  	_ = 	snop  }
0x3b: {  	_ = 	snop  }
0x3c: {  	p2 =	seq.s32 s10, $0x1;
	s10 =	sld [smem:$0x3FBA]  }
0x3d: {  	_ =	shalt  }
0x3e: {  	_ =	shalt  }
0x3f: {  	_ =	shalt  }
0x40: {  	_ =	shalt  }
0x41: {  	_ =	shalt  }
0x42: {  	_ =	shalt  }
0x43: {  	_ =	shalt  }
0x44: {  	_ =	shalt  }
0x45: {  	_ =	shalt  }
0x46: {  	_ =	shalt  }
0x47: {  	_ =	shalt  }
0x48: {  	_ =	shalt  }
0x49: {  	_ =	shalt  }
0x4a: {  	_ =	shalt  }
0x4b: {  	_ =	shalt  }
0x4c: {  	_ =	shalt  }
0x4d: {  	_ =	shalt  }
0x4e: {  	_ =	shalt  }
0x4f: {  	_ =	shalt  }
0x50: {  	_ =	shalt  }
0x51: {  	_ =	shalt  }
0x52: {  	_ =	shalt  }
0x53: {  	_ =	shalt  }
0x54: {  	_ =	shalt  }
0x55: {  	_ =	shalt  }
0x56: {  	_ =	shalt  }
0x57: {  	_ =	shalt  }
0x58: {  	_ =	shalt  }
0x59: {  	_ =	shalt  }
0x5a: {  	_ =	shalt  }
0x5b: {  	_ =	shalt  }
0x5c: {  	_ =	shalt  }
0x5d: {  	_ =	shalt  }
0x5e: {  	_ =	shalt  }
0x5f: {  	_ =	shalt  }
0x60: {  	_ =	shalt  }
0x61: {  	_ =	shalt  }
0x62: {  	_ =	shalt  }
0x63: {  	_ =	shalt  }
0x64: {  	_ =	shalt  }
0x65: {  	_ =	shalt  }
0x66: {  	_ =	shalt  }
0x67: {  	_ =	shalt  }
0x68: {  	_ =	shalt  }
0x69: {  	_ =	shalt  }
0x6a: {  	_ =	shalt  }
0x6b: {  	_ =	shalt  }
0x6c: {  	_ =	shalt  }
0x6d: {  	_ =	shalt  }
0x6e: {  	_ =	shalt  }
0x6f: {  	_ =	shalt  }
0x70: {  	_ =	shalt  }
0x71: {  	_ =	shalt  }
0x72: {  	_ =	shalt  }
0x73: {  	_ =	shalt  }
0x74: {  	_ =	shalt  }
0x75: {  	_ =	shalt  }
0x76: {  	_ =	shalt  }
0x77: {  	_ =	shalt  }
0x78: {  	_ =	shalt  }
0x79: {  	_ =	shalt  }
0x7a: {  	_ =	shalt  }
0x7b: {  	_ =	shalt  }
0x7c: {  	_ =	shalt  }
0x7d: {  	_ =	shalt  }
0x7e: {  	_ =	shalt  }
0x7f: {  	_ =	shalt  }
0x80: {  	_ =	shalt  }
0x81: {  	_ =	shalt  }
0x82: {  	_ =	shalt  }
0x83: {  	_ =	shalt  }
0x84: {  	_ =	shalt  }
0x85: {  	_ =	shalt  }
0x86: {  	_ =	shalt  }
0x87: {  	_ =	shalt  }
.Lfunc_end0:
.L_simem_size_0:
called_computation_lowered:
.L_overlay_start_0:
0x88: {  	s2 =	sld [smem:$0x3FD9]  }
0x89: {  	s3 =	sld [smem:$0x3FFE];
	_ =	sdelay $0x1  }
0x8a: {  	s1 =	srdreg.scid  }
0x8b: {  	s0 =	sand.u32 $0x1, s1  }
0x8c: {  	s17 =	sshll.u32 s0, $0xA;
	s2 =	sadd.s32 s3, s2  }
0x8d: {  	s2 =	sadd.s32 s2, s17  }
0x8e: {  	[smem:$0x3FC6] =	sst s2  }
0x8f: {  	_ = 	snop  }
0x90: {  	s2 =	sld [smem:$0x3FD0];
	(tm) =	ssettm $0x1  }
0x91: {  	s18 =	sld [smem:$0x3FFB];
	_ =	sdelay $0x3  }
0x92: {  	_ =	strace s18  }
0x93: {  	s3 =	sld [smem:$0x3FFC];
	_ =	sdelay $0x3  }
0x94: {  	_ =	strace s3  }
0x95: {  	s3 =	sld [smem:$0x3FFD];
	_ =	sdelay $0x3  }
0x96: {  	_ =	strace s3  }
0x97: {  	_ =	strace $0x8FFFFFFF  }
0x98: {  	s19 =	sld [smem:$0x3FDB];
	_ =	sdelay $0x1  }
0x99: {  	s4 =	simm.s32 $_scs_section_size  }
0x9a: {  	s5 =	simm.s32 $_size__tile_overlayer_lowered;
	s6 =	simm.s32 $_tile_overlayer_lowered  }
0x9b: {  	s22 =	simm.s32 $0x1BFF;
	s21 =	sshll.u32 s6, $0x1;
	s3 =	sadd.s32 s4, s19  }
0x9c: {  	s7 =	simm.s32 $0x0;
	s20 =	sshll.u32 s5, $0x1;
	s5 =	sadd.s32 s21, s3  }
0x9d: {  	[timem:s7], [sflag:s22] =	dma.local [hbm:s5], s20  }
0x9e: {  	_ =	swait.ge [sflag:s22], s20  }
0x9f: {  	s4 =	ssub.s32 $0x0, s20;
	[sflag:s22] =	ssyncset.done $0x0  }
0xa0: {  	[sflag:s22] =	ssyncadd.s32 s4;
	_ =	sdelay $0x1  }
0xa1: {  	s23 =	simm.s32 $0x1B8B  }
0xa2: {  	_ =	swait.ge [sflag:s23], $0x1  }
0xa3: {  	[sflag:s23] =	ssyncset.done $0x0  }
0xa4: {  	s25 =	simm.s32 $0x1B8E;
	s24 =	sld [smem:$0x3FFE];
	[sflag:s23] =	ssyncadd.s32 $0xFFFFFFFF  }
0xa5: {  	s26 =	simm.s32 $execute0_lowered;
	[smem:$0x3FD2] =	sst s25  }
0xa6: {  	s5 =	sshll.u32 s26, $0x1;
	_ =	strace $0x80000046;
	[dreg:$0x1] =	wrdreg $0xFFFFFFFF  }
0xa7: {  	s28 =	simm.s32 $_size_execute0_lowered;
	s3 =	sadd.s32 s3, s5;
	[dreg:$0x0] =	wrdreg $0x0  }
0xa8: {  	s5 =	sshll.u32 s28, $0x1;
	[dreg:$0x2] =	wrdreg s3  }
0xa9: {  	[dreg:$0x3] =	wrdreg s5  }
0xaa: {  	[dreg:$0x4] =	wrdreg $0xC0  }
0xab: {  	_ =	task [dreg:s7], $0x5FFFF  }
0xac: {  	[dreg:$0x1] =	wrdreg $0xFFFFFFFF  }
0xad: {  	[dreg:$0x0] =	wrdreg $0x60  }
0xae: {  	[dreg:$0x2] =	wrdreg s24  }
0xaf: {  	[dreg:$0x3] =	wrdreg s2  }
0xb0: {  	[dreg:$0x4] =	wrdreg $0x9  }
0xb1: {  	_ =	task.clear_ibuf [dreg:s7], $0x5FFFF;
	_ =	strace $0x90000046  }
0xb2: {  	s29 =	simm.s32 $0x9;
	_ =	strace $0x80000048  }
0xb3: {  	_ =	swait.ge [sflag:s29], $0x1  }
0xb4: {  	[sflag:s29] =	ssyncadd.s32 $0xFFFFFFFF  }
0xb5: {  	_ =	strace $0x90000048  }
0xb6: {  	_ =	sfence  }
0xb7: {  	s30 =	sld [smem:$0x0];
	_ =	sdelay $0x2  }
0xb8: {  	s31 =	sshll.u32 s1, $0xD;
	s1 =	sshrl.u32 s1, $0x2  }
0xb9: {  	s3 =	sand.u32 $0x4000, s31;
	s1 =	sadd.s32 s1, s30  }
0xba: {  	s0 =	sor.u32 s3, s0;
	s1 =	sshll.u32 s1, $0x11  }
0xbb: {  	s0 =	sor.u32 s1, s0  }
0xbc: {  	s0 =	sadd.s32 $0x8F2B, s0  }
0xbd: {  	[sflag:s0] =	ssyncadd.remote.s32 $0x1  }
0xbe: {  	_ =	sfence.sel $0xFFFF  }
0xbf: {  	[dreg:$0x0] =	wrdreg $0xFFFFFFFF;
	(pc) =	sbr.abs _section_cstart, $3  }
0xc0: {  	[dreg:$0x1] =	wrdreg $0xFFFFFFFF  }
0xc1: {  	_ =	task.clear_ibuf [dreg:s7], $0x2FFFF;
	_ =	strace $0x9FFFFFFF  }
0xc2: {  	(tm) =	ssettm $0x7FFFFFFF  }
0xc3: {  	_ =	shalt  }
tec
execute0_lowered:
.L_overlay_start_1:
0x0: {  	(tag) =	ssettag $0x1  }
0x1: {  	s4 =	rddreg [dreg:$0x0]  }
0x2: {  	s8 =	rddreg [dreg:$0x1]  }
0x3: {  	s0 =	rddreg [dreg:$0x2];
	s2 =	simm.s32 $0x0;
	s3 =	srdreg.scid  }
0x4: {  	s1 =	stileid.u32;
	s12 =	simm.s32 $0x4000;
	s13 =	simm.s32 $0xC000  }
0x5: {  	s14 =	simm.s32 $0x10000;
	s15 =	simm.s32 $0x3;
	s16 =	simm.s32 $0x1  }
0x6: {  	s17 =	simm.s32 $0x0;
	[smem:$0x7FF] =	sst s2;
	s5 =	sand.u32 $0x1, s3  }
0x7: {  	s6 =	sshll.u32 s1, $0x1;
	s3 =	sadd.s32 $0x40C00, s4;
	s4 =	sadd.s32 $0xC00, s4  }
.Ltmp0:
0x8: {  	v0 =	vimm.s32 $0x8;
	v1 =	vlaneseq.u32;
	s7 =	ssub.s32 $0x2, s5;
	s6 =	sor.u32 s5, s6;
	(pc) =	sbr.rel .LBB2_1-.Ltmp0, $4  }
0x9: {  	v3 =	vimm.s32 $0x0;
	v4 =	vimm.s32 $0x4;
	v5 =	vimm.s32 $0x1;
	_ =	strace $0x80000047;
	s31 =	sshrl.u32 s7, $0x1;
	s9 =	sshll.u32 s6, $0xD  }
0xa: {  	v6 =	vimm.s32 $0x2;
	v7 =	vimm.s32 $0x10;
	v2 =	vadd.s32 $0x1, v1;
	s11 =	sshll.u32 s6, $0xB;
	s10 =	ssub.s32 s7, s31;
	s5 =	sadd.s32 s3, s9  }
0xb: {  	v8 =	vadd.s32 $0x11, v1;
	v9 =	vor.u32 $0x10, v1;
	v10 =	vadd.s32 $0x21, v1;
	s6 =	sadd.s32 s4, s9;
	s7 =	sor.u32 $0x800, s9;
	s8 =	sadd.s32 s8, s11  }
0xc: {  	v11 =	vor.u32 $0x20, v1;
	v12 =	vadd.s32 $0x31, v1;
	v13 =	vor.u32 $0x30, v1;
	s11 =	simm.s32 $0x2;
	s9 =	smax.u32 s10, $0x1;
	s10 =	simm.s32 $0x8000  }
.LBB2_9:
0xd: {  	s17 =	sadd.s32 $0x1, s17  }
0xe: {  	p0 =	sne.s32 s17, s9  }
.Ltmp1:
0xf: {  	_ = 	snop;
	(pc) =	sbr.rel @!p0 .LBB2_10-.Ltmp1, $4  }
0x10: {  	[hbm4b:s8+s2] =	stream.linear.scatter [tilespmem:s14], [sflag:$0x3], $0x4000, $0x38;
	[tilespmem:$0x14000] =	vst v63  }
0x11: {  	_ =	swait.ge [sflag:s15], $0x4000  }
0x12: {  	[sflag:s15] =	ssyncset.done $0x0  }
0x13: {  	[sflag:s15] =	ssyncadd.s32 $0xFFFFC000  }
.LBB2_1:
.Ltmp2:
0x14: {  	(pc) =	sbr.rel .LBB2_2-.Ltmp2, $4  }
0x15: {  	_ = 	snop  }
0x16: {  	[tilespmem:s2], [sflag:$0x1] =	stream.linear.gather [hbm4b:s5+s2], $0x4000, $0x38;
	[tilespmem:$0x14000] =	vst v63  }
0x17: {  	s18 =	simm.s32 $0x0  }
0x18: {  	[tilespmem:s10], [sflag:$0x1] =	stream.linear.gather [hbm4b:s6+s2], $0x4000, $0x38;
	[tilespmem:$0x14000] =	vst v63  }
.LBB2_8:
0x19: {  	s18 =	sadd.s32 $0x1, s18  }
0x1a: {  	p0 =	sne.s32 s18, $0x4  }
.Ltmp3:
0x1b: {  	_ = 	snop;
	(pc) =	sbr.rel @!p0 .LBB2_9-.Ltmp3, $1  }
0x1c: {  	_ =	sdelay $0x3  }
.LBB2_2:
0x1d: {  	s19 =	sand.u32 $0x1, s18  }
0x1e: {  	p0 =	seq.s32 s19, $0x1  }
.Ltmp4:
0x1f: {  	_ = 	snop;
	(pc) =	sbr.rel @p0 .LBB2_6-.Ltmp4, $1  }
0x20: {  	_ =	sdelay $0x3  }
0x21: {  	s20 =	sshll.u32 s18, $0xB  }
0x22: {  	s21 =	sadd.s32 s7, s20  }
0x23: {  	s20 =	simm.s32 $0x0;
	s22 =	sadd.s32 s3, s21  }
0x24: {  	[tilespmem:s12], [sflag:$0x2] =	stream.linear.gather [hbm4b:s22+s20], $0x4000, $0x38;
	[tilespmem:$0x14000] =	vst v63  }
0x25: {  	s21 =	sadd.s32 s4, s21  }
0x26: {  	[tilespmem:s13], [sflag:$0x2] =	stream.linear.gather [hbm4b:s21+s20], $0x4000, $0x38;
	[tilespmem:$0x14000] =	vst v63  }
0x27: {  	_ =	swait.ge [sflag:s16], $0x4000  }
0x28: {  	[sflag:s16] =	ssyncset.done $0x0  }
0x29: {  	[sflag:s16] =	ssyncadd.s32 $0xFFFFC000  }
0x2a: {  	s31 =	sshll.u32 s18, $0xC;
	_ =	swait.ge [sflag:s16], $0x4000  }
0x2b: {  	s21 =	sand.u32 $0x3FFFF000, s31;
	[sflag:s16] =	ssyncset.done $0x0  }
0x2c: {  	s22 =	simm.s32 $0x0;
	s21 =	sadd.s32 $0x10000, s21;
	[sflag:s16] =	ssyncadd.s32 $0xFFFFC000  }
.LBB2_4:
0x2d: {  	v14 =	vmov s22  }
0x2e: {  	v15 =	vshll.u32 v14, $0x8;
	v14 =	vshll.u32 v14, $0x7  }
0x2f: {  	v16 =	vand.u32 $0x3800, v15;
	v15 =	vand.u32 $0x380, v14  }
0x30: {  	v14 =	vor.u32 v16, v15  }
0x31: {  	v17 =	vor.u32 $0x7F, v14;
	_ =	sdelay $0x4  }
0x32: {  	v18 =	vld.idx.msk [tilespmem:v17+s2+$0x0], $0xffff;
	_ =	sdelay $0x4  }
0x33: {  	vm0 =	vlt.s32 v18, v2  }
0x34: {  	v19 =	vsel vm0, $0x80, v3  }
0x35: {  	v26 =	vor.u32 $0x3F, v14;
	v24 =	vshll.u32 v19, $0x3  }
0x36: {  	v23 =	vor.u32 v24, v26;
	_ =	sdelay $0x4  }
0x37: {  	v17 =	vld.idx.msk [tilespmem:v23+s2+$0x0], $0xffff;
	_ =	sdelay $0x4  }
0x38: {  	vm13 =	vlt.s32 v17, v2  }
0x39: {  	v29 =	vor.u32 $0x1F, v14;
	v17 =	vsel vm13, $0x40, v3  }
0x3a: {  	v20 =	vor.u32 v17, v29  }
0x3b: {  	v20 =	vor.u32 v24, v20;
	_ =	sdelay $0x4  }
0x3c: {  	v20 =	vld.idx.msk [tilespmem:v20+s2+$0x0], $0xffff;
	_ =	sdelay $0x4  }
0x3d: {  	vm14 =	vlt.s32 v20, v2  }
0x3e: {  	v30 =	vor.u32 $0xF, v14;
	v20 =	vsel vm14, $0x20, v3  }
0x3f: {  	v25 =	vor.u32 v24, v30;
	v17 =	vor.u32 v17, v20  }
0x40: {  	v20 =	vor.u32 v17, v25;
	_ =	sdelay $0x4  }
0x41: {  	v20 =	vld.idx.msk [tilespmem:v20+s2+$0x0], $0xffff;
	_ =	sdelay $0x3  }
0x42: {  	v28 =	vor.u32 $0x7, v14  }
0x43: {  	v27 =	vor.u32 v24, v28;
	vm15 =	vlt.s32 v20, v2  }
0x44: {  	v20 =	vor.u32 v17, v27;
	v21 =	vsel vm15, $0x10, v3  }
0x45: {  	v20 =	vor.u32 v21, v20;
	_ =	sdelay $0x4  }
0x46: {  	v20 =	vld.idx.msk [tilespmem:v20+s2+$0x0], $0xffff;
	_ =	sdelay $0x4  }
0x47: {  	v25 =	vor.u32 $0x3, v14;
	vm4 =	vlt.s32 v20, v2  }
0x48: {  	v22 =	vor.u32 v24, v25;
	v20 =	vsel vm4, $0x8, v3  }
0x49: {  	v31 =	vor.u32 v17, v22;
	v20 =	vor.u32 v21, v20  }
0x4a: {  	v21 =	vor.u32 v20, v31;
	_ =	sdelay $0x4  }
0x4b: {  	v21 =	vld.idx.msk [tilespmem:v21+s2+$0x0], $0xffff;
	_ =	sdelay $0x4  }
0x4c: {  	vm5 =	vlt.s32 v21, v2  }
0x4d: {  	vm6 =	vlt.s32 v18, v8;
	v21 =	vsel vm5, $0x4, v3  }
0x4e: {  	v27 =	vsel vm6, $0x80, v3;
	v21 =	vor.u32 v21, v17  }
0x4f: {  	v17 =	vor.u32 $0x1, v14;
	v20 =	vor.u32 v20, v21;
	v21 =	vshll.u32 v27, $0x3  }
0x50: {  	v32 =	vor.u32 v24, v17;
	v23 =	vor.u32 v21, v26  }
0x51: {  	v33 =	vor.u32 v20, v32;
	_ =	sdelay $0x3  }
0x52: {  	v23 =	vld.idx.msk [tilespmem:v23+s2+$0x0], $0xffff  }
0x53: {  	v22 =	vld.idx.msk [tilespmem:v33+s2+$0x0], $0xffff;
	_ =	sdelay $0x3  }
0x54: {  	vm8 =	vlt.s32 v23, v8  }
0x55: {  	v35 =	vor.u32 v21, v29;
	vm7 =	vlt.s32 v22, v2;
	v34 =	vsel vm8, $0x40, v3  }
0x56: {  	v22 =	vsel vm7, $0x2, v3;
	v36 =	vor.u32 v34, v35  }
0x57: {  	v19 =	vor.u32 v22, v19  }
0x58: {  	v19 =	vor.u32 v20, v19  }
0x59: {  	v37 =	vand.u32 $0x7E, v19  }
0x5a: {  	v23 =	vor.u32 v37, v16  }
0x5b: {  	v23 =	vor.u32 v15, v23;
	v20 =	vld.idx.msk [tilespmem:v36+s2+$0x0], $0xffff  }
0x5c: {  	v23 =	vor.u32 v24, v23;
	_ =	sdelay $0x3  }
0x5d: {  	vm9 =	vlt.s32 v20, v8  }
0x5e: {  	vm10 =	vlt.s32 v18, v10;
	vm12 =	vlt.s32 v18, v12;
	v31 =	vld.idx.msk [tilespmem:v23+s2+$0x0], $0xffff;
	v20 =	vsel vm9, $0x20, v3  }
0x5f: {  	v38 =	vor.u32 v21, v30;
	v23 =	vsel vm10, $0x80, v3;
	v32 =	vor.u32 v34, v20  }
0x60: {  	v22 =	vsel vm12, $0x80, v3;
	v20 =	vshll.u32 v23, $0x3;
	v33 =	vor.u32 v32, v38  }
0x61: {  	v18 =	vshll.u32 v22, $0x3;
	v39 =	vor.u32 v20, v26  }
0x62: {  	v26 =	vor.u32 v18, v26  }
0x63: {  	vm11 =	vlt.s32 v31, v2  }
0x64: {  	v40 =	vsel vm11, $0x1, v3  }
0x65: {  	v19 =	vor.u32 v40, v19;
	v33 =	vld.idx.msk [tilespmem:v33+s2+$0x0], $0xffff  }
0x66: {  	v34 =	vand.u32 $0x7F, v19;
	v31 =	vld.idx.msk [tilespmem:v39+s2+$0x0], $0xffff  }
0x67: {  	v42 =	vld.idx.msk [tilespmem:v26+s2+$0x0], $0xffff;
	v34 =	vor.u32 v34, v16  }
0x68: {  	v34 =	vor.u32 v15, v34  }
0x69: {  	v24 =	vor.u32 v24, v34  }
0x6a: {  	v41 =	vor.u32 v21, v28;
	v44 =	vor.u32 v20, v29;
	vm13 =	vlt.s32 v33, v8  }
0x6b: {  	v33 =	vor.u32 v32, v41;
	vm14 =	vlt.s32 v31, v10;
	v35 =	vsel vm13, $0x10, v3  }
0x6c: {  	vm15 =	vlt.s32 v42, v12;
	v31 =	vsel vm14, $0x40, v3;
	v43 =	vor.u32 v35, v33  }
0x6d: {  	v29 =	vor.u32 v18, v29;
	v46 =	vsel vm15, $0x40, v3;
	v33 =	vor.u32 v31, v44  }
0x6e: {  	v29 =	vor.u32 v46, v29;
	v26 =	vld.idx.msk [tilespmem:v24+s10+$0x0], $0xffff;
	_ =	sdelay $0x1  }
0x6f: {  	v36 =	vmax.u32 v19, $0x1  }
0x70: {  	v50 =	vor.u32 v21, v25;
	v36 =	vsub.s32 v36, v5;
	v24 =	vld.idx.msk [tilespmem:v43+s2+$0x0], $0xffff  }
0x71: {  	v51 =	vor.u32 v32, v50;
	v53 =	vor.u32 v20, v30;
	v45 =	vshll.u32 v36, $0x3;
	v33 =	vld.idx.msk [tilespmem:v33+s2+$0x0], $0xffff  }
0x72: {  	v37 =	vand.u32 $0x7F, v36;
	v34 =	vand.u32 $0x7FFFFC00, v45;
	v48 =	vld.idx.msk [tilespmem:v29+s2+$0x0], $0xffff;
	v38 =	vshrl.u32 v26, $0x1  }
0x73: {  	v34 =	vadd.s32 v16, v34;
	v39 =	vand.u32 $0xFF, v26;
	v38 =	vand.u32 $0x55, v38  }
0x74: {  	v30 =	vor.u32 v18, v30;
	v34 =	vor.u32 v37, v34;
	v47 =	vsub.s32 v39, v38  }
0x75: {  	v34 =	vor.u32 v15, v34;
	v38 =	vshrl.u32 v47, $0x2;
	vm4 =	vlt.s32 v24, v8  }
0x76: {  	v37 =	vand.u32 $0x3333, v47;
	vm5 =	vlt.s32 v33, v10;
	v49 =	vsel vm4, $0x8, v3  }
0x77: {  	vm6 =	vlt.s32 v48, v12;
	v52 =	vsel vm5, $0x20, v3;
	v29 =	vor.u32 v35, v49  }
0x78: {  	v24 =	vsel vm6, $0x20, v3;
	v31 =	vor.u32 v31, v52;
	v33 =	vor.u32 v29, v51  }
0x79: {  	v38 =	vand.u32 $0x3333, v38;
	v36 =	vor.u32 v46, v24;
	v35 =	vor.u32 v31, v53  }
0x7a: {  	v34 =	vld.idx.msk [tilespmem:v34+s2+$0x0], $0xffff;
	v37 =	vadd.s32 v37, v38;
	v30 =	vor.u32 v36, v30  }
0x7b: {  	v54 =	vshrl.u32 v37, $0x4  }
0x7c: {  	v37 =	vadd.s32 v37, v54  }
0x7d: {  	v37 =	vand.u32 $0xF0F, v37;
	v33 =	vld.idx.msk [tilespmem:v33+s2+$0x0], $0xffff  }
0x7e: {  	v55 =	vshrl.u32 v37, $0x8;
	v35 =	vld.idx.msk [tilespmem:v35+s2+$0x0], $0xffff  }
0x7f: {  	vm7 =	veq.s32 v19, $0x0;
	v34 =	vsub.s32 v1, v34;
	v37 =	vadd.s32 v37, v55;
	v30 =	vld.idx.msk [tilespmem:v30+s2+$0x0], $0xffff  }
0x80: {  	v24 =	vsel vm7, v1, v34;
	v56 =	vand.u32 $0x1F, v37  }
0x81: {  	v58 =	vor.u32 v20, v28;
	v28 =	vor.u32 v18, v28;
	vm0 =	vgt.s32 v56, v24  }
0x82: {  	v28 =	vor.u32 v36, v28;
	v34 =	vsel vm0, $0x0, v0  }
0x83: {  	v57 =	vshll.u32 v7, v34;
	vm8 =	vlt.s32 v33, v8;
	vm9 =	vlt.s32 v35, v10  }
0x84: {  	v35 =	vor.u32 v31, v58;
	vm10 =	vlt.s32 v30, v12;
	v59 =	vsel vm9, $0x10, v3  }
0x85: {  	v33 =	vsel vm8, $0x4, v3;
	v63 =	vsel vm10, $0x10, v3;
	v35 =	vor.u32 v59, v35  }
0x86: {  	v37 =	vadd.s32 $0xFFFFFFFF, v57;
	v32 =	vor.u32 v33, v32;
	v28 =	vor.u32 v63, v28  }
0x87: {  	v60 =	vor.u32 v21, v17;
	v37 =	vand.u32 v26, v37;
	v29 =	vor.u32 v29, v32  }
0x88: {  	v61 =	vshrl.u32 v37, $0x1;
	v32 =	vor.u32 v29, v60  }
0x89: {  	v62 =	vand.u32 $0x5555, v61  }
0x8a: {  	v30 =	vsub.s32 v37, v62;
	v35 =	vld.idx.msk [tilespmem:v35+s2+$0x0], $0xffff  }
0x8b: {  	v37 =	vshrl.u32 v30, $0x2;
	v28 =	vld.idx.msk [tilespmem:v28+s2+$0x0], $0xffff  }
0x8c: {  	v30 =	vand.u32 $0x3333, v30;
	v37 =	vand.u32 $0x3333, v37  }
0x8d: {  	v30 =	vadd.s32 v30, v37;
	v32 =	vld.idx.msk [tilespmem:v32+s2+$0x0], $0xffff  }
0x8e: {  	v37 =	vshrl.u32 v30, $0x4  }
0x8f: {  	v30 =	vadd.s32 v30, v37;
	v37 =	vor.u32 v20, v25;
	v25 =	vor.u32 v18, v25  }
0x90: {  	v30 =	vand.u32 $0xF0F, v30;
	vm11 =	vlt.s32 v35, v10;
	vm13 =	vlt.s32 v28, v12  }
0x91: {  	v25 =	vor.u32 v36, v25;
	v35 =	vsel vm11, $0x8, v3;
	v28 =	vsel vm13, $0x8, v3  }
0x92: {  	vm12 =	vlt.s32 v32, v8;
	v33 =	vor.u32 v59, v35;
	v32 =	vor.u32 v31, v37  }
0x93: {  	v39 =	vshrl.u32 v30, $0x8;
	v28 =	vor.u32 v63, v28;
	v32 =	vor.u32 v33, v32  }
0x94: {  	v30 =	vadd.s32 v30, v39;
	v40 =	vsel vm12, $0x2, v3;
	v25 =	vor.u32 v28, v25  }
0x95: {  	v30 =	vand.u32 $0x1F, v30;
	v27 =	vor.u32 v40, v27  }
0x96: {  	vm14 =	vgt.s32 v30, v24;
	v27 =	vor.u32 v29, v27  }
0x97: {  	v41 =	vsel vm14, $0x0, v4;
	v42 =	vand.u32 $0x7E, v27  }
0x98: {  	v29 =	vor.u32 v34, v41;
	v30 =	vor.u32 v42, v16;
	v32 =	vld.idx.msk [tilespmem:v32+s2+$0x0], $0xffff  }
0x99: {  	v34 =	vshll.u32 v4, v29;
	v30 =	vor.u32 v15, v30;
	v25 =	vld.idx.msk [tilespmem:v25+s2+$0x0], $0xffff  }
0x9a: {  	v34 =	vadd.s32 $0xFFFFFFFF, v34;
	v30 =	vor.u32 v21, v30  }
0x9b: {  	v34 =	vand.u32 v26, v34  }
0x9c: {  	v43 =	vshrl.u32 v34, $0x1  }
0x9d: {  	v47 =	vor.u32 v20, v17;
	v53 =	vor.u32 v18, v17;
	v44 =	vand.u32 $0x5555, v43  }
0x9e: {  	vm15 =	vlt.s32 v32, v10;
	v32 =	vsub.s32 v34, v44;
	vm4 =	vlt.s32 v25, v12  }
0x9f: {  	v45 =	vsel vm15, $0x4, v3;
	v46 =	vand.u32 $0x3333, v32;
	v32 =	vshrl.u32 v32, $0x2;
	v30 =	vld.idx.msk [tilespmem:v30+s2+$0x0], $0xffff  }
0xa0: {  	v49 =	vsel vm4, $0x4, v3;
	v31 =	vor.u32 v45, v31;
	v32 =	vand.u32 $0x3333, v32  }
0xa1: {  	v50 =	vor.u32 v49, v36;
	v31 =	vor.u32 v33, v31;
	v32 =	vadd.s32 v46, v32  }
0xa2: {  	v28 =	vor.u32 v28, v50;
	v33 =	vor.u32 v31, v47;
	v48 =	vshrl.u32 v32, $0x4  }
0xa3: {  	v55 =	vor.u32 v28, v53;
	v25 =	vadd.s32 v32, v48  }
0xa4: {  	v25 =	vand.u32 $0xF0F, v25;
	vm5 =	vlt.s32 v30, v8  }
0xa5: {  	v51 =	vshrl.u32 v25, $0x8;
	v52 =	vsel vm5, $0x1, v3  }
0xa6: {  	v25 =	vadd.s32 v25, v51;
	v17 =	vor.u32 v52, v27  }
0xa7: {  	v54 =	vld.idx.msk [tilespmem:v33+s2+$0x0], $0xffff;
	v25 =	vand.u32 $0x1F, v25;
	v32 =	vand.u32 $0x7F, v17  }
0xa8: {  	v59 =	vld.idx.msk [tilespmem:v55+s2+$0x0], $0xffff;
	vm6 =	vgt.s32 v25, v24;
	v56 =	vor.u32 v32, v16  }
0xa9: {  	v57 =	vsel vm6, $0x0, v6;
	v25 =	vor.u32 v15, v56  }
0xaa: {  	v29 =	vor.u32 v29, v57;
	v21 =	vor.u32 v21, v25  }
0xab: {  	v58 =	vshll.u32 v6, v29  }
0xac: {  	v61 =	vmax.u32 v17, $0x1;
	vm7 =	vlt.s32 v54, v10;
	v25 =	vadd.s32 $0xFFFFFFFF, v58  }
0xad: {  	vm8 =	vlt.s32 v59, v12;
	v60 =	vsel vm7, $0x2, v3;
	v25 =	vand.u32 v26, v25  }
0xae: {  	v26 =	vsub.s32 v61, v5;
	v27 =	vsel vm8, $0x2, v3;
	v23 =	vor.u32 v60, v23  }
0xaf: {  	v62 =	vshrl.u32 v25, $0x1;
	v63 =	vand.u32 $0x7F, v26;
	v31 =	vor.u32 v31, v23;
	v23 =	vld.idx.msk [tilespmem:v21+s10+$0x0], $0xffff  }
0xb0: {  	v26 =	vshll.u32 v26, $0x3;
	v22 =	vor.u32 v27, v22;
	v35 =	vand.u32 $0x7E, v31  }
0xb1: {  	v30 =	vand.u32 $0x5555, v62;
	v26 =	vand.u32 $0x7FFFFC00, v26;
	v21 =	vor.u32 v35, v16  }
0xb2: {  	v27 =	vor.u32 v28, v22;
	v26 =	vadd.s32 v16, v26;
	v21 =	vor.u32 v15, v21  }
0xb3: {  	v25 =	vsub.s32 v25, v30;
	v28 =	vand.u32 $0x7E, v27;
	v21 =	vor.u32 v20, v21  }
0xb4: {  	v26 =	vor.u32 v63, v26;
	v28 =	vor.u32 v28, v16;
	v37 =	vshrl.u32 v23, $0x1  }
0xb5: {  	v36 =	vor.u32 v15, v26;
	v38 =	vand.u32 $0xFF, v23;
	v26 =	vand.u32 $0x55, v37  }
0xb6: {  	v39 =	vand.u32 $0x3333, v25;
	v28 =	vor.u32 v15, v28;
	v26 =	vsub.s32 v38, v26  }
0xb7: {  	v25 =	vshrl.u32 v25, $0x2;
	v28 =	vor.u32 v18, v28;
	v30 =	vshrl.u32 v26, $0x2  }
0xb8: {  	v25 =	vand.u32 $0x3333, v25;
	v26 =	vand.u32 $0x3333, v26;
	v21 =	vld.idx.msk [tilespmem:v21+s2+$0x0], $0xffff;
	v30 =	vand.u32 $0x3333, v30  }
0xb9: {  	v14 =	vor.u32 $0x47F, v14;
	v25 =	vadd.s32 v39, v25;
	v26 =	vadd.s32 v26, v30  }
0xba: {  	v19 =	vshll.u32 v19, $0x4;
	v40 =	vshrl.u32 v25, $0x4;
	v22 =	vld.idx.msk [tilespmem:v36+s2+$0x0], $0xffff;
	v41 =	vshrl.u32 v26, $0x4  }
0xbb: {  	vm10 =	veq.s32 v17, $0x0;
	v25 =	vadd.s32 v25, v40;
	v26 =	vadd.s32 v26, v41  }
0xbc: {  	v17 =	vshll.u32 v17, $0x4;
	v25 =	vand.u32 $0xF0F, v25;
	v28 =	vld.idx.msk [tilespmem:v28+s2+$0x0], $0xffff;
	v26 =	vand.u32 $0xF0F, v26  }
0xbd: {  	v42 =	vshrl.u32 v25, $0x8;
	vm9 =	vlt.s32 v21, v10;
	v43 =	vshrl.u32 v26, $0x8  }
0xbe: {  	v25 =	vadd.s32 v25, v42;
	v44 =	vsel vm9, $0x1, v3;
	v21 =	vadd.s32 v26, v43  }
0xbf: {  	v22 =	vsub.s32 v9, v22;
	v26 =	vand.u32 $0x1F, v21;
	v21 =	vor.u32 v44, v31  }
0xc0: {  	v14 =	vld.idx.msk [tilespmem:v14+s2+$0x0], $0xffff;
	v25 =	vand.u32 $0x1F, v25;
	v22 =	vsel vm10, v9, v22;
	v45 =	vand.u32 $0x7F, v21  }
0xc1: {  	vm11 =	vlt.s32 v28, v12;
	vm0 =	vgt.s32 v26, v22;
	v26 =	vor.u32 v45, v16  }
0xc2: {  	vm12 =	vle.s32 v25, v24;
	v28 =	vsel vm11, $0x1, v3;
	v26 =	vor.u32 v15, v26  }
0xc3: {  	v30 =	vsel vm0, $0x0, v0;
	v26 =	vor.u32 v20, v26;
	v20 =	vor.u32 v28, v27  }
0xc4: {  	v49 =	vsel vm12, $0x1, v3;
	v46 =	vshll.u32 v7, v30;
	v48 =	vand.u32 $0x7F, v20  }
0xc5: {  	vm12 =	vlt.s32 v14, v2;
	v47 =	vadd.s32 $0xFFFFFFFF, v46;
	v25 =	vor.u32 v48, v16  }
0xc6: {  	v51 =	vmax.u32 v21, $0x1;
	v24 =	vand.u32 v23, v47;
	v25 =	vor.u32 v15, v25  }
0xc7: {  	v53 =	vsub.s32 v51, v5;
	v50 =	vshrl.u32 v24, $0x1;
	v25 =	vor.u32 v18, v25  }
0xc8: {  	v52 =	vor.u32 v49, v19;
	v55 =	vshll.u32 v53, $0x3;
	v28 =	vand.u32 $0x5555, v50  }
0xc9: {  	v27 =	vand.u32 $0x7F, v53;
	v56 =	vmax.u32 v20, $0x1;
	v24 =	vsub.s32 v24, v28;
	v19 =	vld.idx.msk [tilespmem:v26+s10+$0x0], $0xffff  }
0xca: {  	v57 =	vsub.s32 v56, v5;
	v18 =	vor.u32 v29, v52;
	v54 =	vshrl.u32 v24, $0x2  }
0xcb: {  	v28 =	vand.u32 $0x7FFFFC00, v55;
	v24 =	vand.u32 $0x3333, v24;
	v26 =	vand.u32 $0x3333, v54  }
0xcc: {  	v29 =	vshll.u32 v57, $0x3;
	v28 =	vadd.s32 v16, v28;
	v26 =	vadd.s32 v24, v26;
	v24 =	vld.idx.msk [tilespmem:v25+s10+$0x0], $0xffff  }
0xcd: {  	v29 =	vand.u32 $0x7FFFFC00, v29;
	v27 =	vor.u32 v27, v28;
	v28 =	vand.u32 $0x7F, v57  }
0xce: {  	v16 =	vadd.s32 v16, v29;
	v58 =	vor.u32 v15, v27;
	v59 =	vshrl.u32 v19, $0x1  }
0xcf: {  	v16 =	vor.u32 v28, v16;
	v60 =	vand.u32 $0xFF, v19;
	v27 =	vand.u32 $0x55, v59  }
0xd0: {  	vm13 =	veq.s32 v21, $0x0;
	v15 =	vor.u32 v15, v16;
	v27 =	vsub.s32 v60, v27  }
0xd1: {  	vm14 =	veq.s32 v20, $0x0;
	v61 =	vand.u32 $0x3333, v27;
	v62 =	vshrl.u32 v24, $0x1  }
0xd2: {  	v27 =	vshrl.u32 v27, $0x2;
	v63 =	vand.u32 $0xFF, v24;
	v16 =	vand.u32 $0x55, v62  }
0xd3: {  	v33 =	vshrl.u32 v26, $0x4;
	v25 =	vld.idx.msk [tilespmem:v58+s2+$0x0], $0xffff;
	v27 =	vand.u32 $0x3333, v27;
	v16 =	vsub.s32 v63, v16  }
0xd4: {  	v26 =	vadd.s32 v26, v33;
	v27 =	vadd.s32 v61, v27;
	v28 =	vshrl.u32 v16, $0x2  }
0xd5: {  	v36 =	vld.idx.msk [tilespmem:v15+s2+$0x0], $0xffff;
	v34 =	vshrl.u32 v27, $0x4;
	v16 =	vand.u32 $0x3333, v16;
	v28 =	vand.u32 $0x3333, v28  }
0xd6: {  	v26 =	vand.u32 $0xF0F, v26;
	v27 =	vadd.s32 v27, v34;
	v16 =	vadd.s32 v16, v28  }
0xd7: {  	v39 =	vshrl.u32 v26, $0x8;
	v27 =	vand.u32 $0xF0F, v27;
	v38 =	vshrl.u32 v16, $0x4  }
0xd8: {  	v15 =	vsub.s32 v11, v25;
	v35 =	vshrl.u32 v27, $0x8;
	v16 =	vadd.s32 v16, v38  }
0xd9: {  	v15 =	vsel vm13, v11, v15;
	v37 =	vadd.s32 v27, v35;
	v16 =	vand.u32 $0xF0F, v16  }
0xda: {  	v42 =	vsub.s32 v13, v36;
	v25 =	vand.u32 $0x1F, v37;
	v41 =	vshrl.u32 v16, $0x8  }
0xdb: {  	vm0 =	vgt.s32 v25, v15;
	v25 =	vadd.s32 v26, v39;
	v28 =	vadd.s32 v16, v41  }
0xdc: {  	v40 =	vsel vm0, $0x0, v0;
	v16 =	vsel vm14, v13, v42;
	v43 =	vand.u32 $0x1F, v28  }
0xdd: {  	v25 =	vand.u32 $0x1F, v25;
	v44 =	vshll.u32 v7, v40;
	vm0 =	vgt.s32 v43, v16  }
0xde: {  	vm15 =	vgt.s32 v25, v22;
	v45 =	vadd.s32 $0xFFFFFFFF, v44;
	v26 =	vsel vm0, $0x0, v0  }
0xdf: {  	v46 =	vsel vm15, $0x0, v4;
	v25 =	vand.u32 v19, v45;
	v47 =	vshll.u32 v7, v26  }
0xe0: {  	v28 =	vor.u32 v30, v46;
	v48 =	vshrl.u32 v25, $0x1;
	v29 =	vadd.s32 $0xFFFFFFFF, v47  }
0xe1: {  	v45 =	vor.u32 $0x80000000, v18;
	v30 =	vand.u32 $0x5555, v48;
	v29 =	vand.u32 v24, v29  }
0xe2: {  	v49 =	vshll.u32 v4, v28;
	v25 =	vsub.s32 v25, v30;
	v50 =	vshrl.u32 v29, $0x1  }
0xe3: {  	v31 =	vadd.s32 $0xFFFFFFFF, v49;
	v51 =	vshrl.u32 v25, $0x2;
	v30 =	vand.u32 $0x5555, v50  }
0xe4: {  	v25 =	vand.u32 $0x3333, v25;
	v32 =	vand.u32 $0x3333, v51;
	v29 =	vsub.s32 v29, v30  }
0xe5: {  	v31 =	vand.u32 v23, v31;
	v25 =	vadd.s32 v25, v32;
	v53 =	vshrl.u32 v29, $0x2  }
0xe6: {  	v54 =	vshrl.u32 v25, $0x4;
	v29 =	vand.u32 $0x3333, v29;
	v32 =	vand.u32 $0x3333, v53  }
0xe7: {  	v52 =	vshrl.u32 v31, $0x1;
	v25 =	vadd.s32 v25, v54;
	v29 =	vadd.s32 v29, v32  }
0xe8: {  	v30 =	vand.u32 $0x5555, v52;
	v25 =	vand.u32 $0xF0F, v25;
	v55 =	vshrl.u32 v29, $0x4  }
0xe9: {  	v30 =	vsub.s32 v31, v30;
	v57 =	vshrl.u32 v25, $0x8;
	v29 =	vadd.s32 v29, v55  }
0xea: {  	v56 =	vand.u32 $0x3333, v30;
	v25 =	vadd.s32 v25, v57;
	v29 =	vand.u32 $0xF0F, v29  }
0xeb: {  	v30 =	vshrl.u32 v30, $0x2;
	v25 =	vand.u32 $0x1F, v25;
	v58 =	vshrl.u32 v29, $0x8  }
0xec: {  	v30 =	vand.u32 $0x3333, v30;
	vm4 =	vgt.s32 v25, v15;
	v59 =	vadd.s32 v29, v58  }
0xed: {  	v30 =	vadd.s32 v56, v30;
	v61 =	vsel vm4, $0x0, v4;
	v25 =	vand.u32 $0x1F, v59  }
0xee: {  	v60 =	vshrl.u32 v30, $0x4;
	v27 =	vor.u32 v40, v61;
	vm5 =	vgt.s32 v25, v16  }
0xef: {  	v29 =	vadd.s32 v30, v60;
	v63 =	vshll.u32 v4, v27;
	v33 =	vsel vm5, $0x0, v4  }
0xf0: {  	v62 =	vand.u32 $0xF0F, v29;
	v29 =	vadd.s32 $0xFFFFFFFF, v63;
	v26 =	vor.u32 v26, v33  }
0xf1: {  	v34 =	vshrl.u32 v62, $0x8;
	v29 =	vand.u32 v19, v29;
	v30 =	vshll.u32 v4, v26  }
0xf2: {  	v25 =	vadd.s32 v62, v34;
	v35 =	vshrl.u32 v29, $0x1;
	v30 =	vadd.s32 $0xFFFFFFFF, v30  }
0xf3: {  	(xrf0) =	vmin.scan.msk.u32 $0xffff, v45;
	v25 =	vand.u32 $0x1F, v25;
	v36 =	vand.u32 $0x5555, v35;
	v30 =	vand.u32 v24, v30  }
0xf4: {  	vm6 =	vgt.s32 v25, v22;
	v25 =	vsub.s32 v29, v36;
	v38 =	vshrl.u32 v30, $0x1  }
0xf5: {  	v21 =	vshll.u32 v21, $0x4;
	v39 =	vshrl.u32 v25, $0x2;
	v29 =	vand.u32 $0x5555, v38  }
0xf6: {  	v25 =	vand.u32 $0x3333, v25;
	v31 =	vand.u32 $0x3333, v39;
	v29 =	vsub.s32 v30, v29  }
0xf7: {  	vm13 =	vlt.s32 v14, v8;
	v25 =	vadd.s32 v25, v31;
	v41 =	vshrl.u32 v29, $0x2  }
0xf8: {  	v42 =	vshrl.u32 v25, $0x4;
	v29 =	vand.u32 $0x3333, v29;
	v31 =	vand.u32 $0x3333, v41  }
0xf9: {  	vm14 =	vlt.s32 v14, v10;
	v52, _, _ =	vpop (xrf0);
	v25 =	vadd.s32 v25, v42;
	v29 =	vadd.s32 v29, v31  }
0xfa: {  	(v2sf) =	vpush v52, $0xF;
	v25 =	vand.u32 $0xF0F, v25;
	v43 =	vshrl.u32 v29, $0x4  }
0xfb: {  	v37 =	vsel vm6, $0x0, v6;
	v44 =	vshrl.u32 v25, $0x8;
	v29 =	vadd.s32 v29, v43  }
0xfc: {  	v28 =	vor.u32 v28, v37;
	v25 =	vadd.s32 v25, v44;
	v29 =	vand.u32 $0xF0F, v29  }
0xfd: {  	v40 =	vshll.u32 v6, v28;
	v25 =	vand.u32 $0x1F, v25;
	v47 =	vshrl.u32 v29, $0x8  }
0xfe: {  	v30 =	vadd.s32 $0xFFFFFFFF, v40;
	vm7 =	vgt.s32 v25, v15;
	v48 =	vadd.s32 v29, v47  }
0xff: {  	v23 =	vand.u32 v23, v30;
	v49 =	vsel vm7, $0x0, v6;
	v25 =	vand.u32 $0x1F, v48  }
0x100: {  	v46 =	vshrl.u32 v23, $0x1;
	v27 =	vor.u32 v27, v49;
	vm8 =	vgt.s32 v25, v16  }
0x101: {  	v30 =	vand.u32 $0x5555, v46;
	v50 =	vshll.u32 v6, v27;
	v51 =	vsel vm8, $0x0, v6  }
0x102: {  	v23 =	vsub.s32 v23, v30;
	v25 =	vadd.s32 $0xFFFFFFFF, v50;
	v26 =	vor.u32 v26, v51  }
0x103: {  	v30 =	vand.u32 $0x3333, v23;
	v19 =	vand.u32 v19, v25;
	v53 =	vshll.u32 v6, v26  }
0x104: {  	v23 =	vshrl.u32 v23, $0x2;
	v54 =	vshrl.u32 v19, $0x1;
	v25 =	vadd.s32 $0xFFFFFFFF, v53  }
0x105: {  	v23 =	vand.u32 $0x3333, v23;
	v29 =	vand.u32 $0x5555, v54;
	v24 =	vand.u32 v24, v25  }
0x106: {  	v23 =	vadd.s32 v30, v23;
	v19 =	vsub.s32 v19, v29;
	v25 =	vshrl.u32 v24, $0x1  }
0x107: {  	v30 =	vshrl.u32 v23, $0x4;
	v29 =	vshrl.u32 v19, $0x2;
	v25 =	vand.u32 $0x5555, v25  }
0x108: {  	v19 =	vand.u32 $0x3333, v19;
	v29 =	vand.u32 $0x3333, v29;
	v24 =	vsub.s32 v24, v25  }
0x109: {  	v23 =	vadd.s32 v23, v30;
	v19 =	vadd.s32 v19, v29;
	v56 =	vshrl.u32 v24, $0x2  }
0x10a: {  	v57 =	vshrl.u32 v19, $0x4;
	v24 =	vand.u32 $0x3333, v24;
	v29 =	vand.u32 $0x3333, v56  }
0x10b: {  	v23 =	vand.u32 $0xF0F, v23;
	v19 =	vadd.s32 v19, v57;
	v24 =	vadd.s32 v24, v29  }
0x10c: {  	v55 =	vshrl.u32 v23, $0x8;
	v19 =	vand.u32 $0xF0F, v19;
	v58 =	vshrl.u32 v24, $0x4  }
0x10d: {  	v23 =	vadd.s32 v23, v55;
	v59 =	vshrl.u32 v19, $0x8;
	v60 =	vadd.s32 v24, v58  }
0x10e: {  	v23 =	vand.u32 $0x1F, v23;
	v19 =	vadd.s32 v19, v59;
	v62 =	vand.u32 $0xF0F, v60  }
0x10f: {  	s23 =	spop (v2sf);
	vm9 =	vle.s32 v23, v22;
	v19 =	vand.u32 $0x1F, v19;
	v23 =	vshrl.u32 v62, $0x8  }
0x110: {  	v63 =	vshll.u32 v20, $0x4;
	s23 =	sxor.u32 $0x80000000, s23;
	vm10 =	vle.s32 v19, v15;
	v15 =	vadd.s32 v62, v23  }
0x111: {  	s24 =	sand.u32 $0xF80, s20;
	v18 =	vsel vm12, s23, v18;
	v61 =	vsel vm9, $0x1, v3;
	v15 =	vand.u32 $0x1F, v15  }
0x112: {  	s25 =	sand.u32 $0x40, s20;
	p0 =	sne.s32 s22, $0x3F;
	s24 =	sadd.s32 s24, s21;
	v17 =	vor.u32 v61, v17;
	v19 =	vsel vm10, $0x1, v3;
	vm11 =	vle.s32 v15, v16  }
.Ltmp5:
0x113: {  	s24 =	sadd.s32 s25, s24;
	v17 =	vor.u32 v28, v17;
	v19 =	vor.u32 v19, v21;
	v16 =	vsel vm11, $0x1, v3;
	(pc) =	sbr.rel @p0 .LBB2_4-.Ltmp5, $4  }
0x114: {  	[tilespmem:s24+$0x0] =	vst v18;
	v17 =	vsel vm13, s23, v17;
	v15 =	vor.u32 v27, v19;
	v16 =	vor.u32 v16, v63  }
0x115: {  	vm15 =	vlt.s32 v14, v12;
	[tilespmem:s24+$0x10] =	vst v17;
	v15 =	vsel vm14, s23, v15;
	v16 =	vor.u32 v26, v16  }
0x116: {  	[tilespmem:s24+$0x20] =	vst v15;
	v14 =	vsel vm15, s23, v16  }
0x117: {  	s20 =	sadd.s32 $0x40, s20;
	s22 =	sadd.s32 $0x1, s22;
	[tilespmem:s24+$0x30] =	vst v14  }
0x118: {  	p0 =	seq.s32 s19, $0x0  }
.Ltmp6:
0x119: {  	_ = 	snop;
	(pc) =	sbr.rel @p0 .LBB2_8-.Ltmp6, $1  }
0x11a: {  	_ =	sdelay $0x3  }
.LBB2_6:
0x11b: {  	p0 =	seq.s32 s18, $0x3  }
0x11c: {  	s19 =	sshll.u32 @!p0 s18, $0xB  }
0x11d: {  	s19 =	sadd.s32 @!p0 s19, s7  }
0x11e: {  	s21 =	simm.s32 @!p0 $0x0;
	s20 =	sadd.s32 @!p0 s3, s19  }
0x11f: {  	[tilespmem:s21], [sflag:$0x1] =	stream.linear.gather @!p0 [hbm4b:s20+s21], $0x4000, $0x38;
	[tilespmem:$0x14000] =	vst v63  }
0x120: {  	s19 =	sadd.s32 @!p0 s4, s19;
	s20 =	simm.s32 @!p0 $0x8000  }
0x121: {  	[tilespmem:s20], [sflag:$0x1] =	stream.linear.gather @!p0 [hbm4b:s19+s21], $0x4000, $0x38;
	[tilespmem:$0x14000] =	vst v63  }
0x122: {  	_ =	swait.ge [sflag:s11], $0x4000  }
0x123: {  	[sflag:s11] =	ssyncset.done $0x0  }
0x124: {  	[sflag:s11] =	ssyncadd.s32 $0xFFFFC000  }
0x125: {  	s31 =	sshll.u32 s18, $0xC;
	_ =	swait.ge [sflag:s11], $0x4000  }
0x126: {  	s19 =	sand.u32 $0x3FFFF000, s31;
	s20 =	simm.s32 $0x0;
	[sflag:s11] =	ssyncset.done $0x0  }
0x127: {  	s21 =	simm.s32 $0x0;
	s19 =	sadd.s32 $0x10000, s19;
	[sflag:s11] =	ssyncadd.s32 $0xFFFFC000  }
.LBB2_7:
0x128: {  	v14 =	vmov s21  }
0x129: {  	v15 =	vshll.u32 v14, $0x8;
	v14 =	vshll.u32 v14, $0x7  }
0x12a: {  	v16 =	vand.u32 $0x3800, v15;
	v15 =	vand.u32 $0x380, v14  }
0x12b: {  	v14 =	vor.u32 v16, v15  }
0x12c: {  	v17 =	vor.u32 $0x7F, v14;
	_ =	sdelay $0x4  }
0x12d: {  	v18 =	vld.idx.msk [tilespmem:v17+s12+$0x0], $0xffff;
	_ =	sdelay $0x4  }
0x12e: {  	vm0 =	vlt.s32 v18, v2  }
0x12f: {  	v19 =	vsel vm0, $0x80, v3  }
0x130: {  	v26 =	vor.u32 $0x3F, v14;
	v24 =	vshll.u32 v19, $0x3  }
0x131: {  	v23 =	vor.u32 v24, v26;
	_ =	sdelay $0x4  }
0x132: {  	v17 =	vld.idx.msk [tilespmem:v23+s12+$0x0], $0xffff;
	_ =	sdelay $0x4  }
0x133: {  	vm13 =	vlt.s32 v17, v2  }
0x134: {  	v29 =	vor.u32 $0x1F, v14;
	v17 =	vsel vm13, $0x40, v3  }
0x135: {  	v20 =	vor.u32 v17, v29  }
0x136: {  	v20 =	vor.u32 v24, v20;
	_ =	sdelay $0x4  }
0x137: {  	v20 =	vld.idx.msk [tilespmem:v20+s12+$0x0], $0xffff;
	_ =	sdelay $0x4  }
0x138: {  	vm14 =	vlt.s32 v20, v2  }
0x139: {  	v30 =	vor.u32 $0xF, v14;
	v20 =	vsel vm14, $0x20, v3  }
0x13a: {  	v25 =	vor.u32 v24, v30;
	v17 =	vor.u32 v17, v20  }
0x13b: {  	v20 =	vor.u32 v17, v25;
	_ =	sdelay $0x4  }
0x13c: {  	v20 =	vld.idx.msk [tilespmem:v20+s12+$0x0], $0xffff;
	_ =	sdelay $0x3  }
0x13d: {  	v28 =	vor.u32 $0x7, v14  }
0x13e: {  	v27 =	vor.u32 v24, v28;
	vm15 =	vlt.s32 v20, v2  }
0x13f: {  	v20 =	vor.u32 v17, v27;
	v21 =	vsel vm15, $0x10, v3  }
0x140: {  	v20 =	vor.u32 v21, v20;
	_ =	sdelay $0x4  }
0x141: {  	v20 =	vld.idx.msk [tilespmem:v20+s12+$0x0], $0xffff;
	_ =	sdelay $0x4  }
0x142: {  	v25 =	vor.u32 $0x3, v14;
	vm4 =	vlt.s32 v20, v2  }
0x143: {  	v22 =	vor.u32 v24, v25;
	v20 =	vsel vm4, $0x8, v3  }
0x144: {  	v31 =	vor.u32 v17, v22;
	v20 =	vor.u32 v21, v20  }
0x145: {  	v21 =	vor.u32 v20, v31;
	_ =	sdelay $0x4  }
0x146: {  	v21 =	vld.idx.msk [tilespmem:v21+s12+$0x0], $0xffff;
	_ =	sdelay $0x4  }
0x147: {  	vm5 =	vlt.s32 v21, v2  }
0x148: {  	vm6 =	vlt.s32 v18, v8;
	v21 =	vsel vm5, $0x4, v3  }
0x149: {  	v27 =	vsel vm6, $0x80, v3;
	v21 =	vor.u32 v21, v17  }
0x14a: {  	v17 =	vor.u32 $0x1, v14;
	v20 =	vor.u32 v20, v21;
	v21 =	vshll.u32 v27, $0x3  }
0x14b: {  	v32 =	vor.u32 v24, v17;
	v23 =	vor.u32 v21, v26  }
0x14c: {  	v33 =	vor.u32 v20, v32;
	_ =	sdelay $0x3  }
0x14d: {  	v23 =	vld.idx.msk [tilespmem:v23+s12+$0x0], $0xffff  }
0x14e: {  	v22 =	vld.idx.msk [tilespmem:v33+s12+$0x0], $0xffff;
	_ =	sdelay $0x3  }
0x14f: {  	vm8 =	vlt.s32 v23, v8  }
0x150: {  	v35 =	vor.u32 v21, v29;
	vm7 =	vlt.s32 v22, v2;
	v34 =	vsel vm8, $0x40, v3  }
0x151: {  	v22 =	vsel vm7, $0x2, v3;
	v36 =	vor.u32 v34, v35  }
0x152: {  	v19 =	vor.u32 v22, v19  }
0x153: {  	v19 =	vor.u32 v20, v19  }
0x154: {  	v37 =	vand.u32 $0x7E, v19  }
0x155: {  	v23 =	vor.u32 v37, v16  }
0x156: {  	v23 =	vor.u32 v15, v23;
	v20 =	vld.idx.msk [tilespmem:v36+s12+$0x0], $0xffff  }
0x157: {  	v23 =	vor.u32 v24, v23;
	_ =	sdelay $0x3  }
0x158: {  	vm9 =	vlt.s32 v20, v8  }
0x159: {  	vm10 =	vlt.s32 v18, v10;
	vm12 =	vlt.s32 v18, v12;
	v31 =	vld.idx.msk [tilespmem:v23+s12+$0x0], $0xffff;
	v20 =	vsel vm9, $0x20, v3  }
0x15a: {  	v38 =	vor.u32 v21, v30;
	v23 =	vsel vm10, $0x80, v3;
	v32 =	vor.u32 v34, v20  }
0x15b: {  	v22 =	vsel vm12, $0x80, v3;
	v20 =	vshll.u32 v23, $0x3;
	v33 =	vor.u32 v32, v38  }
0x15c: {  	v18 =	vshll.u32 v22, $0x3;
	v39 =	vor.u32 v20, v26  }
0x15d: {  	v26 =	vor.u32 v18, v26  }
0x15e: {  	vm11 =	vlt.s32 v31, v2  }
0x15f: {  	v40 =	vsel vm11, $0x1, v3  }
0x160: {  	v19 =	vor.u32 v40, v19;
	v33 =	vld.idx.msk [tilespmem:v33+s12+$0x0], $0xffff  }
0x161: {  	v34 =	vand.u32 $0x7F, v19;
	v31 =	vld.idx.msk [tilespmem:v39+s12+$0x0], $0xffff  }
0x162: {  	v42 =	vld.idx.msk [tilespmem:v26+s12+$0x0], $0xffff;
	v34 =	vor.u32 v34, v16  }
0x163: {  	v34 =	vor.u32 v15, v34  }
0x164: {  	v24 =	vor.u32 v24, v34  }
0x165: {  	v41 =	vor.u32 v21, v28;
	v44 =	vor.u32 v20, v29;
	vm13 =	vlt.s32 v33, v8  }
0x166: {  	v33 =	vor.u32 v32, v41;
	vm14 =	vlt.s32 v31, v10;
	v35 =	vsel vm13, $0x10, v3  }
0x167: {  	vm15 =	vlt.s32 v42, v12;
	v31 =	vsel vm14, $0x40, v3;
	v43 =	vor.u32 v35, v33  }
0x168: {  	v29 =	vor.u32 v18, v29;
	v46 =	vsel vm15, $0x40, v3;
	v33 =	vor.u32 v31, v44  }
0x169: {  	v29 =	vor.u32 v46, v29;
	v26 =	vld.idx.msk [tilespmem:v24+s13+$0x0], $0xffff;
	_ =	sdelay $0x1  }
0x16a: {  	v36 =	vmax.u32 v19, $0x1  }
0x16b: {  	v50 =	vor.u32 v21, v25;
	v36 =	vsub.s32 v36, v5;
	v24 =	vld.idx.msk [tilespmem:v43+s12+$0x0], $0xffff  }
0x16c: {  	v51 =	vor.u32 v32, v50;
	v53 =	vor.u32 v20, v30;
	v45 =	vshll.u32 v36, $0x3;
	v33 =	vld.idx.msk [tilespmem:v33+s12+$0x0], $0xffff  }
0x16d: {  	v37 =	vand.u32 $0x7F, v36;
	v34 =	vand.u32 $0x7FFFFC00, v45;
	v48 =	vld.idx.msk [tilespmem:v29+s12+$0x0], $0xffff;
	v38 =	vshrl.u32 v26, $0x1  }
0x16e: {  	v34 =	vadd.s32 v16, v34;
	v39 =	vand.u32 $0xFF, v26;
	v38 =	vand.u32 $0x55, v38  }
0x16f: {  	v30 =	vor.u32 v18, v30;
	v34 =	vor.u32 v37, v34;
	v47 =	vsub.s32 v39, v38  }
0x170: {  	v34 =	vor.u32 v15, v34;
	v38 =	vshrl.u32 v47, $0x2;
	vm4 =	vlt.s32 v24, v8  }
0x171: {  	v37 =	vand.u32 $0x3333, v47;
	vm5 =	vlt.s32 v33, v10;
	v49 =	vsel vm4, $0x8, v3  }
0x172: {  	vm6 =	vlt.s32 v48, v12;
	v52 =	vsel vm5, $0x20, v3;
	v29 =	vor.u32 v35, v49  }
0x173: {  	v24 =	vsel vm6, $0x20, v3;
	v31 =	vor.u32 v31, v52;
	v33 =	vor.u32 v29, v51  }
0x174: {  	v38 =	vand.u32 $0x3333, v38;
	v36 =	vor.u32 v46, v24;
	v35 =	vor.u32 v31, v53  }
0x175: {  	v34 =	vld.idx.msk [tilespmem:v34+s12+$0x0], $0xffff;
	v37 =	vadd.s32 v37, v38;
	v30 =	vor.u32 v36, v30  }
0x176: {  	v54 =	vshrl.u32 v37, $0x4  }
0x177: {  	v37 =	vadd.s32 v37, v54  }
0x178: {  	v37 =	vand.u32 $0xF0F, v37;
	v33 =	vld.idx.msk [tilespmem:v33+s12+$0x0], $0xffff  }
0x179: {  	v55 =	vshrl.u32 v37, $0x8;
	v35 =	vld.idx.msk [tilespmem:v35+s12+$0x0], $0xffff  }
0x17a: {  	vm7 =	veq.s32 v19, $0x0;
	v34 =	vsub.s32 v1, v34;
	v37 =	vadd.s32 v37, v55;
	v30 =	vld.idx.msk [tilespmem:v30+s12+$0x0], $0xffff  }
0x17b: {  	v24 =	vsel vm7, v1, v34;
	v56 =	vand.u32 $0x1F, v37  }
0x17c: {  	v58 =	vor.u32 v20, v28;
	v28 =	vor.u32 v18, v28;
	vm0 =	vgt.s32 v56, v24  }
0x17d: {  	v28 =	vor.u32 v36, v28;
	v34 =	vsel vm0, $0x0, v0  }
0x17e: {  	v57 =	vshll.u32 v7, v34;
	vm8 =	vlt.s32 v33, v8;
	vm9 =	vlt.s32 v35, v10  }
0x17f: {  	v35 =	vor.u32 v31, v58;
	vm10 =	vlt.s32 v30, v12;
	v59 =	vsel vm9, $0x10, v3  }
0x180: {  	v33 =	vsel vm8, $0x4, v3;
	v63 =	vsel vm10, $0x10, v3;
	v35 =	vor.u32 v59, v35  }
0x181: {  	v37 =	vadd.s32 $0xFFFFFFFF, v57;
	v32 =	vor.u32 v33, v32;
	v28 =	vor.u32 v63, v28  }
0x182: {  	v60 =	vor.u32 v21, v17;
	v37 =	vand.u32 v26, v37;
	v29 =	vor.u32 v29, v32  }
0x183: {  	v61 =	vshrl.u32 v37, $0x1;
	v32 =	vor.u32 v29, v60  }
0x184: {  	v62 =	vand.u32 $0x5555, v61  }
0x185: {  	v30 =	vsub.s32 v37, v62;
	v35 =	vld.idx.msk [tilespmem:v35+s12+$0x0], $0xffff  }
0x186: {  	v37 =	vshrl.u32 v30, $0x2;
	v28 =	vld.idx.msk [tilespmem:v28+s12+$0x0], $0xffff  }
0x187: {  	v30 =	vand.u32 $0x3333, v30;
	v37 =	vand.u32 $0x3333, v37  }
0x188: {  	v30 =	vadd.s32 v30, v37;
	v32 =	vld.idx.msk [tilespmem:v32+s12+$0x0], $0xffff  }
0x189: {  	v37 =	vshrl.u32 v30, $0x4  }
0x18a: {  	v30 =	vadd.s32 v30, v37;
	v37 =	vor.u32 v20, v25;
	v25 =	vor.u32 v18, v25  }
0x18b: {  	v30 =	vand.u32 $0xF0F, v30;
	vm11 =	vlt.s32 v35, v10;
	vm13 =	vlt.s32 v28, v12  }
0x18c: {  	v25 =	vor.u32 v36, v25;
	v35 =	vsel vm11, $0x8, v3;
	v28 =	vsel vm13, $0x8, v3  }
0x18d: {  	vm12 =	vlt.s32 v32, v8;
	v33 =	vor.u32 v59, v35;
	v32 =	vor.u32 v31, v37  }
0x18e: {  	v39 =	vshrl.u32 v30, $0x8;
	v28 =	vor.u32 v63, v28;
	v32 =	vor.u32 v33, v32  }
0x18f: {  	v30 =	vadd.s32 v30, v39;
	v40 =	vsel vm12, $0x2, v3;
	v25 =	vor.u32 v28, v25  }
0x190: {  	v30 =	vand.u32 $0x1F, v30;
	v27 =	vor.u32 v40, v27  }
0x191: {  	vm14 =	vgt.s32 v30, v24;
	v27 =	vor.u32 v29, v27  }
0x192: {  	v41 =	vsel vm14, $0x0, v4;
	v42 =	vand.u32 $0x7E, v27  }
0x193: {  	v29 =	vor.u32 v34, v41;
	v30 =	vor.u32 v42, v16;
	v32 =	vld.idx.msk [tilespmem:v32+s12+$0x0], $0xffff  }
0x194: {  	v34 =	vshll.u32 v4, v29;
	v30 =	vor.u32 v15, v30;
	v25 =	vld.idx.msk [tilespmem:v25+s12+$0x0], $0xffff  }
0x195: {  	v34 =	vadd.s32 $0xFFFFFFFF, v34;
	v30 =	vor.u32 v21, v30  }
0x196: {  	v34 =	vand.u32 v26, v34  }
0x197: {  	v43 =	vshrl.u32 v34, $0x1  }
0x198: {  	v47 =	vor.u32 v20, v17;
	v53 =	vor.u32 v18, v17;
	v44 =	vand.u32 $0x5555, v43  }
0x199: {  	vm15 =	vlt.s32 v32, v10;
	v32 =	vsub.s32 v34, v44;
	vm4 =	vlt.s32 v25, v12  }
0x19a: {  	v45 =	vsel vm15, $0x4, v3;
	v46 =	vand.u32 $0x3333, v32;
	v32 =	vshrl.u32 v32, $0x2;
	v30 =	vld.idx.msk [tilespmem:v30+s12+$0x0], $0xffff  }
0x19b: {  	v49 =	vsel vm4, $0x4, v3;
	v31 =	vor.u32 v45, v31;
	v32 =	vand.u32 $0x3333, v32  }
0x19c: {  	v50 =	vor.u32 v49, v36;
	v31 =	vor.u32 v33, v31;
	v32 =	vadd.s32 v46, v32  }
0x19d: {  	v28 =	vor.u32 v28, v50;
	v33 =	vor.u32 v31, v47;
	v48 =	vshrl.u32 v32, $0x4  }
0x19e: {  	v55 =	vor.u32 v28, v53;
	v25 =	vadd.s32 v32, v48  }
0x19f: {  	v25 =	vand.u32 $0xF0F, v25;
	vm5 =	vlt.s32 v30, v8  }
0x1a0: {  	v51 =	vshrl.u32 v25, $0x8;
	v52 =	vsel vm5, $0x1, v3  }
0x1a1: {  	v25 =	vadd.s32 v25, v51;
	v17 =	vor.u32 v52, v27  }
0x1a2: {  	v54 =	vld.idx.msk [tilespmem:v33+s12+$0x0], $0xffff;
	v25 =	vand.u32 $0x1F, v25;
	v32 =	vand.u32 $0x7F, v17  }
0x1a3: {  	v59 =	vld.idx.msk [tilespmem:v55+s12+$0x0], $0xffff;
	vm6 =	vgt.s32 v25, v24;
	v56 =	vor.u32 v32, v16  }
0x1a4: {  	v57 =	vsel vm6, $0x0, v6;
	v25 =	vor.u32 v15, v56  }
0x1a5: {  	v29 =	vor.u32 v29, v57;
	v21 =	vor.u32 v21, v25  }
0x1a6: {  	v58 =	vshll.u32 v6, v29  }
0x1a7: {  	v61 =	vmax.u32 v17, $0x1;
	vm7 =	vlt.s32 v54, v10;
	v25 =	vadd.s32 $0xFFFFFFFF, v58  }
0x1a8: {  	vm8 =	vlt.s32 v59, v12;
	v60 =	vsel vm7, $0x2, v3;
	v25 =	vand.u32 v26, v25  }
0x1a9: {  	v26 =	vsub.s32 v61, v5;
	v27 =	vsel vm8, $0x2, v3;
	v23 =	vor.u32 v60, v23  }
0x1aa: {  	v62 =	vshrl.u32 v25, $0x1;
	v63 =	vand.u32 $0x7F, v26;
	v31 =	vor.u32 v31, v23;
	v23 =	vld.idx.msk [tilespmem:v21+s13+$0x0], $0xffff  }
0x1ab: {  	v26 =	vshll.u32 v26, $0x3;
	v22 =	vor.u32 v27, v22;
	v35 =	vand.u32 $0x7E, v31  }
0x1ac: {  	v30 =	vand.u32 $0x5555, v62;
	v26 =	vand.u32 $0x7FFFFC00, v26;
	v21 =	vor.u32 v35, v16  }
0x1ad: {  	v27 =	vor.u32 v28, v22;
	v26 =	vadd.s32 v16, v26;
	v21 =	vor.u32 v15, v21  }
0x1ae: {  	v25 =	vsub.s32 v25, v30;
	v28 =	vand.u32 $0x7E, v27;
	v21 =	vor.u32 v20, v21  }
0x1af: {  	v26 =	vor.u32 v63, v26;
	v28 =	vor.u32 v28, v16;
	v37 =	vshrl.u32 v23, $0x1  }
0x1b0: {  	v36 =	vor.u32 v15, v26;
	v38 =	vand.u32 $0xFF, v23;
	v26 =	vand.u32 $0x55, v37  }
0x1b1: {  	v39 =	vand.u32 $0x3333, v25;
	v28 =	vor.u32 v15, v28;
	v26 =	vsub.s32 v38, v26  }
0x1b2: {  	v25 =	vshrl.u32 v25, $0x2;
	v28 =	vor.u32 v18, v28;
	v30 =	vshrl.u32 v26, $0x2  }
0x1b3: {  	v25 =	vand.u32 $0x3333, v25;
	v26 =	vand.u32 $0x3333, v26;
	v21 =	vld.idx.msk [tilespmem:v21+s12+$0x0], $0xffff;
	v30 =	vand.u32 $0x3333, v30  }
0x1b4: {  	v14 =	vor.u32 $0x47F, v14;
	v25 =	vadd.s32 v39, v25;
	v26 =	vadd.s32 v26, v30  }
0x1b5: {  	v19 =	vshll.u32 v19, $0x4;
	v40 =	vshrl.u32 v25, $0x4;
	v22 =	vld.idx.msk [tilespmem:v36+s12+$0x0], $0xffff;
	v41 =	vshrl.u32 v26, $0x4  }
0x1b6: {  	vm10 =	veq.s32 v17, $0x0;
	v25 =	vadd.s32 v25, v40;
	v26 =	vadd.s32 v26, v41  }
0x1b7: {  	v17 =	vshll.u32 v17, $0x4;
	v25 =	vand.u32 $0xF0F, v25;
	v28 =	vld.idx.msk [tilespmem:v28+s12+$0x0], $0xffff;
	v26 =	vand.u32 $0xF0F, v26  }
0x1b8: {  	v42 =	vshrl.u32 v25, $0x8;
	vm9 =	vlt.s32 v21, v10;
	v43 =	vshrl.u32 v26, $0x8  }
0x1b9: {  	v25 =	vadd.s32 v25, v42;
	v44 =	vsel vm9, $0x1, v3;
	v21 =	vadd.s32 v26, v43  }
0x1ba: {  	v22 =	vsub.s32 v9, v22;
	v26 =	vand.u32 $0x1F, v21;
	v21 =	vor.u32 v44, v31  }
0x1bb: {  	v14 =	vld.idx.msk [tilespmem:v14+s12+$0x0], $0xffff;
	v25 =	vand.u32 $0x1F, v25;
	v22 =	vsel vm10, v9, v22;
	v45 =	vand.u32 $0x7F, v21  }
0x1bc: {  	vm11 =	vlt.s32 v28, v12;
	vm0 =	vgt.s32 v26, v22;
	v26 =	vor.u32 v45, v16  }
0x1bd: {  	vm12 =	vle.s32 v25, v24;
	v28 =	vsel vm11, $0x1, v3;
	v26 =	vor.u32 v15, v26  }
0x1be: {  	v30 =	vsel vm0, $0x0, v0;
	v26 =	vor.u32 v20, v26;
	v20 =	vor.u32 v28, v27  }
0x1bf: {  	v49 =	vsel vm12, $0x1, v3;
	v46 =	vshll.u32 v7, v30;
	v48 =	vand.u32 $0x7F, v20  }
0x1c0: {  	vm12 =	vlt.s32 v14, v2;
	v47 =	vadd.s32 $0xFFFFFFFF, v46;
	v25 =	vor.u32 v48, v16  }
0x1c1: {  	v51 =	vmax.u32 v21, $0x1;
	v24 =	vand.u32 v23, v47;
	v25 =	vor.u32 v15, v25  }
0x1c2: {  	v53 =	vsub.s32 v51, v5;
	v50 =	vshrl.u32 v24, $0x1;
	v25 =	vor.u32 v18, v25  }
0x1c3: {  	v52 =	vor.u32 v49, v19;
	v55 =	vshll.u32 v53, $0x3;
	v28 =	vand.u32 $0x5555, v50  }
0x1c4: {  	v27 =	vand.u32 $0x7F, v53;
	v56 =	vmax.u32 v20, $0x1;
	v24 =	vsub.s32 v24, v28;
	v19 =	vld.idx.msk [tilespmem:v26+s13+$0x0], $0xffff  }
0x1c5: {  	v57 =	vsub.s32 v56, v5;
	v18 =	vor.u32 v29, v52;
	v54 =	vshrl.u32 v24, $0x2  }
0x1c6: {  	v28 =	vand.u32 $0x7FFFFC00, v55;
	v24 =	vand.u32 $0x3333, v24;
	v26 =	vand.u32 $0x3333, v54  }
0x1c7: {  	v29 =	vshll.u32 v57, $0x3;
	v28 =	vadd.s32 v16, v28;
	v26 =	vadd.s32 v24, v26;
	v24 =	vld.idx.msk [tilespmem:v25+s13+$0x0], $0xffff  }
0x1c8: {  	v29 =	vand.u32 $0x7FFFFC00, v29;
	v27 =	vor.u32 v27, v28;
	v28 =	vand.u32 $0x7F, v57  }
0x1c9: {  	v16 =	vadd.s32 v16, v29;
	v58 =	vor.u32 v15, v27;
	v59 =	vshrl.u32 v19, $0x1  }
0x1ca: {  	v16 =	vor.u32 v28, v16;
	v60 =	vand.u32 $0xFF, v19;
	v27 =	vand.u32 $0x55, v59  }
0x1cb: {  	vm13 =	veq.s32 v21, $0x0;
	v15 =	vor.u32 v15, v16;
	v27 =	vsub.s32 v60, v27  }
0x1cc: {  	vm14 =	veq.s32 v20, $0x0;
	v61 =	vand.u32 $0x3333, v27;
	v62 =	vshrl.u32 v24, $0x1  }
0x1cd: {  	v27 =	vshrl.u32 v27, $0x2;
	v63 =	vand.u32 $0xFF, v24;
	v16 =	vand.u32 $0x55, v62  }
0x1ce: {  	v33 =	vshrl.u32 v26, $0x4;
	v25 =	vld.idx.msk [tilespmem:v58+s12+$0x0], $0xffff;
	v27 =	vand.u32 $0x3333, v27;
	v16 =	vsub.s32 v63, v16  }
0x1cf: {  	v26 =	vadd.s32 v26, v33;
	v27 =	vadd.s32 v61, v27;
	v28 =	vshrl.u32 v16, $0x2  }
0x1d0: {  	v36 =	vld.idx.msk [tilespmem:v15+s12+$0x0], $0xffff;
	v34 =	vshrl.u32 v27, $0x4;
	v16 =	vand.u32 $0x3333, v16;
	v28 =	vand.u32 $0x3333, v28  }
0x1d1: {  	v26 =	vand.u32 $0xF0F, v26;
	v27 =	vadd.s32 v27, v34;
	v16 =	vadd.s32 v16, v28  }
0x1d2: {  	v39 =	vshrl.u32 v26, $0x8;
	v27 =	vand.u32 $0xF0F, v27;
	v38 =	vshrl.u32 v16, $0x4  }
0x1d3: {  	v15 =	vsub.s32 v11, v25;
	v35 =	vshrl.u32 v27, $0x8;
	v16 =	vadd.s32 v16, v38  }
0x1d4: {  	v15 =	vsel vm13, v11, v15;
	v37 =	vadd.s32 v27, v35;
	v16 =	vand.u32 $0xF0F, v16  }
0x1d5: {  	v42 =	vsub.s32 v13, v36;
	v25 =	vand.u32 $0x1F, v37;
	v41 =	vshrl.u32 v16, $0x8  }
0x1d6: {  	vm0 =	vgt.s32 v25, v15;
	v25 =	vadd.s32 v26, v39;
	v28 =	vadd.s32 v16, v41  }
0x1d7: {  	v40 =	vsel vm0, $0x0, v0;
	v16 =	vsel vm14, v13, v42;
	v43 =	vand.u32 $0x1F, v28  }
0x1d8: {  	v25 =	vand.u32 $0x1F, v25;
	v44 =	vshll.u32 v7, v40;
	vm0 =	vgt.s32 v43, v16  }
0x1d9: {  	vm15 =	vgt.s32 v25, v22;
	v45 =	vadd.s32 $0xFFFFFFFF, v44;
	v26 =	vsel vm0, $0x0, v0  }
0x1da: {  	v46 =	vsel vm15, $0x0, v4;
	v25 =	vand.u32 v19, v45;
	v47 =	vshll.u32 v7, v26  }
0x1db: {  	v28 =	vor.u32 v30, v46;
	v48 =	vshrl.u32 v25, $0x1;
	v29 =	vadd.s32 $0xFFFFFFFF, v47  }
0x1dc: {  	v45 =	vor.u32 $0x80000000, v18;
	v30 =	vand.u32 $0x5555, v48;
	v29 =	vand.u32 v24, v29  }
0x1dd: {  	v49 =	vshll.u32 v4, v28;
	v25 =	vsub.s32 v25, v30;
	v50 =	vshrl.u32 v29, $0x1  }
0x1de: {  	v31 =	vadd.s32 $0xFFFFFFFF, v49;
	v51 =	vshrl.u32 v25, $0x2;
	v30 =	vand.u32 $0x5555, v50  }
0x1df: {  	v25 =	vand.u32 $0x3333, v25;
	v32 =	vand.u32 $0x3333, v51;
	v29 =	vsub.s32 v29, v30  }
0x1e0: {  	v31 =	vand.u32 v23, v31;
	v25 =	vadd.s32 v25, v32;
	v53 =	vshrl.u32 v29, $0x2  }
0x1e1: {  	v54 =	vshrl.u32 v25, $0x4;
	v29 =	vand.u32 $0x3333, v29;
	v32 =	vand.u32 $0x3333, v53  }
0x1e2: {  	v52 =	vshrl.u32 v31, $0x1;
	v25 =	vadd.s32 v25, v54;
	v29 =	vadd.s32 v29, v32  }
0x1e3: {  	v30 =	vand.u32 $0x5555, v52;
	v25 =	vand.u32 $0xF0F, v25;
	v55 =	vshrl.u32 v29, $0x4  }
0x1e4: {  	v30 =	vsub.s32 v31, v30;
	v57 =	vshrl.u32 v25, $0x8;
	v29 =	vadd.s32 v29, v55  }
0x1e5: {  	v56 =	vand.u32 $0x3333, v30;
	v25 =	vadd.s32 v25, v57;
	v29 =	vand.u32 $0xF0F, v29  }
0x1e6: {  	v30 =	vshrl.u32 v30, $0x2;
	v25 =	vand.u32 $0x1F, v25;
	v58 =	vshrl.u32 v29, $0x8  }
0x1e7: {  	v30 =	vand.u32 $0x3333, v30;
	vm4 =	vgt.s32 v25, v15;
	v59 =	vadd.s32 v29, v58  }
0x1e8: {  	v30 =	vadd.s32 v56, v30;
	v61 =	vsel vm4, $0x0, v4;
	v25 =	vand.u32 $0x1F, v59  }
0x1e9: {  	v60 =	vshrl.u32 v30, $0x4;
	v27 =	vor.u32 v40, v61;
	vm5 =	vgt.s32 v25, v16  }
0x1ea: {  	v29 =	vadd.s32 v30, v60;
	v63 =	vshll.u32 v4, v27;
	v33 =	vsel vm5, $0x0, v4  }
0x1eb: {  	v62 =	vand.u32 $0xF0F, v29;
	v29 =	vadd.s32 $0xFFFFFFFF, v63;
	v26 =	vor.u32 v26, v33  }
0x1ec: {  	v34 =	vshrl.u32 v62, $0x8;
	v29 =	vand.u32 v19, v29;
	v30 =	vshll.u32 v4, v26  }
0x1ed: {  	v25 =	vadd.s32 v62, v34;
	v35 =	vshrl.u32 v29, $0x1;
	v30 =	vadd.s32 $0xFFFFFFFF, v30  }
0x1ee: {  	(xrf0) =	vmin.scan.msk.u32 $0xffff, v45;
	v25 =	vand.u32 $0x1F, v25;
	v36 =	vand.u32 $0x5555, v35;
	v30 =	vand.u32 v24, v30  }
0x1ef: {  	vm6 =	vgt.s32 v25, v22;
	v25 =	vsub.s32 v29, v36;
	v38 =	vshrl.u32 v30, $0x1  }
0x1f0: {  	v21 =	vshll.u32 v21, $0x4;
	v39 =	vshrl.u32 v25, $0x2;
	v29 =	vand.u32 $0x5555, v38  }
0x1f1: {  	v25 =	vand.u32 $0x3333, v25;
	v31 =	vand.u32 $0x3333, v39;
	v29 =	vsub.s32 v30, v29  }
0x1f2: {  	vm13 =	vlt.s32 v14, v8;
	v25 =	vadd.s32 v25, v31;
	v41 =	vshrl.u32 v29, $0x2  }
0x1f3: {  	v42 =	vshrl.u32 v25, $0x4;
	v29 =	vand.u32 $0x3333, v29;
	v31 =	vand.u32 $0x3333, v41  }
0x1f4: {  	vm14 =	vlt.s32 v14, v10;
	v52, _, _ =	vpop (xrf0);
	v25 =	vadd.s32 v25, v42;
	v29 =	vadd.s32 v29, v31  }
0x1f5: {  	(v2sf) =	vpush v52, $0xF;
	v25 =	vand.u32 $0xF0F, v25;
	v43 =	vshrl.u32 v29, $0x4  }
0x1f6: {  	v37 =	vsel vm6, $0x0, v6;
	v44 =	vshrl.u32 v25, $0x8;
	v29 =	vadd.s32 v29, v43  }
0x1f7: {  	v28 =	vor.u32 v28, v37;
	v25 =	vadd.s32 v25, v44;
	v29 =	vand.u32 $0xF0F, v29  }
0x1f8: {  	v40 =	vshll.u32 v6, v28;
	v25 =	vand.u32 $0x1F, v25;
	v47 =	vshrl.u32 v29, $0x8  }
0x1f9: {  	v30 =	vadd.s32 $0xFFFFFFFF, v40;
	vm7 =	vgt.s32 v25, v15;
	v48 =	vadd.s32 v29, v47  }
0x1fa: {  	v23 =	vand.u32 v23, v30;
	v49 =	vsel vm7, $0x0, v6;
	v25 =	vand.u32 $0x1F, v48  }
0x1fb: {  	v46 =	vshrl.u32 v23, $0x1;
	v27 =	vor.u32 v27, v49;
	vm8 =	vgt.s32 v25, v16  }
0x1fc: {  	v30 =	vand.u32 $0x5555, v46;
	v50 =	vshll.u32 v6, v27;
	v51 =	vsel vm8, $0x0, v6  }
0x1fd: {  	v23 =	vsub.s32 v23, v30;
	v25 =	vadd.s32 $0xFFFFFFFF, v50;
	v26 =	vor.u32 v26, v51  }
0x1fe: {  	v30 =	vand.u32 $0x3333, v23;
	v19 =	vand.u32 v19, v25;
	v53 =	vshll.u32 v6, v26  }
0x1ff: {  	v23 =	vshrl.u32 v23, $0x2;
	v54 =	vshrl.u32 v19, $0x1;
	v25 =	vadd.s32 $0xFFFFFFFF, v53  }
0x200: {  	v23 =	vand.u32 $0x3333, v23;
	v29 =	vand.u32 $0x5555, v54;
	v24 =	vand.u32 v24, v25  }
0x201: {  	v23 =	vadd.s32 v30, v23;
	v19 =	vsub.s32 v19, v29;
	v25 =	vshrl.u32 v24, $0x1  }
0x202: {  	v30 =	vshrl.u32 v23, $0x4;
	v29 =	vshrl.u32 v19, $0x2;
	v25 =	vand.u32 $0x5555, v25  }
0x203: {  	v19 =	vand.u32 $0x3333, v19;
	v29 =	vand.u32 $0x3333, v29;
	v24 =	vsub.s32 v24, v25  }
0x204: {  	v23 =	vadd.s32 v23, v30;
	v19 =	vadd.s32 v19, v29;
	v56 =	vshrl.u32 v24, $0x2  }
0x205: {  	v57 =	vshrl.u32 v19, $0x4;
	v24 =	vand.u32 $0x3333, v24;
	v29 =	vand.u32 $0x3333, v56  }
0x206: {  	v23 =	vand.u32 $0xF0F, v23;
	v19 =	vadd.s32 v19, v57;
	v24 =	vadd.s32 v24, v29  }
0x207: {  	v55 =	vshrl.u32 v23, $0x8;
	v19 =	vand.u32 $0xF0F, v19;
	v58 =	vshrl.u32 v24, $0x4  }
0x208: {  	v23 =	vadd.s32 v23, v55;
	v59 =	vshrl.u32 v19, $0x8;
	v60 =	vadd.s32 v24, v58  }
0x209: {  	v23 =	vand.u32 $0x1F, v23;
	v19 =	vadd.s32 v19, v59;
	v62 =	vand.u32 $0xF0F, v60  }
0x20a: {  	s22 =	spop (v2sf);
	vm9 =	vle.s32 v23, v22;
	v19 =	vand.u32 $0x1F, v19;
	v23 =	vshrl.u32 v62, $0x8  }
0x20b: {  	v63 =	vshll.u32 v20, $0x4;
	s22 =	sxor.u32 $0x80000000, s22;
	vm10 =	vle.s32 v19, v15;
	v15 =	vadd.s32 v62, v23  }
0x20c: {  	s23 =	sand.u32 $0xF80, s20;
	v18 =	vsel vm12, s22, v18;
	v61 =	vsel vm9, $0x1, v3;
	v15 =	vand.u32 $0x1F, v15  }
0x20d: {  	s24 =	sand.u32 $0x40, s20;
	p0 =	sne.s32 s21, $0x3F;
	s23 =	sadd.s32 s23, s19;
	v17 =	vor.u32 v61, v17;
	v19 =	vsel vm10, $0x1, v3;
	vm11 =	vle.s32 v15, v16  }
.Ltmp7:
0x20e: {  	s23 =	sadd.s32 s24, s23;
	v17 =	vor.u32 v28, v17;
	v19 =	vor.u32 v19, v21;
	v16 =	vsel vm11, $0x1, v3;
	(pc) =	sbr.rel @p0 .LBB2_7-.Ltmp7, $4  }
0x20f: {  	[tilespmem:s23+$0x0] =	vst v18;
	v17 =	vsel vm13, s22, v17;
	v15 =	vor.u32 v27, v19;
	v16 =	vor.u32 v16, v63  }
0x210: {  	vm15 =	vlt.s32 v14, v12;
	[tilespmem:s23+$0x10] =	vst v17;
	v15 =	vsel vm14, s22, v15;
	v16 =	vor.u32 v26, v16  }
0x211: {  	[tilespmem:s23+$0x20] =	vst v15;
	v14 =	vsel vm15, s22, v16  }
0x212: {  	s20 =	sadd.s32 $0x40, s20;
	s21 =	sadd.s32 $0x1, s21;
	[tilespmem:s23+$0x30] =	vst v14  }
.Ltmp8:
0x213: {  	_ = 	snop;
	(pc) =	sbr.rel .LBB2_8-.Ltmp8, $1  }
0x214: {  	_ =	sdelay $0x3  }
.LBB2_10:
0x215: {  	_ =	sfence.sel $0x180000  }
0x216: {  	[bflag:$0x0] =	sbarrier.arrive $0xFFFF  }
0x217: {  	p0 =	sne.s32 s1, $0x0;
	_ =	strace $0x90000047  }
0x218: {  	s0 =	sadd.s32 @!p0 $0x100000, s0;
	[bflag:$0x2] =	sbarrier.arrive $0xFFFF  }
0x219: {  	[sflag:s0] =	ssyncadd.tile.s32 @!p0 $0x1;
	_ =	shalt  }
.Lfunc_end2:
_tile_overlayer_lowered:
.L_overlay_start_2:
0x21a: {  	(tag) =	ssettag $0x2  }
0x21b: {  	s0 =	rddreg [dreg:$0x0];
	s2 =	stileid.u32  }
0x21c: {  	s1 =	rddreg [dreg:$0x1];
	p0 =	sne.s32 s2, $0x0  }
0x21d: {  	s3 =	rddreg [dreg:$0x2];
	[bflag:$0x3] =	sbarrier.arrive $0xFFFF;
	s2 =	simm.s32 @!p0 $0x1C03  }
0x21e: {  	[timem:s3], [sflag:s2] =	dma.local @!p0 [hbm:s0], s1  }
0x21f: {  	s0 =	simm.s32 @!p0 $0x3  }
0x220: {  	_ =	swait.ge @!p0 [sflag:s0], s1  }
0x221: {  	s1 =	ssub.s32 @!p0 $0x0, s1;
	[sflag:s0] =	ssyncset.done @!p0 $0x0  }
0x222: {  	[sflag:s0] =	ssyncadd.s32 @!p0 s1  }
0x223: {  	[bflag:$0x3] =	sbarrier.arrive $0xFFFF  }
0x224: {  	_ =	shalt  }

</sc_bundles>
